<compile_context>
chip_gen: v7x
topology: tpu7x:2x2x1
jax: 0.10.2.dev20260603
libtpu: 0.0.44.dev20260713+nightly
codegen_flags: <defaults>
</compile_context>

<pallas_src>
import functools

import jax
import jax.numpy as jnp
from jax import lax
from jax.experimental import pallas as pl
from jax.experimental.pallas import tpu as pltpu
from jax.experimental.pallas import tpu_sc as plsc

N = 10000
E = 320000
D = 128

NC, NS = 2, 16
NW = NC * NS
C = 128
EPW = E // NW
NFULL = EPW // C
REM = EPW - NFULL * C
RPS = 632
RPS_LAST = N - RPS * (NS - 1)
NP = 10240


def _make_sc_agg_2deep(compute_cnt: bool):
    mesh = plsc.VectorSubcoreMesh(core_axis_name="c", subcore_axis_name="s")
    out_type = [jax.ShapeDtypeStruct((NC, N, D), jnp.float32)]
    if compute_cnt:
        out_type.append(jax.ShapeDtypeStruct((NC * NP,), jnp.float32))
    scratch = [
        pltpu.VMEM((EPW,), jnp.int32),
        pltpu.VMEM((C,), jnp.int32),
        pltpu.VMEM((C,), jnp.int32),
        pltpu.VMEM((C, D), jnp.float32),
        pltpu.VMEM((C, D), jnp.float32),
        pltpu.VMEM((REM,), jnp.int32),
        pltpu.VMEM((REM,), jnp.int32),
        pltpu.VMEM((REM, D), jnp.float32),
        pltpu.VMEM((C,), jnp.float32),
        pltpu.VMEM_SHARED((N, D), jnp.float32),
        pltpu.VMEM_SHARED((NP,), jnp.float32),
        pltpu.SemaphoreType.DMA,
        pltpu.SemaphoreType.DMA,
        pltpu.SemaphoreType.DMA,
        pltpu.SemaphoreType.DMA,
        pltpu.SemaphoreType.DMA,
        pltpu.SemaphoreType.DMA,
        pltpu.SemaphoreType.DMA,
    ]

    @functools.partial(pl.kernel, mesh=mesh, out_type=out_type,
                       scratch_types=scratch)
    def sc_agg(x_hbm, src_hbm, dst_hbm, zrows_hbm, zcnt_hbm, *refs):
        if compute_cnt:
            agg_out, cnt_out = refs[0], refs[1]
            refs = refs[2:]
        else:
            agg_out = refs[0]
            refs = refs[1:]
        (srcall_v, dstA_v, dstB_v, rowsA_v, rowsB_v, srct_v, dstt_v,
         rowst_v, ones_v, agg_sh, cnt_sh, gsem, ssemA, ssemB, csemA, csemB,
         isemA, isemB) = refs

        cid = lax.axis_index("c")
        sid = lax.axis_index("s")
        wid = cid * NS + sid

        @pl.when(sid < NS - 1)
        def _():
            pltpu.sync_copy(zrows_hbm.at[pl.ds(sid * RPS, RPS)],
                            agg_sh.at[pl.ds(sid * RPS, RPS)])

        @pl.when(sid == NS - 1)
        def _():
            pltpu.sync_copy(zrows_hbm.at[pl.ds((NS - 1) * RPS, RPS_LAST)],
                            agg_sh.at[pl.ds((NS - 1) * RPS, RPS_LAST)])
        if compute_cnt:
            @pl.when(sid == 0)
            def _():
                pltpu.sync_copy(zcnt_hbm, cnt_sh)
            for i in range(C // 16):
                ones_v[pl.ds(i * 16, 16)] = jnp.ones((16,), jnp.float32)
        plsc.subcore_barrier()

        base = wid * EPW
        pltpu.sync_copy(src_hbm.at[pl.ds(base, EPW)], srcall_v)

        def wait_gather():
            pltpu.make_async_copy(x_hbm.at[pl.ds(0, C)], rowsA_v, gsem).wait()

        def wait_scatter(ssem):
            pltpu.make_async_copy(x_hbm.at[pl.ds(0, C)], rowsA_v, ssem).wait()

        def wait_cnt(csem):
            pltpu.make_async_copy(zcnt_hbm.at[pl.ds(0, C)], ones_v,
                                  csem).wait()

        def wait_idx(isem):
            pltpu.make_async_copy(dst_hbm.at[pl.ds(0, C)], dstA_v,
                                  isem).wait()

        def issue_idx(t, dst_v, isem):
            pltpu.async_copy(dst_hbm.at[pl.ds(base + t * C, C)], dst_v, isem)

        def issue_gather(t, rows_v):
            pltpu.async_copy(x_hbm.at[srcall_v.at[pl.ds(t * C, C)]], rows_v,
                             gsem)

        def issue_scatter(rows_v, dst_v, ssem, csem):
            pltpu.async_copy(rows_v, agg_sh.at[dst_v], ssem, add=True)
            if compute_cnt:
                pltpu.async_copy(ones_v, cnt_sh.at[dst_v], csem, add=True)

        issue_idx(0, dstA_v, isemA)
        issue_gather(0, rowsA_v)

        def body(g, carry):
            t = 2 * g

            @pl.when(g > 0)
            def _():
                wait_scatter(ssemB)
                if compute_cnt:
                    wait_cnt(csemB)
            issue_idx(t + 1, dstB_v, isemB)
            issue_gather(t + 1, rowsB_v)
            wait_gather()
            wait_idx(isemA)
            issue_scatter(rowsA_v, dstA_v, ssemA, csemA)

            wait_gather()
            wait_scatter(ssemA)
            if compute_cnt:
                wait_cnt(csemA)

            @pl.when(g < NFULL // 2 - 1)
            def _():
                issue_idx(t + 2, dstA_v, isemA)
                issue_gather(t + 2, rowsA_v)
            wait_idx(isemB)
            issue_scatter(rowsB_v, dstB_v, ssemB, csemB)
            return carry

        lax.fori_loop(0, NFULL // 2, body, 0)
        wait_scatter(ssemB)
        if compute_cnt:
            wait_cnt(csemB)

        off = base + NFULL * C
        pltpu.sync_copy(src_hbm.at[pl.ds(off, REM)], srct_v)
        pltpu.sync_copy(dst_hbm.at[pl.ds(off, REM)], dstt_v)
        pltpu.sync_copy(x_hbm.at[srct_v], rowst_v)
        pltpu.sync_copy(rowst_v, agg_sh.at[dstt_v], add=True)
        if compute_cnt:
            pltpu.sync_copy(ones_v.at[pl.ds(0, REM)], cnt_sh.at[dstt_v],
                            add=True)

        plsc.subcore_barrier()

        @pl.when(sid < NS - 1)
        def _():
            pltpu.sync_copy(agg_sh.at[pl.ds(sid * RPS, RPS)],
                            agg_out.at[cid].at[pl.ds(sid * RPS, RPS)])

        @pl.when(sid == NS - 1)
        def _():
            pltpu.sync_copy(agg_sh.at[pl.ds((NS - 1) * RPS, RPS_LAST)],
                            agg_out.at[cid].at[pl.ds((NS - 1) * RPS, RPS_LAST)])

        if compute_cnt:
            @pl.when(sid == 0)
            def _():
                pltpu.sync_copy(cnt_sh, cnt_out.at[pl.ds(cid * NP, NP)])

    return sc_agg


def _make_sc_agg_3deep(compute_cnt: bool):
    mesh = plsc.VectorSubcoreMesh(core_axis_name="c", subcore_axis_name="s")
    out_type = [jax.ShapeDtypeStruct((NC, N, D), jnp.float32)]
    if compute_cnt:
        out_type.append(jax.ShapeDtypeStruct((NC * NP,), jnp.float32))
    scratch = [
        [pltpu.VMEM((C, D), jnp.float32) for _ in range(3)],
        [pltpu.VMEM((C,), jnp.int32) for _ in range(6)],
        [pltpu.VMEM((C,), jnp.int32) for _ in range(6)],
        pltpu.VMEM((REM,), jnp.int32),
        pltpu.VMEM((REM,), jnp.int32),
        pltpu.VMEM((C,), jnp.float32),
        pltpu.VMEM_SHARED((N, D), jnp.float32),
        pltpu.VMEM_SHARED((NP,), jnp.float32),
        pltpu.SemaphoreType.DMA,
        pltpu.SemaphoreType.DMA,
        pltpu.SemaphoreType.DMA,
        pltpu.SemaphoreType.DMA,
        pltpu.SemaphoreType.DMA,
    ]

    @functools.partial(pl.kernel, mesh=mesh, out_type=out_type,
                       scratch_types=scratch)
    def sc_agg(x_hbm, src_hbm, dst_hbm, zrows_hbm, zcnt_hbm, *refs):
        if compute_cnt:
            agg_out, cnt_out = refs[0], refs[1]
            refs = refs[2:]
        else:
            agg_out = refs[0]
            refs = refs[1:]
        (rows, srci, dsti, srct_v, dstt_v, ones_v,
         agg_sh, cnt_sh, gsem, isemS, isemD, ssem, csem) = refs

        cid = lax.axis_index("c")
        sid = lax.axis_index("s")
        wid = cid * NS + sid

        @pl.when(sid < NS - 1)
        def _():
            pltpu.sync_copy(zrows_hbm.at[pl.ds(sid * RPS, RPS)],
                            agg_sh.at[pl.ds(sid * RPS, RPS)])

        @pl.when(sid == NS - 1)
        def _():
            pltpu.sync_copy(zrows_hbm.at[pl.ds((NS - 1) * RPS, RPS_LAST)],
                            agg_sh.at[pl.ds((NS - 1) * RPS, RPS_LAST)])
        if compute_cnt:
            @pl.when(sid == 0)
            def _():
                pltpu.sync_copy(zcnt_hbm, cnt_sh)
            for i in range(C // 16):
                ones_v[pl.ds(i * 16, 16)] = jnp.ones((16,), jnp.float32)
        plsc.subcore_barrier()

        base = wid * EPW
        NB = NFULL // 6

        def wait_sem(sem, ref):
            pltpu.make_async_copy(x_hbm.at[pl.ds(0, C)], ref, sem).wait()

        def wait_idx(isem, ref):
            pltpu.make_async_copy(dst_hbm.at[pl.ds(0, C)], ref, isem).wait()

        def wait_cnt():
            pltpu.make_async_copy(zcnt_hbm.at[pl.ds(0, C)], ones_v,
                                  csem).wait()

        def issue_idx(t, ii):
            pltpu.async_copy(src_hbm.at[pl.ds(base + t * C, C)], srci[ii],
                             isemS)
            pltpu.async_copy(dst_hbm.at[pl.ds(base + t * C, C)], dsti[ii],
                             isemD)

        def issue_gather(ii, ri):
            wait_idx(isemS, srci[0])
            pltpu.async_copy(x_hbm.at[srci[ii]], rows[ri], gsem)

        def issue_scatter(ii, ri):
            wait_idx(isemD, dsti[0])
            pltpu.async_copy(rows[ri], agg_sh.at[dsti[ii]], ssem, add=True)
            if compute_cnt:
                pltpu.async_copy(ones_v, cnt_sh.at[dsti[ii]], csem, add=True)

        for t in range(4):
            issue_idx(t, t)
        issue_gather(0, 0)
        issue_gather(1, 1)

        def body(j, carry):
            t0 = 6 * j
            for i in range(6):
                t = t0 + i
                ri = i % 3
                wait_sem(gsem, rows[0])

                def drain():
                    wait_sem(ssem, rows[0])
                    if compute_cnt:
                        wait_cnt()
                if i > 0:
                    drain()
                else:
                    pl.when(j > 0)(drain)

                if i <= 1:
                    issue_idx(t + 4, i + 4)
                else:
                    pl.when(j < NB - 1)(lambda t=t, sl=(i + 4) % 6:
                                        issue_idx(t + 4, sl))
                if i <= 3:
                    issue_gather((i + 2) % 6, (i + 2) % 3)
                else:
                    pl.when(j < NB - 1)(lambda sl=(i + 2) % 6, rn=(i + 2) % 3:
                                        issue_gather(sl, rn))
                issue_scatter(i, ri)
            return carry

        lax.fori_loop(0, NB, body, 0)
        wait_sem(ssem, rows[0])
        if compute_cnt:
            wait_cnt()

        off = base + NFULL * C
        pltpu.sync_copy(src_hbm.at[pl.ds(off, REM)], srct_v)
        pltpu.sync_copy(dst_hbm.at[pl.ds(off, REM)], dstt_v)
        rowst_v = rows[0].at[pl.ds(0, REM)]
        pltpu.sync_copy(x_hbm.at[srct_v], rowst_v)
        pltpu.sync_copy(rowst_v, agg_sh.at[dstt_v], add=True)
        if compute_cnt:
            pltpu.sync_copy(ones_v.at[pl.ds(0, REM)], cnt_sh.at[dstt_v],
                            add=True)

        plsc.subcore_barrier()

        @pl.when(sid < NS - 1)
        def _():
            pltpu.sync_copy(agg_sh.at[pl.ds(sid * RPS, RPS)],
                            agg_out.at[cid].at[pl.ds(sid * RPS, RPS)])

        @pl.when(sid == NS - 1)
        def _():
            pltpu.sync_copy(agg_sh.at[pl.ds((NS - 1) * RPS, RPS_LAST)],
                            agg_out.at[cid].at[pl.ds((NS - 1) * RPS, RPS_LAST)])

        if compute_cnt:
            @pl.when(sid == 0)
            def _():
                pltpu.sync_copy(cnt_sh, cnt_out.at[pl.ds(cid * NP, NP)])

    return sc_agg


_sc_agg_cnt = _make_sc_agg_2deep(True)
_sc_agg_nocnt = _make_sc_agg_3deep(False)

TT = 1000


def _dense_r_body(x_ref, wr_ref, bl_ref, o_ref):
    acc = lax.dot_general(x_ref[...], wr_ref[...],
                          dimension_numbers=(((1,), (1,)), ((), ())),
                          preferred_element_type=jnp.float32)
    o_ref[...] = acc + bl_ref[...]


_dense_r = pl.pallas_call(
    _dense_r_body,
    grid=(N // TT,),
    in_specs=[
        pl.BlockSpec((TT, D), lambda i: (i, 0)),
        pl.BlockSpec((D, D), lambda i: (0, 0)),
        pl.BlockSpec((1, D), lambda i: (0, 0)),
    ],
    out_specs=pl.BlockSpec((TT, D), lambda i: (i, 0)),
    out_shape=jax.ShapeDtypeStruct((N, D), jnp.float32),
)


def _dense_l_body(p_ref, cnt_ref, xr_ref, wl_ref, one_ref, o_ref):
    cnt = cnt_ref[0] + cnt_ref[1]
    mean = (p_ref[0] + p_ref[1]) / jnp.maximum(cnt, 1.0)
    acc = lax.dot_general(mean, wl_ref[...],
                          dimension_numbers=(((1,), (1,)), ((), ())),
                          preferred_element_type=jnp.float32)
    acc += xr_ref[...]
    o_ref[...] = jnp.maximum(acc, 0.0) * one_ref[0, 0]


_dense_l = pl.pallas_call(
    _dense_l_body,
    grid=(N // TT,),
    in_specs=[
        pl.BlockSpec((NC, TT, D), lambda i: (0, i, 0)),
        pl.BlockSpec((NC, TT, 1), lambda i: (0, i, 0)),
        pl.BlockSpec((TT, D), lambda i: (i, 0)),
        pl.BlockSpec((D, D), lambda i: (0, 0)),
        pl.BlockSpec((1, 1), lambda i: (0, 0)),
    ],
    out_specs=pl.BlockSpec((TT, D), lambda i: (i, 0)),
    out_shape=jax.ShapeDtypeStruct((N, D), jnp.float32),
)


def kernel(x, edge_index, W_l1, b_l1, W_r1, W_l2, b_l2, W_r2, batch_size,
           framework):
    src = edge_index[0].astype(jnp.int32)
    dst = edge_index[1].astype(jnp.int32)
    zrows = jnp.zeros((N, D), jnp.float32)
    zcnt = jnp.zeros((NP,), jnp.float32)
    one = jnp.asarray(framework * (batch_size - batch_size + 1),
                      dtype=jnp.float32).reshape(1, 1)
    unit = jnp.ones((1, 1), jnp.float32)

    xr1 = _dense_r(x, W_r1, b_l1.reshape(1, D))
    agg1, cnt = _sc_agg_cnt(x, src, dst, zrows, zcnt)
    cnt3 = cnt.reshape(NC, NP, 1)[:, :N, :]
    h = _dense_l(agg1, cnt3, xr1, W_l1, unit)
    xr2 = _dense_r(h, W_r2, b_l2.reshape(1, D))
    (agg2,) = _sc_agg_nocnt(h, src, dst, zrows, zcnt)
    out = _dense_l(agg2, cnt3, xr2, W_l2, one)
    return out

# --- scband reference (transcript-rebuilt; emitter-appended) ---
"""Pipeline reference for scband-encoder-without-flex-fronts-graphsage-26139170964034 (READ-ONLY COPY).

The authoritative reference and input builder live on the scoring server;
editing this copy changes nothing except your own understanding.
"""

import jax, jax.numpy as jnp
import numpy as np

N_NODES = 10000
N_EDGES = 320000
D = 128

def setup_inputs(seed: int = 0) -> dict:
    key = jax.random.key(seed)
    ks = jax.random.split(key, 8)
    x = jax.random.normal(ks[0], (N_NODES, D), dtype=jnp.float32)
    edge_index = jax.random.randint(ks[1], (2, N_EDGES), 0, N_NODES, dtype=jnp.int64) if jax.config.jax_enable_x64 else jax.random.randint(ks[1], (2, N_EDGES), 0, N_NODES).astype(jnp.int32)
    s = 1.0 / np.sqrt(D)
    W_l1 = jax.random.uniform(ks[2], (D, D), minval=-s, maxval=s, dtype=jnp.float32)
    b_l1 = jnp.zeros((D,), dtype=jnp.float32)
    W_r1 = jax.random.uniform(ks[3], (D, D), minval=-s, maxval=s, dtype=jnp.float32)
    W_l2 = jax.random.uniform(ks[4], (D, D), minval=-s, maxval=s, dtype=jnp.float32)
    b_l2 = jnp.zeros((D,), dtype=jnp.float32)
    W_r2 = jax.random.uniform(ks[5], (D, D), minval=-s, maxval=s, dtype=jnp.float32)
    return {"x": x, "edge_index": edge_index, "W_l1": W_l1, "b_l1": b_l1, "W_r1": W_r1, "W_l2": W_l2, "b_l2": b_l2, "W_r2": W_r2, "batch_size": 1024, "framework": 1}

def _sage_conv(x, edge_index, W_l, b_l, W_r):
    # PyG SAGEConv with mean aggregation: out = lin_l(mean_j x_j) + lin_r(x)
    src = edge_index[0]
    dst = edge_index[1]
    n = x.shape[0]
    msgs = jnp.take(x, src, axis=0)                      # gather (memory-bound)
    agg = jax.ops.segment_sum(msgs, dst, num_segments=n) # scatter-add
    cnt = jax.ops.segment_sum(jnp.ones((src.shape[0],), dtype=x.dtype), dst, num_segments=n)
    agg = agg / jnp.clip(cnt, 1.0, None)[:, None]        # mean
    return agg @ W_l.T + b_l + x @ W_r.T

def reference(x, edge_index, W_l1, b_l1, W_r1, W_l2, b_l2, W_r2, batch_size, framework):
    h = jax.nn.relu(_sage_conv(x, edge_index, W_l1, b_l1, W_r1))
    h = jax.nn.relu(_sage_conv(h, edge_index, W_l2, b_l2, W_r2))
    one = jnp.asarray(framework * (batch_size - batch_size + 1), dtype=h.dtype)
    return h * one

if __name__ == "__main__":
    import jax
    _d = setup_inputs()
    print(jax.jit(kernel)(*tuple(_d.values())))

</pallas_src>

<mosaic_0001>
#map = affine_map<(d0, d1) -> (0, 0)>
#map1 = affine_map<(d0, d1) -> (0)>
#map2 = affine_map<(d0, d1) -> (0, 0, 0)>
module attributes {stable_mosaic.version = 14 : i64} {
  func.func @sc_agg(%arg0: i32, %arg1: i32, %arg2: memref<10000x128xf32, #tpu.memory_space<hbm>>, %arg3: memref<320000xi32, #tpu.memory_space<hbm>>, %arg4: memref<320000xi32, #tpu.memory_space<hbm>>, %arg5: memref<10000x128xf32, #tpu.memory_space<hbm>>, %arg6: memref<10240xf32, #tpu.memory_space<hbm>>, %arg7: memref<2x10000x128xf32, #tpu.memory_space<hbm>>, %arg8: memref<20480xf32, #tpu.memory_space<hbm>>, %arg9: memref<10000xi32, #tpu.memory_space<vmem>>, %arg10: memref<128xi32, #tpu.memory_space<vmem>>, %arg11: memref<128xi32, #tpu.memory_space<vmem>>, %arg12: memref<128x128xf32, #tpu.memory_space<vmem>>, %arg13: memref<128x128xf32, #tpu.memory_space<vmem>>, %arg14: memref<16xi32, #tpu.memory_space<vmem>>, %arg15: memref<16xi32, #tpu.memory_space<vmem>>, %arg16: memref<16x128xf32, #tpu.memory_space<vmem>>, %arg17: memref<128xf32, #tpu.memory_space<vmem>>, %arg18: memref<10000x128xf32, #tpu.memory_space<vmem_shared>>, %arg19: memref<10240xf32, #tpu.memory_space<vmem_shared>>, %arg20: memref<!tpu.dma_semaphore, #tpu.memory_space<semaphore_mem>>, %arg21: memref<!tpu.dma_semaphore, #tpu.memory_space<semaphore_mem>>, %arg22: memref<!tpu.dma_semaphore, #tpu.memory_space<semaphore_mem>>, %arg23: memref<!tpu.dma_semaphore, #tpu.memory_space<semaphore_mem>>, %arg24: memref<!tpu.dma_semaphore, #tpu.memory_space<semaphore_mem>>, %arg25: memref<!tpu.dma_semaphore, #tpu.memory_space<semaphore_mem>>, %arg26: memref<!tpu.dma_semaphore, #tpu.memory_space<semaphore_mem>>) attributes {dimension_semantics = [#tpu.dimension_semantics<core_parallel>, #tpu.dimension_semantics<subcore_parallel>], iteration_bounds = array<i64: 2, 16>, scalar_prefetch = 0 : i64, scratch_operands = 18 : i64, tpu.core_type = #tpu.core_type<sc_vector_subcore>, window_params = [{transform_indices = #map}, {transform_indices = #map1}, {transform_indices = #map1}, {transform_indices = #map}, {transform_indices = #map1}, {transform_indices = #map2}, {transform_indices = #map1}]} {
    %mul3A = arith.constant 16 : i32
    %mul3A_0 = arith.muli %arg0, %mul3A : i32
    %add3A = arith.addi %mul3A_0, %arg1 : i32
    %lt3A = arith.constant 15 : i32
    %lt3A_1 = arith.cmpi slt, %arg1, %lt3A : i32
    %convert_element_type3A = arith.extui %lt3A_1 : i1 to i32
    %cond3A = arith.constant 0 : i32
    %cond3A_2 = arith.cmpi ne, %convert_element_type3A, %cond3A : i32
    scf.if %cond3A_2 {
      %mul3A_100 = arith.constant 632 : i32
      %mul3A_101 = arith.muli %arg1, %mul3A_100 : i32
      %mul3A_102 = arith.constant 632 : i32
      %mul3A_103 = arith.muli %arg1, %mul3A_102 : i32
      "tpu.region"() ({
        %run_scoped3A = tpu.sem_alloc : memref<!tpu.dma_semaphore, #tpu.memory_space<semaphore_mem>>
        %dma_start3A_104 = arith.constant 0 : i32
        %dma_start3A_105 = tpu.memref_slice %arg18[%mul3A_103, %dma_start3A_104] : memref<10000x128xf32, #tpu.memory_space<vmem_shared>> -> memref<632x128xf32, #tpu.memory_space<vmem_shared>>
        %dma_start3A_106 = arith.constant 0 : i32
        %dma_start3A_107 = tpu.memref_slice %arg5[%mul3A_101, %dma_start3A_106] : memref<10000x128xf32, #tpu.memory_space<hbm>> -> memref<632x128xf32, #tpu.memory_space<hbm>>
        tpu.enqueue_dma source(%dma_start3A_107 : memref<632x128xf32, #tpu.memory_space<hbm>>) target(%dma_start3A_105 : memref<632x128xf32, #tpu.memory_space<vmem_shared>>) target_semaphore(%run_scoped3A : memref<!tpu.dma_semaphore, #tpu.memory_space<semaphore_mem>>)
        %dma_wait3A_108 = arith.constant 0 : i32
        %dma_wait3A_109 = tpu.memref_slice %arg18[%mul3A_103, %dma_wait3A_108] : memref<10000x128xf32, #tpu.memory_space<vmem_shared>> -> memref<632x128xf32, #tpu.memory_space<vmem_shared>>
        %dma_wait3A_110 = arith.constant 0 : i32
        %dma_wait3A_111 = tpu.memref_slice %arg5[%mul3A_101, %dma_wait3A_110] : memref<10000x128xf32, #tpu.memory_space<hbm>> -> memref<632x128xf32, #tpu.memory_space<hbm>>
        tpu.wait_dma2 semaphore(%run_scoped3A : memref<!tpu.dma_semaphore, #tpu.memory_space<semaphore_mem>>) src(%dma_wait3A_111 : memref<632x128xf32, #tpu.memory_space<hbm>>) dst(%dma_wait3A_109 : memref<632x128xf32, #tpu.memory_space<vmem_shared>>)
        tpu.yield
      }) : () -> ()
    } else {
    }
    %eq3A = arith.constant 15 : i32
    %eq3A_3 = arith.cmpi eq, %arg1, %eq3A : i32
    %convert_element_type3A_4 = arith.extui %eq3A_3 : i1 to i32
    %cond3A_5 = arith.constant 0 : i32
    %cond3A_6 = arith.cmpi ne, %convert_element_type3A_4, %cond3A_5 : i32
    scf.if %cond3A_6 {
      "tpu.region"() ({
        %run_scoped3A = tpu.sem_alloc : memref<!tpu.dma_semaphore, #tpu.memory_space<semaphore_mem>>
        %dma_start3A_100 = arith.constant 9480 : i32
        %dma_start3A_101 = arith.constant 0 : i32
        %dma_start3A_102 = tpu.memref_slice %arg18[%dma_start3A_100, %dma_start3A_101] : memref<10000x128xf32, #tpu.memory_space<vmem_shared>> -> memref<520x128xf32, #tpu.memory_space<vmem_shared>>
        %dma_start3A_103 = arith.constant 9480 : i32
        %dma_start3A_104 = arith.constant 0 : i32
        %dma_start3A_105 = tpu.memref_slice %arg5[%dma_start3A_103, %dma_start3A_104] : memref<10000x128xf32, #tpu.memory_space<hbm>> -> memref<520x128xf32, #tpu.memory_space<hbm>>
        tpu.enqueue_dma source(%dma_start3A_105 : memref<520x128xf32, #tpu.memory_space<hbm>>) target(%dma_start3A_102 : memref<520x128xf32, #tpu.memory_space<vmem_shared>>) target_semaphore(%run_scoped3A : memref<!tpu.dma_semaphore, #tpu.memory_space<semaphore_mem>>)
        %dma_wait3A_106 = arith.constant 9480 : i32
        %dma_wait3A_107 = arith.constant 0 : i32
        %dma_wait3A_108 = tpu.memref_slice %arg18[%dma_wait3A_106, %dma_wait3A_107] : memref<10000x128xf32, #tpu.memory_space<vmem_shared>> -> memref<520x128xf32, #tpu.memory_space<vmem_shared>>
        %dma_wait3A_109 = arith.constant 9480 : i32
        %dma_wait3A_110 = arith.constant 0 : i32
        %dma_wait3A_111 = tpu.memref_slice %arg5[%dma_wait3A_109, %dma_wait3A_110] : memref<10000x128xf32, #tpu.memory_space<hbm>> -> memref<520x128xf32, #tpu.memory_space<hbm>>
        tpu.wait_dma2 semaphore(%run_scoped3A : memref<!tpu.dma_semaphore, #tpu.memory_space<semaphore_mem>>) src(%dma_wait3A_111 : memref<520x128xf32, #tpu.memory_space<hbm>>) dst(%dma_wait3A_108 : memref<520x128xf32, #tpu.memory_space<vmem_shared>>)
        tpu.yield
      }) : () -> ()
    } else {
    }
    %eq3A_7 = arith.constant 0 : i32
    %eq3A_8 = arith.cmpi eq, %arg1, %eq3A_7 : i32
    %convert_element_type3A_9 = arith.extui %eq3A_8 : i1 to i32
    %cond3A_10 = arith.constant 0 : i32
    %cond3A_11 = arith.cmpi ne, %convert_element_type3A_9, %cond3A_10 : i32
    scf.if %cond3A_11 {
      "tpu.region"() ({
        %run_scoped3A = tpu.sem_alloc : memref<!tpu.dma_semaphore, #tpu.memory_space<semaphore_mem>>
        tpu.enqueue_dma source(%arg6 : memref<10240xf32, #tpu.memory_space<hbm>>) target(%arg19 : memref<10240xf32, #tpu.memory_space<vmem_shared>>) target_semaphore(%run_scoped3A : memref<!tpu.dma_semaphore, #tpu.memory_space<semaphore_mem>>)
        tpu.wait_dma2 semaphore(%run_scoped3A : memref<!tpu.dma_semaphore, #tpu.memory_space<semaphore_mem>>) src(%arg6 : memref<10240xf32, #tpu.memory_space<hbm>>) dst(%arg19 : memref<10240xf32, #tpu.memory_space<vmem_shared>>)
        tpu.yield
      }) : () -> ()
    } else {
    }
    %broadcast_in_dim3A = arith.constant 1.000000e+00 : f32
    %broadcast_in_dim3A_12 = vector.broadcast %broadcast_in_dim3A : f32 to vector<16xf32>
    %swap3A = arith.constant 0 : index
    %swap3A_13 = tpu.vector_load %arg17[%swap3A] {strides = array<i32>} : memref<128xf32, #tpu.memory_space<vmem>>, vector<16xf32>,
    %swap3A_14 = vector.shape_cast %swap3A_13 : vector<16xf32> to vector<16xf32>
    %swap3A_15 = vector.shape_cast %broadcast_in_dim3A_12 : vector<16xf32> to vector<16xf32>
    tpu.vector_store %arg17[%swap3A], %swap3A_15 {strides = array<i32>} : memref<128xf32, #tpu.memory_space<vmem>>, vector<16xf32>,
    %broadcast_in_dim3A_16 = arith.constant 1.000000e+00 : f32
    %broadcast_in_dim3A_17 = vector.broadcast %broadcast_in_dim3A_16 : f32 to vector<16xf32>
    %swap3A_18 = arith.constant 16 : index
    %swap3A_19 = tpu.vector_load %arg17[%swap3A_18] {strides = array<i32>} : memref<128xf32, #tpu.memory_space<vmem>>, vector<16xf32>,
    %swap3A_20 = vector.shape_cast %swap3A_19 : vector<16xf32> to vector<16xf32>
    %swap3A_21 = vector.shape_cast %broadcast_in_dim3A_17 : vector<16xf32> to vector<16xf32>
    tpu.vector_store %arg17[%swap3A_18], %swap3A_21 {strides = array<i32>} : memref<128xf32, #tpu.memory_space<vmem>>, vector<16xf32>,
    %broadcast_in_dim3A_22 = arith.constant 1.000000e+00 : f32
    %broadcast_in_dim3A_23 = vector.broadcast %broadcast_in_dim3A_22 : f32 to vector<16xf32>
    %swap3A_24 = arith.constant 32 : index
    %swap3A_25 = tpu.vector_load %arg17[%swap3A_24] {strides = array<i32>} : memref<128xf32, #tpu.memory_space<vmem>>, vector<16xf32>,
    %swap3A_26 = vector.shape_cast %swap3A_25 : vector<16xf32> to vector<16xf32>
    %swap3A_27 = vector.shape_cast %broadcast_in_dim3A_23 : vector<16xf32> to vector<16xf32>
    tpu.vector_store %arg17[%swap3A_24], %swap3A_27 {strides = array<i32>} : memref<128xf32, #tpu.memory_space<vmem>>, vector<16xf32>,
    %broadcast_in_dim3A_28 = arith.constant 1.000000e+00 : f32
    %broadcast_in_dim3A_29 = vector.broadcast %broadcast_in_dim3A_28 : f32 to vector<16xf32>
    %swap3A_30 = arith.constant 48 : index
    %swap3A_31 = tpu.vector_load %arg17[%swap3A_30] {strides = array<i32>} : memref<128xf32, #tpu.memory_space<vmem>>, vector<16xf32>,
    %swap3A_32 = vector.shape_cast %swap3A_31 : vector<16xf32> to vector<16xf32>
    %swap3A_33 = vector.shape_cast %broadcast_in_dim3A_29 : vector<16xf32> to vector<16xf32>
    tpu.vector_store %arg17[%swap3A_30], %swap3A_33 {strides = array<i32>} : memref<128xf32, #tpu.memory_space<vmem>>, vector<16xf32>,
    %broadcast_in_dim3A_34 = arith.constant 1.000000e+00 : f32
    %broadcast_in_dim3A_35 = vector.broadcast %broadcast_in_dim3A_34 : f32 to vector<16xf32>
    %swap3A_36 = arith.constant 64 : index
    %swap3A_37 = tpu.vector_load %arg17[%swap3A_36] {strides = array<i32>} : memref<128xf32, #tpu.memory_space<vmem>>, vector<16xf32>,
    %swap3A_38 = vector.shape_cast %swap3A_37 : vector<16xf32> to vector<16xf32>
    %swap3A_39 = vector.shape_cast %broadcast_in_dim3A_35 : vector<16xf32> to vector<16xf32>
    tpu.vector_store %arg17[%swap3A_36], %swap3A_39 {strides = array<i32>} : memref<128xf32, #tpu.memory_space<vmem>>, vector<16xf32>,
    %broadcast_in_dim3A_40 = arith.constant 1.000000e+00 : f32
    %broadcast_in_dim3A_41 = vector.broadcast %broadcast_in_dim3A_40 : f32 to vector<16xf32>
    %swap3A_42 = arith.constant 80 : index
    %swap3A_43 = tpu.vector_load %arg17[%swap3A_42] {strides = array<i32>} : memref<128xf32, #tpu.memory_space<vmem>>, vector<16xf32>,
    %swap3A_44 = vector.shape_cast %swap3A_43 : vector<16xf32> to vector<16xf32>
    %swap3A_45 = vector.shape_cast %broadcast_in_dim3A_41 : vector<16xf32> to vector<16xf32>
    tpu.vector_store %arg17[%swap3A_42], %swap3A_45 {strides = array<i32>} : memref<128xf32, #tpu.memory_space<vmem>>, vector<16xf32>,
    %broadcast_in_dim3A_46 = arith.constant 1.000000e+00 : f32
    %broadcast_in_dim3A_47 = vector.broadcast %broadcast_in_dim3A_46 : f32 to vector<16xf32>
    %swap3A_48 = arith.constant 96 : index
    %swap3A_49 = tpu.vector_load %arg17[%swap3A_48] {strides = array<i32>} : memref<128xf32, #tpu.memory_space<vmem>>, vector<16xf32>,
    %swap3A_50 = vector.shape_cast %swap3A_49 : vector<16xf32> to vector<16xf32>
    %swap3A_51 = vector.shape_cast %broadcast_in_dim3A_47 : vector<16xf32> to vector<16xf32>
    tpu.vector_store %arg17[%swap3A_48], %swap3A_51 {strides = array<i32>} : memref<128xf32, #tpu.memory_space<vmem>>, vector<16xf32>,
    %broadcast_in_dim3A_52 = arith.constant 1.000000e+00 : f32
    %broadcast_in_dim3A_53 = vector.broadcast %broadcast_in_dim3A_52 : f32 to vector<16xf32>
    %swap3A_54 = arith.constant 112 : index
    %swap3A_55 = tpu.vector_load %arg17[%swap3A_54] {strides = array<i32>} : memref<128xf32, #tpu.memory_space<vmem>>, vector<16xf32>,
    %swap3A_56 = vector.shape_cast %swap3A_55 : vector<16xf32> to vector<16xf32>
    %swap3A_57 = vector.shape_cast %broadcast_in_dim3A_53 : vector<16xf32> to vector<16xf32>
    tpu.vector_store %arg17[%swap3A_54], %swap3A_57 {strides = array<i32>} : memref<128xf32, #tpu.memory_space<vmem>>, vector<16xf32>,
    %barrier3A = arith.constant 0 : index
    tpu.barrier barrier_id(%barrier3A)
    %mul3A_58 = arith.constant 10000 : i32
    %mul3A_59 = arith.muli %add3A, %mul3A_58 : i32
    "tpu.region"() ({
      %run_scoped3A = tpu.sem_alloc : memref<!tpu.dma_semaphore, #tpu.memory_space<semaphore_mem>>
      %dma_start3A_100 = tpu.memref_slice %arg3[%mul3A_59] : memref<320000xi32, #tpu.memory_space<hbm>> -> memref<10000xi32, #tpu.memory_space<hbm>>
      %dma_start3A_101 = tpu.memref_slice %arg3[%mul3A_59] : memref<320000xi32, #tpu.memory_space<hbm>> -> memref<10000xi32, #tpu.memory_space<hbm>>
      tpu.enqueue_dma source(%dma_start3A_101 : memref<10000xi32, #tpu.memory_space<hbm>>) target(%arg9 : memref<10000xi32, #tpu.memory_space<vmem>>) target_semaphore(%run_scoped3A : memref<!tpu.dma_semaphore, #tpu.memory_space<semaphore_mem>>)
      %dma_wait3A_102 = tpu.memref_slice %arg3[%mul3A_59] : memref<320000xi32, #tpu.memory_space<hbm>> -> memref<10000xi32, #tpu.memory_space<hbm>>
      %dma_wait3A_103 = tpu.memref_slice %arg3[%mul3A_59] : memref<320000xi32, #tpu.memory_space<hbm>> -> memref<10000xi32, #tpu.memory_space<hbm>>
      tpu.wait_dma2 semaphore(%run_scoped3A : memref<!tpu.dma_semaphore, #tpu.memory_space<semaphore_mem>>) src(%dma_wait3A_103 : memref<10000xi32, #tpu.memory_space<hbm>>) dst(%arg9 : memref<10000xi32, #tpu.memory_space<vmem>>)
      tpu.yield
    }) : () -> ()
    %add3A_60 = arith.constant 0 : i32
    %add3A_61 = arith.addi %mul3A_59, %add3A_60 : i32
    %dma_start3A = tpu.memref_slice %arg4[%add3A_61] : memref<320000xi32, #tpu.memory_space<hbm>> -> memref<128xi32, #tpu.memory_space<hbm>>
    %dma_start3A_62 = tpu.memref_slice %arg4[%add3A_61] : memref<320000xi32, #tpu.memory_space<hbm>> -> memref<128xi32, #tpu.memory_space<hbm>>
    tpu.enqueue_dma source(%dma_start3A_62 : memref<128xi32, #tpu.memory_space<hbm>>) target(%arg10 : memref<128xi32, #tpu.memory_space<vmem>>) target_semaphore(%arg25 : memref<!tpu.dma_semaphore, #tpu.memory_space<semaphore_mem>>)
    %dma_start3A_63 = arith.constant 0 : i32
    %dma_start3A_64 = tpu.memref_slice %arg9[%dma_start3A_63] : memref<10000xi32, #tpu.memory_space<vmem>> -> memref<128xi32, #tpu.memory_space<vmem>>
    %dma_start3A_65 = arith.constant 0 : i32
    %dma_start3A_66 = arith.constant 0 : i32
    %dma_start3A_67 = tpu.memref_slice %arg2[%dma_start3A_65, %dma_start3A_66] : memref<10000x128xf32, #tpu.memory_space<hbm>> -> memref<10000x128xf32, #tpu.memory_space<hbm>>
    tpu.enqueue_indirect_dma source(%dma_start3A_67 : memref<10000x128xf32, #tpu.memory_space<hbm>>) target(%arg12 : memref<128x128xf32, #tpu.memory_space<vmem>>) offsets(%dma_start3A_64 : memref<128xi32, #tpu.memory_space<vmem>>) semaphore(%arg20 : memref<!tpu.dma_semaphore, #tpu.memory_space<semaphore_mem>>)
    %scan3A = arith.constant 0 : i32
    %scan3A_68 = arith.constant 0 : i32
    %scan3A_69 = arith.constant 39 : i32
    %scan3A_70 = arith.addi %scan3A_68, %scan3A_69 : i32
    %scan3A_71 = arith.constant 1 : i32
    scf.for %scan3A_100 = %scan3A_68 to %scan3A_70 step %scan3A_71  : i32 {
      %mul3A_101 = arith.constant 2 : i32
      %mul3A_102 = arith.muli %mul3A_101, %scan3A_100 : i32
      %gt3A = arith.constant 0 : i32
      %gt3A_103 = arith.cmpi sgt, %scan3A_100, %gt3A : i32
      %convert_element_type3A_104 = arith.extui %gt3A_103 : i1 to i32
      %cond3A_105 = arith.constant 0 : i32
      %cond3A_106 = arith.cmpi ne, %convert_element_type3A_104, %cond3A_105 : i32
      scf.if %cond3A_106 {
        %dma_wait3A_167 = arith.constant 0 : i32
        %dma_wait3A_168 = arith.constant 0 : i32
        %dma_wait3A_169 = tpu.memref_slice %arg2[%dma_wait3A_167, %dma_wait3A_168] : memref<10000x128xf32, #tpu.memory_space<hbm>> -> memref<128x128xf32, #tpu.memory_space<hbm>>
        %dma_wait3A_170 = arith.constant 0 : i32
        %dma_wait3A_171 = arith.constant 0 : i32
        %dma_wait3A_172 = tpu.memref_slice %arg2[%dma_wait3A_170, %dma_wait3A_171] : memref<10000x128xf32, #tpu.memory_space<hbm>> -> memref<128x128xf32, #tpu.memory_space<hbm>>
        tpu.wait_dma2 semaphore(%arg22 : memref<!tpu.dma_semaphore, #tpu.memory_space<semaphore_mem>>) src(%dma_wait3A_172 : memref<128x128xf32, #tpu.memory_space<hbm>>) dst(%arg12 : memref<128x128xf32, #tpu.memory_space<vmem>>)
        %dma_wait3A_173 = arith.constant 0 : i32
        %dma_wait3A_174 = tpu.memref_slice %arg6[%dma_wait3A_173] : memref<10240xf32, #tpu.memory_space<hbm>> -> memref<128xf32, #tpu.memory_space<hbm>>
        %dma_wait3A_175 = arith.constant 0 : i32
        %dma_wait3A_176 = tpu.memref_slice %arg6[%dma_wait3A_175] : memref<10240xf32, #tpu.memory_space<hbm>> -> memref<128xf32, #tpu.memory_space<hbm>>
        tpu.wait_dma2 semaphore(%arg24 : memref<!tpu.dma_semaphore, #tpu.memory_space<semaphore_mem>>) src(%dma_wait3A_176 : memref<128xf32, #tpu.memory_space<hbm>>) dst(%arg17 : memref<128xf32, #tpu.memory_space<vmem>>)
      } else {
      }
      %add3A_107 = arith.constant 1 : i32
      %add3A_108 = arith.addi %mul3A_102, %add3A_107 : i32
      %mul3A_109 = arith.constant 128 : i32
      %mul3A_110 = arith.muli %add3A_108, %mul3A_109 : i32
      %add3A_111 = arith.addi %mul3A_59, %mul3A_110 : i32
      %dma_start3A_112 = tpu.memref_slice %arg4[%add3A_111] : memref<320000xi32, #tpu.memory_space<hbm>> -> memref<128xi32, #tpu.memory_space<hbm>>
      %dma_start3A_113 = tpu.memref_slice %arg4[%add3A_111] : memref<320000xi32, #tpu.memory_space<hbm>> -> memref<128xi32, #tpu.memory_space<hbm>>
      tpu.enqueue_dma source(%dma_start3A_113 : memref<128xi32, #tpu.memory_space<hbm>>) target(%arg11 : memref<128xi32, #tpu.memory_space<vmem>>) target_semaphore(%arg26 : memref<!tpu.dma_semaphore, #tpu.memory_space<semaphore_mem>>)
      %add3A_114 = arith.constant 1 : i32
      %add3A_115 = arith.addi %mul3A_102, %add3A_114 : i32
      %mul3A_116 = arith.constant 128 : i32
      %mul3A_117 = arith.muli %add3A_115, %mul3A_116 : i32
      %dma_start3A_118 = tpu.memref_slice %arg9[%mul3A_117] : memref<10000xi32, #tpu.memory_space<vmem>> -> memref<128xi32, #tpu.memory_space<vmem>>
      %dma_start3A_119 = arith.constant 0 : i32
      %dma_start3A_120 = arith.constant 0 : i32
      %dma_start3A_121 = tpu.memref_slice %arg2[%dma_start3A_119, %dma_start3A_120] : memref<10000x128xf32, #tpu.memory_space<hbm>> -> memref<10000x128xf32, #tpu.memory_space<hbm>>
      tpu.enqueue_indirect_dma source(%dma_start3A_121 : memref<10000x128xf32, #tpu.memory_space<hbm>>) target(%arg13 : memref<128x128xf32, #tpu.memory_space<vmem>>) offsets(%dma_start3A_118 : memref<128xi32, #tpu.memory_space<vmem>>) semaphore(%arg20 : memref<!tpu.dma_semaphore, #tpu.memory_space<semaphore_mem>>)
      %dma_wait3A_122 = arith.constant 0 : i32
      %dma_wait3A_123 = arith.constant 0 : i32
      %dma_wait3A_124 = tpu.memref_slice %arg2[%dma_wait3A_122, %dma_wait3A_123] : memref<10000x128xf32, #tpu.memory_space<hbm>> -> memref<128x128xf32, #tpu.memory_space<hbm>>
      %dma_wait3A_125 = arith.constant 0 : i32
      %dma_wait3A_126 = arith.constant 0 : i32
      %dma_wait3A_127 = tpu.memref_slice %arg2[%dma_wait3A_125, %dma_wait3A_126] : memref<10000x128xf32, #tpu.memory_space<hbm>> -> memref<128x128xf32, #tpu.memory_space<hbm>>
      tpu.wait_dma2 semaphore(%arg20 : memref<!tpu.dma_semaphore, #tpu.memory_space<semaphore_mem>>) src(%dma_wait3A_127 : memref<128x128xf32, #tpu.memory_space<hbm>>) dst(%arg12 : memref<128x128xf32, #tpu.memory_space<vmem>>)
      %dma_wait3A_128 = arith.constant 0 : i32
      %dma_wait3A_129 = tpu.memref_slice %arg4[%dma_wait3A_128] : memref<320000xi32, #tpu.memory_space<hbm>> -> memref<128xi32, #tpu.memory_space<hbm>>
      %dma_wait3A_130 = arith.constant 0 : i32
      %dma_wait3A_131 = tpu.memref_slice %arg4[%dma_wait3A_130] : memref<320000xi32, #tpu.memory_space<hbm>> -> memref<128xi32, #tpu.memory_space<hbm>>
      tpu.wait_dma2 semaphore(%arg25 : memref<!tpu.dma_semaphore, #tpu.memory_space<semaphore_mem>>) src(%dma_wait3A_131 : memref<128xi32, #tpu.memory_space<hbm>>) dst(%arg10 : memref<128xi32, #tpu.memory_space<vmem>>)
      %dma_start3A_132 = arith.constant 0 : i32
      %dma_start3A_133 = arith.constant 0 : i32
      %dma_start3A_134 = tpu.memref_slice %arg18[%dma_start3A_132, %dma_start3A_133] : memref<10000x128xf32, #tpu.memory_space<vmem_shared>> -> memref<10000x128xf32, #tpu.memory_space<vmem_shared>>
      tpu.enqueue_indirect_dma source(%arg12 : memref<128x128xf32, #tpu.memory_space<vmem>>) target(%dma_start3A_134 : memref<10000x128xf32, #tpu.memory_space<vmem_shared>>) offsets(%arg10 : memref<128xi32, #tpu.memory_space<vmem>>) semaphore(%arg21 : memref<!tpu.dma_semaphore, #tpu.memory_space<semaphore_mem>>) {add = true}
      %dma_start3A_135 = arith.constant 0 : i32
      %dma_start3A_136 = tpu.memref_slice %arg19[%dma_start3A_135] : memref<10240xf32, #tpu.memory_space<vmem_shared>> -> memref<10240xf32, #tpu.memory_space<vmem_shared>>
      tpu.enqueue_indirect_dma source(%arg17 : memref<128xf32, #tpu.memory_space<vmem>>) target(%dma_start3A_136 : memref<10240xf32, #tpu.memory_space<vmem_shared>>) offsets(%arg10 : memref<128xi32, #tpu.memory_space<vmem>>) semaphore(%arg23 : memref<!tpu.dma_semaphore, #tpu.memory_space<semaphore_mem>>) {add = true}
      %dma_wait3A_137 = arith.constant 0 : i32
      %dma_wait3A_138 = arith.constant 0 : i32
      %dma_wait3A_139 = tpu.memref_slice %arg2[%dma_wait3A_137, %dma_wait3A_138] : memref<10000x128xf32, #tpu.memory_space<hbm>> -> memref<128x128xf32, #tpu.memory_space<hbm>>
      %dma_wait3A_140 = arith.constant 0 : i32
      %dma_wait3A_141 = arith.constant 0 : i32
      %dma_wait3A_142 = tpu.memref_slice %arg2[%dma_wait3A_140, %dma_wait3A_141] : memref<10000x128xf32, #tpu.memory_space<hbm>> -> memref<128x128xf32, #tpu.memory_space<hbm>>
      tpu.wait_dma2 semaphore(%arg20 : memref<!tpu.dma_semaphore, #tpu.memory_space<semaphore_mem>>) src(%dma_wait3A_142 : memref<128x128xf32, #tpu.memory_space<hbm>>) dst(%arg12 : memref<128x128xf32, #tpu.memory_space<vmem>>)
      %dma_wait3A_143 = arith.constant 0 : i32
      %dma_wait3A_144 = arith.constant 0 : i32
      %dma_wait3A_145 = tpu.memref_slice %arg2[%dma_wait3A_143, %dma_wait3A_144] : memref<10000x128xf32, #tpu.memory_space<hbm>> -> memref<128x128xf32, #tpu.memory_space<hbm>>
      %dma_wait3A_146 = arith.constant 0 : i32
      %dma_wait3A_147 = arith.constant 0 : i32
      %dma_wait3A_148 = tpu.memref_slice %arg2[%dma_wait3A_146, %dma_wait3A_147] : memref<10000x128xf32, #tpu.memory_space<hbm>> -> memref<128x128xf32, #tpu.memory_space<hbm>>
      tpu.wait_dma2 semaphore(%arg21 : memref<!tpu.dma_semaphore, #tpu.memory_space<semaphore_mem>>) src(%dma_wait3A_148 : memref<128x128xf32, #tpu.memory_space<hbm>>) dst(%arg12 : memref<128x128xf32, #tpu.memory_space<vmem>>)
      %dma_wait3A_149 = arith.constant 0 : i32
      %dma_wait3A_150 = tpu.memref_slice %arg6[%dma_wait3A_149] : memref<10240xf32, #tpu.memory_space<hbm>> -> memref<128xf32, #tpu.memory_space<hbm>>
      %dma_wait3A_151 = arith.constant 0 : i32
      %dma_wait3A_152 = tpu.memref_slice %arg6[%dma_wait3A_151] : memref<10240xf32, #tpu.memory_space<hbm>> -> memref<128xf32, #tpu.memory_space<hbm>>
      tpu.wait_dma2 semaphore(%arg23 : memref<!tpu.dma_semaphore, #tpu.memory_space<semaphore_mem>>) src(%dma_wait3A_152 : memref<128xf32, #tpu.memory_space<hbm>>) dst(%arg17 : memref<128xf32, #tpu.memory_space<vmem>>)
      %lt3A_153 = arith.constant 38 : i32
      %lt3A_154 = arith.cmpi slt, %scan3A_100, %lt3A_153 : i32
      %convert_element_type3A_155 = arith.extui %lt3A_154 : i1 to i32
      %cond3A_156 = arith.constant 0 : i32
      %cond3A_157 = arith.cmpi ne, %convert_element_type3A_155, %cond3A_156 : i32
      scf.if %cond3A_157 {
        %add3A_167 = arith.constant 2 : i32
        %add3A_168 = arith.addi %mul3A_102, %add3A_167 : i32
        %mul3A_169 = arith.constant 128 : i32
        %mul3A_170 = arith.muli %add3A_168, %mul3A_169 : i32
        %add3A_171 = arith.addi %mul3A_59, %mul3A_170 : i32
        %dma_start3A_172 = tpu.memref_slice %arg4[%add3A_171] : memref<320000xi32, #tpu.memory_space<hbm>> -> memref<128xi32, #tpu.memory_space<hbm>>
        %dma_start3A_173 = tpu.memref_slice %arg4[%add3A_171] : memref<320000xi32, #tpu.memory_space<hbm>> -> memref<128xi32, #tpu.memory_space<hbm>>
        tpu.enqueue_dma source(%dma_start3A_173 : memref<128xi32, #tpu.memory_space<hbm>>) target(%arg10 : memref<128xi32, #tpu.memory_space<vmem>>) target_semaphore(%arg25 : memref<!tpu.dma_semaphore, #tpu.memory_space<semaphore_mem>>)
        %add3A_174 = arith.constant 2 : i32
        %add3A_175 = arith.addi %mul3A_102, %add3A_174 : i32
        %mul3A_176 = arith.constant 128 : i32
        %mul3A_177 = arith.muli %add3A_175, %mul3A_176 : i32
        %dma_start3A_178 = tpu.memref_slice %arg9[%mul3A_177] : memref<10000xi32, #tpu.memory_space<vmem>> -> memref<128xi32, #tpu.memory_space<vmem>>
        %dma_start3A_179 = arith.constant 0 : i32
        %dma_start3A_180 = arith.constant 0 : i32
        %dma_start3A_181 = tpu.memref_slice %arg2[%dma_start3A_179, %dma_start3A_180] : memref<10000x128xf32, #tpu.memory_space<hbm>> -> memref<10000x128xf32, #tpu.memory_space<hbm>>
        tpu.enqueue_indirect_dma source(%dma_start3A_181 : memref<10000x128xf32, #tpu.memory_space<hbm>>) target(%arg12 : memref<128x128xf32, #tpu.memory_space<vmem>>) offsets(%dma_start3A_178 : memref<128xi32, #tpu.memory_space<vmem>>) semaphore(%arg20 : memref<!tpu.dma_semaphore, #tpu.memory_space<semaphore_mem>>)
      } else {
      }
      %dma_wait3A_158 = arith.constant 0 : i32
      %dma_wait3A_159 = tpu.memref_slice %arg4[%dma_wait3A_158] : memref<320000xi32, #tpu.memory_space<hbm>> -> memref<128xi32, #tpu.memory_space<hbm>>
      %dma_wait3A_160 = arith.constant 0 : i32
      %dma_wait3A_161 = tpu.memref_slice %arg4[%dma_wait3A_160] : memref<320000xi32, #tpu.memory_space<hbm>> -> memref<128xi32, #tpu.memory_space<hbm>>
      tpu.wait_dma2 semaphore(%arg26 : memref<!tpu.dma_semaphore, #tpu.memory_space<semaphore_mem>>) src(%dma_wait3A_161 : memref<128xi32, #tpu.memory_space<hbm>>) dst(%arg10 : memref<128xi32, #tpu.memory_space<vmem>>)
      %dma_start3A_162 = arith.constant 0 : i32
      %dma_start3A_163 = arith.constant 0 : i32
      %dma_start3A_164 = tpu.memref_slice %arg18[%dma_start3A_162, %dma_start3A_163] : memref<10000x128xf32, #tpu.memory_space<vmem_shared>> -> memref<10000x128xf32, #tpu.memory_space<vmem_shared>>
      tpu.enqueue_indirect_dma source(%arg13 : memref<128x128xf32, #tpu.memory_space<vmem>>) target(%dma_start3A_164 : memref<10000x128xf32, #tpu.memory_space<vmem_shared>>) offsets(%arg11 : memref<128xi32, #tpu.memory_space<vmem>>) semaphore(%arg22 : memref<!tpu.dma_semaphore, #tpu.memory_space<semaphore_mem>>) {add = true}
      %dma_start3A_165 = arith.constant 0 : i32
      %dma_start3A_166 = tpu.memref_slice %arg19[%dma_start3A_165] : memref<10240xf32, #tpu.memory_space<vmem_shared>> -> memref<10240xf32, #tpu.memory_space<vmem_shared>>
      tpu.enqueue_indirect_dma source(%arg17 : memref<128xf32, #tpu.memory_space<vmem>>) target(%dma_start3A_166 : memref<10240xf32, #tpu.memory_space<vmem_shared>>) offsets(%arg11 : memref<128xi32, #tpu.memory_space<vmem>>) semaphore(%arg24 : memref<!tpu.dma_semaphore, #tpu.memory_space<semaphore_mem>>) {add = true}
    }
    %scan3A_72 = arith.constant 39 : i32
    %dma_wait3A = arith.constant 0 : i32
    %dma_wait3A_73 = arith.constant 0 : i32
    %dma_wait3A_74 = tpu.memref_slice %arg2[%dma_wait3A, %dma_wait3A_73] : memref<10000x128xf32, #tpu.memory_space<hbm>> -> memref<128x128xf32, #tpu.memory_space<hbm>>
    %dma_wait3A_75 = arith.constant 0 : i32
    %dma_wait3A_76 = arith.constant 0 : i32
    %dma_wait3A_77 = tpu.memref_slice %arg2[%dma_wait3A_75, %dma_wait3A_76] : memref<10000x128xf32, #tpu.memory_space<hbm>> -> memref<128x128xf32, #tpu.memory_space<hbm>>
    tpu.wait_dma2 semaphore(%arg22 : memref<!tpu.dma_semaphore, #tpu.memory_space<semaphore_mem>>) src(%dma_wait3A_77 : memref<128x128xf32, #tpu.memory_space<hbm>>) dst(%arg12 : memref<128x128xf32, #tpu.memory_space<vmem>>)
    %dma_wait3A_78 = arith.constant 0 : i32
    %dma_wait3A_79 = tpu.memref_slice %arg6[%dma_wait3A_78] : memref<10240xf32, #tpu.memory_space<hbm>> -> memref<128xf32, #tpu.memory_space<hbm>>
    %dma_wait3A_80 = arith.constant 0 : i32
    %dma_wait3A_81 = tpu.memref_slice %arg6[%dma_wait3A_80] : memref<10240xf32, #tpu.memory_space<hbm>> -> memref<128xf32, #tpu.memory_space<hbm>>
    tpu.wait_dma2 semaphore(%arg24 : memref<!tpu.dma_semaphore, #tpu.memory_space<semaphore_mem>>) src(%dma_wait3A_81 : memref<128xf32, #tpu.memory_space<hbm>>) dst(%arg17 : memref<128xf32, #tpu.memory_space<vmem>>)
    %add3A_82 = arith.constant 9984 : i32
    %add3A_83 = arith.addi %mul3A_59, %add3A_82 : i32
    "tpu.region"() ({
      %run_scoped3A = tpu.sem_alloc : memref<!tpu.dma_semaphore, #tpu.memory_space<semaphore_mem>>
      %dma_start3A_100 = tpu.memref_slice %arg3[%add3A_83] : memref<320000xi32, #tpu.memory_space<hbm>> -> memref<16xi32, #tpu.memory_space<hbm>>
      %dma_start3A_101 = tpu.memref_slice %arg3[%add3A_83] : memref<320000xi32, #tpu.memory_space<hbm>> -> memref<16xi32, #tpu.memory_space<hbm>>
      tpu.enqueue_dma source(%dma_start3A_101 : memref<16xi32, #tpu.memory_space<hbm>>) target(%arg14 : memref<16xi32, #tpu.memory_space<vmem>>) target_semaphore(%run_scoped3A : memref<!tpu.dma_semaphore, #tpu.memory_space<semaphore_mem>>)
      %dma_wait3A_102 = tpu.memref_slice %arg3[%add3A_83] : memref<320000xi32, #tpu.memory_space<hbm>> -> memref<16xi32, #tpu.memory_space<hbm>>
      %dma_wait3A_103 = tpu.memref_slice %arg3[%add3A_83] : memref<320000xi32, #tpu.memory_space<hbm>> -> memref<16xi32, #tpu.memory_space<hbm>>
      tpu.wait_dma2 semaphore(%run_scoped3A : memref<!tpu.dma_semaphore, #tpu.memory_space<semaphore_mem>>) src(%dma_wait3A_103 : memref<16xi32, #tpu.memory_space<hbm>>) dst(%arg14 : memref<16xi32, #tpu.memory_space<vmem>>)
      tpu.yield
    }) : () -> ()
    "tpu.region"() ({
      %run_scoped3A = tpu.sem_alloc : memref<!tpu.dma_semaphore, #tpu.memory_space<semaphore_mem>>
      %dma_start3A_100 = tpu.memref_slice %arg4[%add3A_83] : memref<320000xi32, #tpu.memory_space<hbm>> -> memref<16xi32, #tpu.memory_space<hbm>>
      %dma_start3A_101 = tpu.memref_slice %arg4[%add3A_83] : memref<320000xi32, #tpu.memory_space<hbm>> -> memref<16xi32, #tpu.memory_space<hbm>>
      tpu.enqueue_dma source(%dma_start3A_101 : memref<16xi32, #tpu.memory_space<hbm>>) target(%arg15 : memref<16xi32, #tpu.memory_space<vmem>>) target_semaphore(%run_scoped3A : memref<!tpu.dma_semaphore, #tpu.memory_space<semaphore_mem>>)
      %dma_wait3A_102 = tpu.memref_slice %arg4[%add3A_83] : memref<320000xi32, #tpu.memory_space<hbm>> -> memref<16xi32, #tpu.memory_space<hbm>>
      %dma_wait3A_103 = tpu.memref_slice %arg4[%add3A_83] : memref<320000xi32, #tpu.memory_space<hbm>> -> memref<16xi32, #tpu.memory_space<hbm>>
      tpu.wait_dma2 semaphore(%run_scoped3A : memref<!tpu.dma_semaphore, #tpu.memory_space<semaphore_mem>>) src(%dma_wait3A_103 : memref<16xi32, #tpu.memory_space<hbm>>) dst(%arg15 : memref<16xi32, #tpu.memory_space<vmem>>)
      tpu.yield
    }) : () -> ()
    "tpu.region"() ({
      %run_scoped3A = tpu.sem_alloc : memref<!tpu.dma_semaphore, #tpu.memory_space<semaphore_mem>>
      %dma_start3A_100 = arith.constant 0 : i32
      %dma_start3A_101 = arith.constant 0 : i32
      %dma_start3A_102 = tpu.memref_slice %arg2[%dma_start3A_100, %dma_start3A_101] : memref<10000x128xf32, #tpu.memory_space<hbm>> -> memref<10000x128xf32, #tpu.memory_space<hbm>>
      tpu.enqueue_indirect_dma source(%dma_start3A_102 : memref<10000x128xf32, #tpu.memory_space<hbm>>) target(%arg16 : memref<16x128xf32, #tpu.memory_space<vmem>>) offsets(%arg14 : memref<16xi32, #tpu.memory_space<vmem>>) semaphore(%run_scoped3A : memref<!tpu.dma_semaphore, #tpu.memory_space<semaphore_mem>>)
      %dma_wait3A_103 = arith.constant 0 : i32
      %dma_wait3A_104 = arith.constant 0 : i32
      %dma_wait3A_105 = tpu.memref_slice %arg2[%dma_wait3A_103, %dma_wait3A_104] : memref<10000x128xf32, #tpu.memory_space<hbm>> -> memref<10000x128xf32, #tpu.memory_space<hbm>>
      tpu.wait_indirect_dma semaphore(%run_scoped3A : memref<!tpu.dma_semaphore, #tpu.memory_space<semaphore_mem>>) src(%dma_wait3A_105 : memref<10000x128xf32, #tpu.memory_space<hbm>>) dst(%arg16 : memref<16x128xf32, #tpu.memory_space<vmem>>)
      tpu.yield
    }) : () -> ()
    "tpu.region"() ({
      %run_scoped3A = tpu.sem_alloc : memref<!tpu.dma_semaphore, #tpu.memory_space<semaphore_mem>>
      %dma_start3A_100 = arith.constant 0 : i32
      %dma_start3A_101 = arith.constant 0 : i32
      %dma_start3A_102 = tpu.memref_slice %arg18[%dma_start3A_100, %dma_start3A_101] : memref<10000x128xf32, #tpu.memory_space<vmem_shared>> -> memref<10000x128xf32, #tpu.memory_space<vmem_shared>>
      tpu.enqueue_indirect_dma source(%arg16 : memref<16x128xf32, #tpu.memory_space<vmem>>) target(%dma_start3A_102 : memref<10000x128xf32, #tpu.memory_space<vmem_shared>>) offsets(%arg15 : memref<16xi32, #tpu.memory_space<vmem>>) semaphore(%run_scoped3A : memref<!tpu.dma_semaphore, #tpu.memory_space<semaphore_mem>>) {add = true}
      %dma_wait3A_103 = arith.constant 0 : i32
      %dma_wait3A_104 = arith.constant 0 : i32
      %dma_wait3A_105 = tpu.memref_slice %arg18[%dma_wait3A_103, %dma_wait3A_104] : memref<10000x128xf32, #tpu.memory_space<vmem_shared>> -> memref<10000x128xf32, #tpu.memory_space<vmem_shared>>
      tpu.wait_indirect_dma semaphore(%run_scoped3A : memref<!tpu.dma_semaphore, #tpu.memory_space<semaphore_mem>>) src(%arg16 : memref<16x128xf32, #tpu.memory_space<vmem>>) dst(%dma_wait3A_105 : memref<10000x128xf32, #tpu.memory_space<vmem_shared>>)
      tpu.yield
    }) : () -> ()
    "tpu.region"() ({
      %run_scoped3A = tpu.sem_alloc : memref<!tpu.dma_semaphore, #tpu.memory_space<semaphore_mem>>
      %dma_start3A_100 = arith.constant 0 : i32
      %dma_start3A_101 = tpu.memref_slice %arg17[%dma_start3A_100] : memref<128xf32, #tpu.memory_space<vmem>> -> memref<16xf32, #tpu.memory_space<vmem>>
      %dma_start3A_102 = arith.constant 0 : i32
      %dma_start3A_103 = tpu.memref_slice %arg19[%dma_start3A_102] : memref<10240xf32, #tpu.memory_space<vmem_shared>> -> memref<10240xf32, #tpu.memory_space<vmem_shared>>
      tpu.enqueue_indirect_dma source(%dma_start3A_101 : memref<16xf32, #tpu.memory_space<vmem>>) target(%dma_start3A_103 : memref<10240xf32, #tpu.memory_space<vmem_shared>>) offsets(%arg15 : memref<16xi32, #tpu.memory_space<vmem>>) semaphore(%run_scoped3A : memref<!tpu.dma_semaphore, #tpu.memory_space<semaphore_mem>>) {add = true}
      %dma_wait3A_104 = arith.constant 0 : i32
      %dma_wait3A_105 = tpu.memref_slice %arg17[%dma_wait3A_104] : memref<128xf32, #tpu.memory_space<vmem>> -> memref<16xf32, #tpu.memory_space<vmem>>
      %dma_wait3A_106 = arith.constant 0 : i32
      %dma_wait3A_107 = tpu.memref_slice %arg19[%dma_wait3A_106] : memref<10240xf32, #tpu.memory_space<vmem_shared>> -> memref<10240xf32, #tpu.memory_space<vmem_shared>>
      tpu.wait_indirect_dma semaphore(%run_scoped3A : memref<!tpu.dma_semaphore, #tpu.memory_space<semaphore_mem>>) src(%dma_wait3A_105 : memref<16xf32, #tpu.memory_space<vmem>>) dst(%dma_wait3A_107 : memref<10240xf32, #tpu.memory_space<vmem_shared>>)
      tpu.yield
    }) : () -> ()
    %barrier3A_84 = arith.constant 0 : index
    tpu.barrier barrier_id(%barrier3A_84)
    %lt3A_85 = arith.constant 15 : i32
    %lt3A_86 = arith.cmpi slt, %arg1, %lt3A_85 : i32
    %convert_element_type3A_87 = arith.extui %lt3A_86 : i1 to i32
    %cond3A_88 = arith.constant 0 : i32
    %cond3A_89 = arith.cmpi ne, %convert_element_type3A_87, %cond3A_88 : i32
    scf.if %cond3A_89 {
      %mul3A_100 = arith.constant 632 : i32
      %mul3A_101 = arith.muli %arg1, %mul3A_100 : i32
      %mul3A_102 = arith.constant 632 : i32
      %mul3A_103 = arith.muli %arg1, %mul3A_102 : i32
      "tpu.region"() ({
        %run_scoped3A = tpu.sem_alloc : memref<!tpu.dma_semaphore, #tpu.memory_space<semaphore_mem>>
        %dma_start3A_104 = arith.constant 0 : i32
        %dma_start3A_105 = arith.constant 0 : i32
        %dma_start3A_106 = tpu.memref_slice %arg7[%arg0, %dma_start3A_104, %dma_start3A_105] : memref<2x10000x128xf32, #tpu.memory_space<hbm>> -> memref<1x10000x128xf32, #tpu.memory_space<hbm>>
        %dma_start3A_107 = tpu.memref_squeeze %dma_start3A_106 : memref<1x10000x128xf32, #tpu.memory_space<hbm>> -> memref<10000x128xf32, #tpu.memory_space<hbm>>
        %dma_start3A_108 = arith.constant 0 : i32
        %dma_start3A_109 = tpu.memref_slice %dma_start3A_107[%mul3A_103, %dma_start3A_108] : memref<10000x128xf32, #tpu.memory_space<hbm>> -> memref<632x128xf32, #tpu.memory_space<hbm>>
        %dma_start3A_110 = arith.constant 0 : i32
        %dma_start3A_111 = tpu.memref_slice %arg18[%mul3A_101, %dma_start3A_110] : memref<10000x128xf32, #tpu.memory_space<vmem_shared>> -> memref<632x128xf32, #tpu.memory_space<vmem_shared>>
        tpu.enqueue_dma source(%dma_start3A_111 : memref<632x128xf32, #tpu.memory_space<vmem_shared>>) target(%dma_start3A_109 : memref<632x128xf32, #tpu.memory_space<hbm>>) target_semaphore(%run_scoped3A : memref<!tpu.dma_semaphore, #tpu.memory_space<semaphore_mem>>)
        %dma_wait3A_112 = arith.constant 0 : i32
        %dma_wait3A_113 = arith.constant 0 : i32
        %dma_wait3A_114 = tpu.memref_slice %arg7[%arg0, %dma_wait3A_112, %dma_wait3A_113] : memref<2x10000x128xf32, #tpu.memory_space<hbm>> -> memref<1x10000x128xf32, #tpu.memory_space<hbm>>
        %dma_wait3A_115 = tpu.memref_squeeze %dma_wait3A_114 : memref<1x10000x128xf32, #tpu.memory_space<hbm>> -> memref<10000x128xf32, #tpu.memory_space<hbm>>
        %dma_wait3A_116 = arith.constant 0 : i32
        %dma_wait3A_117 = tpu.memref_slice %dma_wait3A_115[%mul3A_103, %dma_wait3A_116] : memref<10000x128xf32, #tpu.memory_space<hbm>> -> memref<632x128xf32, #tpu.memory_space<hbm>>
        %dma_wait3A_118 = arith.constant 0 : i32
        %dma_wait3A_119 = tpu.memref_slice %arg18[%mul3A_101, %dma_wait3A_118] : memref<10000x128xf32, #tpu.memory_space<vmem_shared>> -> memref<632x128xf32, #tpu.memory_space<vmem_shared>>
        tpu.wait_dma2 semaphore(%run_scoped3A : memref<!tpu.dma_semaphore, #tpu.memory_space<semaphore_mem>>) src(%dma_wait3A_119 : memref<632x128xf32, #tpu.memory_space<vmem_shared>>) dst(%dma_wait3A_117 : memref<632x128xf32, #tpu.memory_space<hbm>>)
        tpu.yield
      }) : () -> ()
    } else {
    }
    %eq3A_90 = arith.constant 15 : i32
    %eq3A_91 = arith.cmpi eq, %arg1, %eq3A_90 : i32
    %convert_element_type3A_92 = arith.extui %eq3A_91 : i1 to i32
    %cond3A_93 = arith.constant 0 : i32
    %cond3A_94 = arith.cmpi ne, %convert_element_type3A_92, %cond3A_93 : i32
    scf.if %cond3A_94 {
      "tpu.region"() ({
        %run_scoped3A = tpu.sem_alloc : memref<!tpu.dma_semaphore, #tpu.memory_space<semaphore_mem>>
        %dma_start3A_100 = arith.constant 0 : i32
        %dma_start3A_101 = arith.constant 0 : i32
        %dma_start3A_102 = tpu.memref_slice %arg7[%arg0, %dma_start3A_100, %dma_start3A_101] : memref<2x10000x128xf32, #tpu.memory_space<hbm>> -> memref<1x10000x128xf32, #tpu.memory_space<hbm>>
        %dma_start3A_103 = tpu.memref_squeeze %dma_start3A_102 : memref<1x10000x128xf32, #tpu.memory_space<hbm>> -> memref<10000x128xf32, #tpu.memory_space<hbm>>
        %dma_start3A_104 = arith.constant 9480 : i32
        %dma_start3A_105 = arith.constant 0 : i32
        %dma_start3A_106 = tpu.memref_slice %dma_start3A_103[%dma_start3A_104, %dma_start3A_105] : memref<10000x128xf32, #tpu.memory_space<hbm>> -> memref<520x128xf32, #tpu.memory_space<hbm>>
        %dma_start3A_107 = arith.constant 9480 : i32
        %dma_start3A_108 = arith.constant 0 : i32
        %dma_start3A_109 = tpu.memref_slice %arg18[%dma_start3A_107, %dma_start3A_108] : memref<10000x128xf32, #tpu.memory_space<vmem_shared>> -> memref<520x128xf32, #tpu.memory_space<vmem_shared>>
        tpu.enqueue_dma source(%dma_start3A_109 : memref<520x128xf32, #tpu.memory_space<vmem_shared>>) target(%dma_start3A_106 : memref<520x128xf32, #tpu.memory_space<hbm>>) target_semaphore(%run_scoped3A : memref<!tpu.dma_semaphore, #tpu.memory_space<semaphore_mem>>)
        %dma_wait3A_110 = arith.constant 0 : i32
        %dma_wait3A_111 = arith.constant 0 : i32
        %dma_wait3A_112 = tpu.memref_slice %arg7[%arg0, %dma_wait3A_110, %dma_wait3A_111] : memref<2x10000x128xf32, #tpu.memory_space<hbm>> -> memref<1x10000x128xf32, #tpu.memory_space<hbm>>
        %dma_wait3A_113 = tpu.memref_squeeze %dma_wait3A_112 : memref<1x10000x128xf32, #tpu.memory_space<hbm>> -> memref<10000x128xf32, #tpu.memory_space<hbm>>
        %dma_wait3A_114 = arith.constant 9480 : i32
        %dma_wait3A_115 = arith.constant 0 : i32
        %dma_wait3A_116 = tpu.memref_slice %dma_wait3A_113[%dma_wait3A_114, %dma_wait3A_115] : memref<10000x128xf32, #tpu.memory_space<hbm>> -> memref<520x128xf32, #tpu.memory_space<hbm>>
        %dma_wait3A_117 = arith.constant 9480 : i32
        %dma_wait3A_118 = arith.constant 0 : i32
        %dma_wait3A_119 = tpu.memref_slice %arg18[%dma_wait3A_117, %dma_wait3A_118] : memref<10000x128xf32, #tpu.memory_space<vmem_shared>> -> memref<520x128xf32, #tpu.memory_space<vmem_shared>>
        tpu.wait_dma2 semaphore(%run_scoped3A : memref<!tpu.dma_semaphore, #tpu.memory_space<semaphore_mem>>) src(%dma_wait3A_119 : memref<520x128xf32, #tpu.memory_space<vmem_shared>>) dst(%dma_wait3A_116 : memref<520x128xf32, #tpu.memory_space<hbm>>)
        tpu.yield
      }) : () -> ()
    } else {
    }
    %eq3A_95 = arith.constant 0 : i32
    %eq3A_96 = arith.cmpi eq, %arg1, %eq3A_95 : i32
    %convert_element_type3A_97 = arith.extui %eq3A_96 : i1 to i32
    %cond3A_98 = arith.constant 0 : i32
    %cond3A_99 = arith.cmpi ne, %convert_element_type3A_97, %cond3A_98 : i32
    scf.if %cond3A_99 {
      %mul3A_100 = arith.constant 10240 : i32
      %mul3A_101 = arith.muli %arg0, %mul3A_100 : i32
      "tpu.region"() ({
        %run_scoped3A = tpu.sem_alloc : memref<!tpu.dma_semaphore, #tpu.memory_space<semaphore_mem>>
        %dma_start3A_102 = tpu.memref_slice %arg8[%mul3A_101] : memref<20480xf32, #tpu.memory_space<hbm>> -> memref<10240xf32, #tpu.memory_space<hbm>>
        tpu.enqueue_dma source(%arg19 : memref<10240xf32, #tpu.memory_space<vmem_shared>>) target(%dma_start3A_102 : memref<10240xf32, #tpu.memory_space<hbm>>) target_semaphore(%run_scoped3A : memref<!tpu.dma_semaphore, #tpu.memory_space<semaphore_mem>>)
        %dma_wait3A_103 = tpu.memref_slice %arg8[%mul3A_101] : memref<20480xf32, #tpu.memory_space<hbm>> -> memref<10240xf32, #tpu.memory_space<hbm>>
        tpu.wait_dma2 semaphore(%run_scoped3A : memref<!tpu.dma_semaphore, #tpu.memory_space<semaphore_mem>>) src(%arg19 : memref<10240xf32, #tpu.memory_space<vmem_shared>>) dst(%dma_wait3A_103 : memref<10240xf32, #tpu.memory_space<hbm>>)
        tpu.yield
      }) : () -> ()
    } else {
    }
    return
  }
}

#map = affine_map<(d0, d1) -> (0, 0)>
#map1 = affine_map<(d0, d1) -> (0)>
#map2 = affine_map<(d0, d1) -> (0, 0, 0)>
module attributes {stable_mosaic.version = 14 : i64} {
  func.func @sc_agg(%arg0: i32, %arg1: i32, %arg2: memref<10000x128xf32, #tpu.memory_space<hbm>>, %arg3: memref<320000xi32, #tpu.memory_space<hbm>>, %arg4: memref<320000xi32, #tpu.memory_space<hbm>>, %arg5: memref<10000x128xf32, #tpu.memory_space<hbm>>, %arg6: memref<10240xf32, #tpu.memory_space<hbm>>, %arg7: memref<2x10000x128xf32, #tpu.memory_space<hbm>>, %arg8: memref<128x128xf32, #tpu.memory_space<vmem>>, %arg9: memref<128x128xf32, #tpu.memory_space<vmem>>, %arg10: memref<128x128xf32, #tpu.memory_space<vmem>>, %arg11: memref<128xi32, #tpu.memory_space<vmem>>, %arg12: memref<128xi32, #tpu.memory_space<vmem>>, %arg13: memref<128xi32, #tpu.memory_space<vmem>>, %arg14: memref<128xi32, #tpu.memory_space<vmem>>, %arg15: memref<128xi32, #tpu.memory_space<vmem>>, %arg16: memref<128xi32, #tpu.memory_space<vmem>>, %arg17: memref<128xi32, #tpu.memory_space<vmem>>, %arg18: memref<128xi32, #tpu.memory_space<vmem>>, %arg19: memref<128xi32, #tpu.memory_space<vmem>>, %arg20: memref<128xi32, #tpu.memory_space<vmem>>, %arg21: memref<128xi32, #tpu.memory_space<vmem>>, %arg22: memref<128xi32, #tpu.memory_space<vmem>>, %arg23: memref<16xi32, #tpu.memory_space<vmem>>, %arg24: memref<16xi32, #tpu.memory_space<vmem>>, %arg25: memref<128xf32, #tpu.memory_space<vmem>>, %arg26: memref<10000x128xf32, #tpu.memory_space<vmem_shared>>, %arg27: memref<10240xf32, #tpu.memory_space<vmem_shared>>, %arg28: memref<!tpu.dma_semaphore, #tpu.memory_space<semaphore_mem>>, %arg29: memref<!tpu.dma_semaphore, #tpu.memory_space<semaphore_mem>>, %arg30: memref<!tpu.dma_semaphore, #tpu.memory_space<semaphore_mem>>, %arg31: memref<!tpu.dma_semaphore, #tpu.memory_space<semaphore_mem>>, %arg32: memref<!tpu.dma_semaphore, #tpu.memory_space<semaphore_mem>>) attributes {dimension_semantics = [#tpu.dimension_semantics<core_parallel>, #tpu.dimension_semantics<subcore_parallel>], iteration_bounds = array<i64: 2, 16>, scalar_prefetch = 0 : i64, scratch_operands = 25 : i64, tpu.core_type = #tpu.core_type<sc_vector_subcore>, window_params = [{transform_indices = #map}, {transform_indices = #map1}, {transform_indices = #map1}, {transform_indices = #map}, {transform_indices = #map1}, {transform_indices = #map2}]} {
    %mul3A = arith.constant 16 : i32
    %mul3A_0 = arith.muli %arg0, %mul3A : i32
    %add3A = arith.addi %mul3A_0, %arg1 : i32
    %lt3A = arith.constant 15 : i32
    %lt3A_1 = arith.cmpi slt, %arg1, %lt3A : i32
    %convert_element_type3A = arith.extui %lt3A_1 : i1 to i32
    %cond3A = arith.constant 0 : i32
    %cond3A_2 = arith.cmpi ne, %convert_element_type3A, %cond3A : i32
    scf.if %cond3A_2 {
      %mul3A_77 = arith.constant 632 : i32
      %mul3A_78 = arith.muli %arg1, %mul3A_77 : i32
      %mul3A_79 = arith.constant 632 : i32
      %mul3A_80 = arith.muli %arg1, %mul3A_79 : i32
      "tpu.region"() ({
        %run_scoped3A = tpu.sem_alloc : memref<!tpu.dma_semaphore, #tpu.memory_space<semaphore_mem>>
        %dma_start3A_81 = arith.constant 0 : i32
        %dma_start3A_82 = tpu.memref_slice %arg26[%mul3A_80, %dma_start3A_81] : memref<10000x128xf32, #tpu.memory_space<vmem_shared>> -> memref<632x128xf32, #tpu.memory_space<vmem_shared>>
        %dma_start3A_83 = arith.constant 0 : i32
        %dma_start3A_84 = tpu.memref_slice %arg5[%mul3A_78, %dma_start3A_83] : memref<10000x128xf32, #tpu.memory_space<hbm>> -> memref<632x128xf32, #tpu.memory_space<hbm>>
        tpu.enqueue_dma source(%dma_start3A_84 : memref<632x128xf32, #tpu.memory_space<hbm>>) target(%dma_start3A_82 : memref<632x128xf32, #tpu.memory_space<vmem_shared>>) target_semaphore(%run_scoped3A : memref<!tpu.dma_semaphore, #tpu.memory_space<semaphore_mem>>)
        %dma_wait3A_85 = arith.constant 0 : i32
        %dma_wait3A_86 = tpu.memref_slice %arg26[%mul3A_80, %dma_wait3A_85] : memref<10000x128xf32, #tpu.memory_space<vmem_shared>> -> memref<632x128xf32, #tpu.memory_space<vmem_shared>>
        %dma_wait3A_87 = arith.constant 0 : i32
        %dma_wait3A_88 = tpu.memref_slice %arg5[%mul3A_78, %dma_wait3A_87] : memref<10000x128xf32, #tpu.memory_space<hbm>> -> memref<632x128xf32, #tpu.memory_space<hbm>>
        tpu.wait_dma2 semaphore(%run_scoped3A : memref<!tpu.dma_semaphore, #tpu.memory_space<semaphore_mem>>) src(%dma_wait3A_88 : memref<632x128xf32, #tpu.memory_space<hbm>>) dst(%dma_wait3A_86 : memref<632x128xf32, #tpu.memory_space<vmem_shared>>)
        tpu.yield
      }) : () -> ()
    } else {
    }
    %eq3A = arith.constant 15 : i32
    %eq3A_3 = arith.cmpi eq, %arg1, %eq3A : i32
    %convert_element_type3A_4 = arith.extui %eq3A_3 : i1 to i32
    %cond3A_5 = arith.constant 0 : i32
    %cond3A_6 = arith.cmpi ne, %convert_element_type3A_4, %cond3A_5 : i32
    scf.if %cond3A_6 {
      "tpu.region"() ({
        %run_scoped3A = tpu.sem_alloc : memref<!tpu.dma_semaphore, #tpu.memory_space<semaphore_mem>>
        %dma_start3A_77 = arith.constant 9480 : i32
        %dma_start3A_78 = arith.constant 0 : i32
        %dma_start3A_79 = tpu.memref_slice %arg26[%dma_start3A_77, %dma_start3A_78] : memref<10000x128xf32, #tpu.memory_space<vmem_shared>> -> memref<520x128xf32, #tpu.memory_space<vmem_shared>>
        %dma_start3A_80 = arith.constant 9480 : i32
        %dma_start3A_81 = arith.constant 0 : i32
        %dma_start3A_82 = tpu.memref_slice %arg5[%dma_start3A_80, %dma_start3A_81] : memref<10000x128xf32, #tpu.memory_space<hbm>> -> memref<520x128xf32, #tpu.memory_space<hbm>>
        tpu.enqueue_dma source(%dma_start3A_82 : memref<520x128xf32, #tpu.memory_space<hbm>>) target(%dma_start3A_79 : memref<520x128xf32, #tpu.memory_space<vmem_shared>>) target_semaphore(%run_scoped3A : memref<!tpu.dma_semaphore, #tpu.memory_space<semaphore_mem>>)
        %dma_wait3A_83 = arith.constant 9480 : i32
        %dma_wait3A_84 = arith.constant 0 : i32
        %dma_wait3A_85 = tpu.memref_slice %arg26[%dma_wait3A_83, %dma_wait3A_84] : memref<10000x128xf32, #tpu.memory_space<vmem_shared>> -> memref<520x128xf32, #tpu.memory_space<vmem_shared>>
        %dma_wait3A_86 = arith.constant 9480 : i32
        %dma_wait3A_87 = arith.constant 0 : i32
        %dma_wait3A_88 = tpu.memref_slice %arg5[%dma_wait3A_86, %dma_wait3A_87] : memref<10000x128xf32, #tpu.memory_space<hbm>> -> memref<520x128xf32, #tpu.memory_space<hbm>>
        tpu.wait_dma2 semaphore(%run_scoped3A : memref<!tpu.dma_semaphore, #tpu.memory_space<semaphore_mem>>) src(%dma_wait3A_88 : memref<520x128xf32, #tpu.memory_space<hbm>>) dst(%dma_wait3A_85 : memref<520x128xf32, #tpu.memory_space<vmem_shared>>)
        tpu.yield
      }) : () -> ()
    } else {
    }
    %barrier3A = arith.constant 0 : index
    tpu.barrier barrier_id(%barrier3A)
    %mul3A_7 = arith.constant 10000 : i32
    %mul3A_8 = arith.muli %add3A, %mul3A_7 : i32
    %add3A_9 = arith.constant 0 : i32
    %add3A_10 = arith.addi %mul3A_8, %add3A_9 : i32
    %dma_start3A = tpu.memref_slice %arg3[%add3A_10] : memref<320000xi32, #tpu.memory_space<hbm>> -> memref<128xi32, #tpu.memory_space<hbm>>
    %dma_start3A_11 = tpu.memref_slice %arg3[%add3A_10] : memref<320000xi32, #tpu.memory_space<hbm>> -> memref<128xi32, #tpu.memory_space<hbm>>
    tpu.enqueue_dma source(%dma_start3A_11 : memref<128xi32, #tpu.memory_space<hbm>>) target(%arg11 : memref<128xi32, #tpu.memory_space<vmem>>) target_semaphore(%arg29 : memref<!tpu.dma_semaphore, #tpu.memory_space<semaphore_mem>>)
    %add3A_12 = arith.constant 0 : i32
    %add3A_13 = arith.addi %mul3A_8, %add3A_12 : i32
    %dma_start3A_14 = tpu.memref_slice %arg4[%add3A_13] : memref<320000xi32, #tpu.memory_space<hbm>> -> memref<128xi32, #tpu.memory_space<hbm>>
    %dma_start3A_15 = tpu.memref_slice %arg4[%add3A_13] : memref<320000xi32, #tpu.memory_space<hbm>> -> memref<128xi32, #tpu.memory_space<hbm>>
    tpu.enqueue_dma source(%dma_start3A_15 : memref<128xi32, #tpu.memory_space<hbm>>) target(%arg17 : memref<128xi32, #tpu.memory_space<vmem>>) target_semaphore(%arg30 : memref<!tpu.dma_semaphore, #tpu.memory_space<semaphore_mem>>)
    %add3A_16 = arith.constant 128 : i32
    %add3A_17 = arith.addi %mul3A_8, %add3A_16 : i32
    %dma_start3A_18 = tpu.memref_slice %arg3[%add3A_17] : memref<320000xi32, #tpu.memory_space<hbm>> -> memref<128xi32, #tpu.memory_space<hbm>>
    %dma_start3A_19 = tpu.memref_slice %arg3[%add3A_17] : memref<320000xi32, #tpu.memory_space<hbm>> -> memref<128xi32, #tpu.memory_space<hbm>>
    tpu.enqueue_dma source(%dma_start3A_19 : memref<128xi32, #tpu.memory_space<hbm>>) target(%arg12 : memref<128xi32, #tpu.memory_space<vmem>>) target_semaphore(%arg29 : memref<!tpu.dma_semaphore, #tpu.memory_space<semaphore_mem>>)
    %add3A_20 = arith.constant 128 : i32
    %add3A_21 = arith.addi %mul3A_8, %add3A_20 : i32
    %dma_start3A_22 = tpu.memref_slice %arg4[%add3A_21] : memref<320000xi32, #tpu.memory_space<hbm>> -> memref<128xi32, #tpu.memory_space<hbm>>
    %dma_start3A_23 = tpu.memref_slice %arg4[%add3A_21] : memref<320000xi32, #tpu.memory_space<hbm>> -> memref<128xi32, #tpu.memory_space<hbm>>
    tpu.enqueue_dma source(%dma_start3A_23 : memref<128xi32, #tpu.memory_space<hbm>>) target(%arg18 : memref<128xi32, #tpu.memory_space<vmem>>) target_semaphore(%arg30 : memref<!tpu.dma_semaphore, #tpu.memory_space<semaphore_mem>>)
    %add3A_24 = arith.constant 256 : i32
    %add3A_25 = arith.addi %mul3A_8, %add3A_24 : i32
    %dma_start3A_26 = tpu.memref_slice %arg3[%add3A_25] : memref<320000xi32, #tpu.memory_space<hbm>> -> memref<128xi32, #tpu.memory_space<hbm>>
    %dma_start3A_27 = tpu.memref_slice %arg3[%add3A_25] : memref<320000xi32, #tpu.memory_space<hbm>> -> memref<128xi32, #tpu.memory_space<hbm>>
    tpu.enqueue_dma source(%dma_start3A_27 : memref<128xi32, #tpu.memory_space<hbm>>) target(%arg13 : memref<128xi32, #tpu.memory_space<vmem>>) target_semaphore(%arg29 : memref<!tpu.dma_semaphore, #tpu.memory_space<semaphore_mem>>)
    %add3A_28 = arith.constant 256 : i32
    %add3A_29 = arith.addi %mul3A_8, %add3A_28 : i32
    %dma_start3A_30 = tpu.memref_slice %arg4[%add3A_29] : memref<320000xi32, #tpu.memory_space<hbm>> -> memref<128xi32, #tpu.memory_space<hbm>>
    %dma_start3A_31 = tpu.memref_slice %arg4[%add3A_29] : memref<320000xi32, #tpu.memory_space<hbm>> -> memref<128xi32, #tpu.memory_space<hbm>>
    tpu.enqueue_dma source(%dma_start3A_31 : memref<128xi32, #tpu.memory_space<hbm>>) target(%arg19 : memref<128xi32, #tpu.memory_space<vmem>>) target_semaphore(%arg30 : memref<!tpu.dma_semaphore, #tpu.memory_space<semaphore_mem>>)
    %add3A_32 = arith.constant 384 : i32
    %add3A_33 = arith.addi %mul3A_8, %add3A_32 : i32
    %dma_start3A_34 = tpu.memref_slice %arg3[%add3A_33] : memref<320000xi32, #tpu.memory_space<hbm>> -> memref<128xi32, #tpu.memory_space<hbm>>
    %dma_start3A_35 = tpu.memref_slice %arg3[%add3A_33] : memref<320000xi32, #tpu.memory_space<hbm>> -> memref<128xi32, #tpu.memory_space<hbm>>
    tpu.enqueue_dma source(%dma_start3A_35 : memref<128xi32, #tpu.memory_space<hbm>>) target(%arg14 : memref<128xi32, #tpu.memory_space<vmem>>) target_semaphore(%arg29 : memref<!tpu.dma_semaphore, #tpu.memory_space<semaphore_mem>>)
    %add3A_36 = arith.constant 384 : i32
    %add3A_37 = arith.addi %mul3A_8, %add3A_36 : i32
    %dma_start3A_38 = tpu.memref_slice %arg4[%add3A_37] : memref<320000xi32, #tpu.memory_space<hbm>> -> memref<128xi32, #tpu.memory_space<hbm>>
    %dma_start3A_39 = tpu.memref_slice %arg4[%add3A_37] : memref<320000xi32, #tpu.memory_space<hbm>> -> memref<128xi32, #tpu.memory_space<hbm>>
    tpu.enqueue_dma source(%dma_start3A_39 : memref<128xi32, #tpu.memory_space<hbm>>) target(%arg20 : memref<128xi32, #tpu.memory_space<vmem>>) target_semaphore(%arg30 : memref<!tpu.dma_semaphore, #tpu.memory_space<semaphore_mem>>)
    %dma_wait3A = arith.constant 0 : i32
    %dma_wait3A_40 = tpu.memref_slice %arg4[%dma_wait3A] : memref<320000xi32, #tpu.memory_space<hbm>> -> memref<128xi32, #tpu.memory_space<hbm>>
    %dma_wait3A_41 = arith.constant 0 : i32
    %dma_wait3A_42 = tpu.memref_slice %arg4[%dma_wait3A_41] : memref<320000xi32, #tpu.memory_space<hbm>> -> memref<128xi32, #tpu.memory_space<hbm>>
    tpu.wait_dma2 semaphore(%arg29 : memref<!tpu.dma_semaphore, #tpu.memory_space<semaphore_mem>>) src(%dma_wait3A_42 : memref<128xi32, #tpu.memory_space<hbm>>) dst(%arg11 : memref<128xi32, #tpu.memory_space<vmem>>)
    %dma_start3A_43 = arith.constant 0 : i32
    %dma_start3A_44 = arith.constant 0 : i32
    %dma_start3A_45 = tpu.memref_slice %arg2[%dma_start3A_43, %dma_start3A_44] : memref<10000x128xf32, #tpu.memory_space<hbm>> -> memref<10000x128xf32, #tpu.memory_space<hbm>>
    tpu.enqueue_indirect_dma source(%dma_start3A_45 : memref<10000x128xf32, #tpu.memory_space<hbm>>) target(%arg8 : memref<128x128xf32, #tpu.memory_space<vmem>>) offsets(%arg11 : memref<128xi32, #tpu.memory_space<vmem>>) semaphore(%arg28 : memref<!tpu.dma_semaphore, #tpu.memory_space<semaphore_mem>>)
    %dma_wait3A_46 = arith.constant 0 : i32
    %dma_wait3A_47 = tpu.memref_slice %arg4[%dma_wait3A_46] : memref<320000xi32, #tpu.memory_space<hbm>> -> memref<128xi32, #tpu.memory_space<hbm>>
    %dma_wait3A_48 = arith.constant 0 : i32
    %dma_wait3A_49 = tpu.memref_slice %arg4[%dma_wait3A_48] : memref<320000xi32, #tpu.memory_space<hbm>> -> memref<128xi32, #tpu.memory_space<hbm>>
    tpu.wait_dma2 semaphore(%arg29 : memref<!tpu.dma_semaphore, #tpu.memory_space<semaphore_mem>>) src(%dma_wait3A_49 : memref<128xi32, #tpu.memory_space<hbm>>) dst(%arg11 : memref<128xi32, #tpu.memory_space<vmem>>)
    %dma_start3A_50 = arith.constant 0 : i32
    %dma_start3A_51 = arith.constant 0 : i32
    %dma_start3A_52 = tpu.memref_slice %arg2[%dma_start3A_50, %dma_start3A_51] : memref<10000x128xf32, #tpu.memory_space<hbm>> -> memref<10000x128xf32, #tpu.memory_space<hbm>>
    tpu.enqueue_indirect_dma source(%dma_start3A_52 : memref<10000x128xf32, #tpu.memory_space<hbm>>) target(%arg9 : memref<128x128xf32, #tpu.memory_space<vmem>>) offsets(%arg12 : memref<128xi32, #tpu.memory_space<vmem>>) semaphore(%arg28 : memref<!tpu.dma_semaphore, #tpu.memory_space<semaphore_mem>>)
    %scan3A = arith.constant 0 : i32
    %scan3A_53 = arith.constant 0 : i32
    %scan3A_54 = arith.constant 13 : i32
    %scan3A_55 = arith.addi %scan3A_53, %scan3A_54 : i32
    %scan3A_56 = arith.constant 1 : i32
    scf.for %scan3A_77 = %scan3A_53 to %scan3A_55 step %scan3A_56  : i32 {
      %mul3A_78 = arith.constant 6 : i32
      %mul3A_79 = arith.muli %mul3A_78, %scan3A_77 : i32
      %add3A_80 = arith.constant 0 : i32
      %add3A_81 = arith.addi %mul3A_79, %add3A_80 : i32
      %dma_wait3A_82 = arith.constant 0 : i32
      %dma_wait3A_83 = arith.constant 0 : i32
      %dma_wait3A_84 = tpu.memref_slice %arg2[%dma_wait3A_82, %dma_wait3A_83] : memref<10000x128xf32, #tpu.memory_space<hbm>> -> memref<128x128xf32, #tpu.memory_space<hbm>>
      %dma_wait3A_85 = arith.constant 0 : i32
      %dma_wait3A_86 = arith.constant 0 : i32
      %dma_wait3A_87 = tpu.memref_slice %arg2[%dma_wait3A_85, %dma_wait3A_86] : memref<10000x128xf32, #tpu.memory_space<hbm>> -> memref<128x128xf32, #tpu.memory_space<hbm>>
      tpu.wait_dma2 semaphore(%arg28 : memref<!tpu.dma_semaphore, #tpu.memory_space<semaphore_mem>>) src(%dma_wait3A_87 : memref<128x128xf32, #tpu.memory_space<hbm>>) dst(%arg8 : memref<128x128xf32, #tpu.memory_space<vmem>>)
      %gt3A = arith.constant 0 : i32
      %gt3A_88 = arith.cmpi sgt, %scan3A_77, %gt3A : i32
      %convert_element_type3A_89 = arith.extui %gt3A_88 : i1 to i32
      %cond3A_90 = arith.constant 0 : i32
      %cond3A_91 = arith.cmpi ne, %convert_element_type3A_89, %cond3A_90 : i32
      scf.if %cond3A_91 {
        %dma_wait3A_286 = arith.constant 0 : i32
        %dma_wait3A_287 = arith.constant 0 : i32
        %dma_wait3A_288 = tpu.memref_slice %arg2[%dma_wait3A_286, %dma_wait3A_287] : memref<10000x128xf32, #tpu.memory_space<hbm>> -> memref<128x128xf32, #tpu.memory_space<hbm>>
        %dma_wait3A_289 = arith.constant 0 : i32
        %dma_wait3A_290 = arith.constant 0 : i32
        %dma_wait3A_291 = tpu.memref_slice %arg2[%dma_wait3A_289, %dma_wait3A_290] : memref<10000x128xf32, #tpu.memory_space<hbm>> -> memref<128x128xf32, #tpu.memory_space<hbm>>
        tpu.wait_dma2 semaphore(%arg31 : memref<!tpu.dma_semaphore, #tpu.memory_space<semaphore_mem>>) src(%dma_wait3A_291 : memref<128x128xf32, #tpu.memory_space<hbm>>) dst(%arg8 : memref<128x128xf32, #tpu.memory_space<vmem>>)
      } else {
      }
      %add3A_92 = arith.constant 4 : i32
      %add3A_93 = arith.addi %add3A_81, %add3A_92 : i32
      %mul3A_94 = arith.constant 128 : i32
      %mul3A_95 = arith.muli %add3A_93, %mul3A_94 : i32
      %add3A_96 = arith.addi %mul3A_8, %mul3A_95 : i32
      %dma_start3A_97 = tpu.memref_slice %arg3[%add3A_96] : memref<320000xi32, #tpu.memory_space<hbm>> -> memref<128xi32, #tpu.memory_space<hbm>>
      %dma_start3A_98 = tpu.memref_slice %arg3[%add3A_96] : memref<320000xi32, #tpu.memory_space<hbm>> -> memref<128xi32, #tpu.memory_space<hbm>>
      tpu.enqueue_dma source(%dma_start3A_98 : memref<128xi32, #tpu.memory_space<hbm>>) target(%arg15 : memref<128xi32, #tpu.memory_space<vmem>>) target_semaphore(%arg29 : memref<!tpu.dma_semaphore, #tpu.memory_space<semaphore_mem>>)
      %mul3A_99 = arith.constant 128 : i32
      %mul3A_100 = arith.muli %add3A_93, %mul3A_99 : i32
      %add3A_101 = arith.addi %mul3A_8, %mul3A_100 : i32
      %dma_start3A_102 = tpu.memref_slice %arg4[%add3A_101] : memref<320000xi32, #tpu.memory_space<hbm>> -> memref<128xi32, #tpu.memory_space<hbm>>
      %dma_start3A_103 = tpu.memref_slice %arg4[%add3A_101] : memref<320000xi32, #tpu.memory_space<hbm>> -> memref<128xi32, #tpu.memory_space<hbm>>
      tpu.enqueue_dma source(%dma_start3A_103 : memref<128xi32, #tpu.memory_space<hbm>>) target(%arg21 : memref<128xi32, #tpu.memory_space<vmem>>) target_semaphore(%arg30 : memref<!tpu.dma_semaphore, #tpu.memory_space<semaphore_mem>>)
      %dma_wait3A_104 = arith.constant 0 : i32
      %dma_wait3A_105 = tpu.memref_slice %arg4[%dma_wait3A_104] : memref<320000xi32, #tpu.memory_space<hbm>> -> memref<128xi32, #tpu.memory_space<hbm>>
      %dma_wait3A_106 = arith.constant 0 : i32
      %dma_wait3A_107 = tpu.memref_slice %arg4[%dma_wait3A_106] : memref<320000xi32, #tpu.memory_space<hbm>> -> memref<128xi32, #tpu.memory_space<hbm>>
      tpu.wait_dma2 semaphore(%arg29 : memref<!tpu.dma_semaphore, #tpu.memory_space<semaphore_mem>>) src(%dma_wait3A_107 : memref<128xi32, #tpu.memory_space<hbm>>) dst(%arg11 : memref<128xi32, #tpu.memory_space<vmem>>)
      %dma_start3A_108 = arith.constant 0 : i32
      %dma_start3A_109 = arith.constant 0 : i32
      %dma_start3A_110 = tpu.memref_slice %arg2[%dma_start3A_108, %dma_start3A_109] : memref<10000x128xf32, #tpu.memory_space<hbm>> -> memref<10000x128xf32, #tpu.memory_space<hbm>>
      tpu.enqueue_indirect_dma source(%dma_start3A_110 : memref<10000x128xf32, #tpu.memory_space<hbm>>) target(%arg10 : memref<128x128xf32, #tpu.memory_space<vmem>>) offsets(%arg13 : memref<128xi32, #tpu.memory_space<vmem>>) semaphore(%arg28 : memref<!tpu.dma_semaphore, #tpu.memory_space<semaphore_mem>>)
      %dma_wait3A_111 = arith.constant 0 : i32
      %dma_wait3A_112 = tpu.memref_slice %arg4[%dma_wait3A_111] : memref<320000xi32, #tpu.memory_space<hbm>> -> memref<128xi32, #tpu.memory_space<hbm>>
      %dma_wait3A_113 = arith.constant 0 : i32
      %dma_wait3A_114 = tpu.memref_slice %arg4[%dma_wait3A_113] : memref<320000xi32, #tpu.memory_space<hbm>> -> memref<128xi32, #tpu.memory_space<hbm>>
      tpu.wait_dma2 semaphore(%arg30 : memref<!tpu.dma_semaphore, #tpu.memory_space<semaphore_mem>>) src(%dma_wait3A_114 : memref<128xi32, #tpu.memory_space<hbm>>) dst(%arg17 : memref<128xi32, #tpu.memory_space<vmem>>)
      %dma_start3A_115 = arith.constant 0 : i32
      %dma_start3A_116 = arith.constant 0 : i32
      %dma_start3A_117 = tpu.memref_slice %arg26[%dma_start3A_115, %dma_start3A_116] : memref<10000x128xf32, #tpu.memory_space<vmem_shared>> -> memref<10000x128xf32, #tpu.memory_space<vmem_shared>>
      tpu.enqueue_indirect_dma source(%arg8 : memref<128x128xf32, #tpu.memory_space<vmem>>) target(%dma_start3A_117 : memref<10000x128xf32, #tpu.memory_space<vmem_shared>>) offsets(%arg17 : memref<128xi32, #tpu.memory_space<vmem>>) semaphore(%arg31 : memref<!tpu.dma_semaphore, #tpu.memory_space<semaphore_mem>>) {add = true}
      %add3A_118 = arith.constant 1 : i32
      %add3A_119 = arith.addi %mul3A_79, %add3A_118 : i32
      %dma_wait3A_120 = arith.constant 0 : i32
      %dma_wait3A_121 = arith.constant 0 : i32
      %dma_wait3A_122 = tpu.memref_slice %arg2[%dma_wait3A_120, %dma_wait3A_121] : memref<10000x128xf32, #tpu.memory_space<hbm>> -> memref<128x128xf32, #tpu.memory_space<hbm>>
      %dma_wait3A_123 = arith.constant 0 : i32
      %dma_wait3A_124 = arith.constant 0 : i32
      %dma_wait3A_125 = tpu.memref_slice %arg2[%dma_wait3A_123, %dma_wait3A_124] : memref<10000x128xf32, #tpu.memory_space<hbm>> -> memref<128x128xf32, #tpu.memory_space<hbm>>
      tpu.wait_dma2 semaphore(%arg28 : memref<!tpu.dma_semaphore, #tpu.memory_space<semaphore_mem>>) src(%dma_wait3A_125 : memref<128x128xf32, #tpu.memory_space<hbm>>) dst(%arg8 : memref<128x128xf32, #tpu.memory_space<vmem>>)
      %dma_wait3A_126 = arith.constant 0 : i32
      %dma_wait3A_127 = arith.constant 0 : i32
      %dma_wait3A_128 = tpu.memref_slice %arg2[%dma_wait3A_126, %dma_wait3A_127] : memref<10000x128xf32, #tpu.memory_space<hbm>> -> memref<128x128xf32, #tpu.memory_space<hbm>>
      %dma_wait3A_129 = arith.constant 0 : i32
      %dma_wait3A_130 = arith.constant 0 : i32
      %dma_wait3A_131 = tpu.memref_slice %arg2[%dma_wait3A_129, %dma_wait3A_130] : memref<10000x128xf32, #tpu.memory_space<hbm>> -> memref<128x128xf32, #tpu.memory_space<hbm>>
      tpu.wait_dma2 semaphore(%arg31 : memref<!tpu.dma_semaphore, #tpu.memory_space<semaphore_mem>>) src(%dma_wait3A_131 : memref<128x128xf32, #tpu.memory_space<hbm>>) dst(%arg8 : memref<128x128xf32, #tpu.memory_space<vmem>>)
      %add3A_132 = arith.constant 4 : i32
      %add3A_133 = arith.addi %add3A_119, %add3A_132 : i32
      %mul3A_134 = arith.constant 128 : i32
      %mul3A_135 = arith.muli %add3A_133, %mul3A_134 : i32
      %add3A_136 = arith.addi %mul3A_8, %mul3A_135 : i32
      %dma_start3A_137 = tpu.memref_slice %arg3[%add3A_136] : memref<320000xi32, #tpu.memory_space<hbm>> -> memref<128xi32, #tpu.memory_space<hbm>>
      %dma_start3A_138 = tpu.memref_slice %arg3[%add3A_136] : memref<320000xi32, #tpu.memory_space<hbm>> -> memref<128xi32, #tpu.memory_space<hbm>>
      tpu.enqueue_dma source(%dma_start3A_138 : memref<128xi32, #tpu.memory_space<hbm>>) target(%arg16 : memref<128xi32, #tpu.memory_space<vmem>>) target_semaphore(%arg29 : memref<!tpu.dma_semaphore, #tpu.memory_space<semaphore_mem>>)
      %mul3A_139 = arith.constant 128 : i32
      %mul3A_140 = arith.muli %add3A_133, %mul3A_139 : i32
      %add3A_141 = arith.addi %mul3A_8, %mul3A_140 : i32
      %dma_start3A_142 = tpu.memref_slice %arg4[%add3A_141] : memref<320000xi32, #tpu.memory_space<hbm>> -> memref<128xi32, #tpu.memory_space<hbm>>
      %dma_start3A_143 = tpu.memref_slice %arg4[%add3A_141] : memref<320000xi32, #tpu.memory_space<hbm>> -> memref<128xi32, #tpu.memory_space<hbm>>
      tpu.enqueue_dma source(%dma_start3A_143 : memref<128xi32, #tpu.memory_space<hbm>>) target(%arg22 : memref<128xi32, #tpu.memory_space<vmem>>) target_semaphore(%arg30 : memref<!tpu.dma_semaphore, #tpu.memory_space<semaphore_mem>>)
      %dma_wait3A_144 = arith.constant 0 : i32
      %dma_wait3A_145 = tpu.memref_slice %arg4[%dma_wait3A_144] : memref<320000xi32, #tpu.memory_space<hbm>> -> memref<128xi32, #tpu.memory_space<hbm>>
      %dma_wait3A_146 = arith.constant 0 : i32
      %dma_wait3A_147 = tpu.memref_slice %arg4[%dma_wait3A_146] : memref<320000xi32, #tpu.memory_space<hbm>> -> memref<128xi32, #tpu.memory_space<hbm>>
      tpu.wait_dma2 semaphore(%arg29 : memref<!tpu.dma_semaphore, #tpu.memory_space<semaphore_mem>>) src(%dma_wait3A_147 : memref<128xi32, #tpu.memory_space<hbm>>) dst(%arg11 : memref<128xi32, #tpu.memory_space<vmem>>)
      %dma_start3A_148 = arith.constant 0 : i32
      %dma_start3A_149 = arith.constant 0 : i32
      %dma_start3A_150 = tpu.memref_slice %arg2[%dma_start3A_148, %dma_start3A_149] : memref<10000x128xf32, #tpu.memory_space<hbm>> -> memref<10000x128xf32, #tpu.memory_space<hbm>>
      tpu.enqueue_indirect_dma source(%dma_start3A_150 : memref<10000x128xf32, #tpu.memory_space<hbm>>) target(%arg8 : memref<128x128xf32, #tpu.memory_space<vmem>>) offsets(%arg14 : memref<128xi32, #tpu.memory_space<vmem>>) semaphore(%arg28 : memref<!tpu.dma_semaphore, #tpu.memory_space<semaphore_mem>>)
      %dma_wait3A_151 = arith.constant 0 : i32
      %dma_wait3A_152 = tpu.memref_slice %arg4[%dma_wait3A_151] : memref<320000xi32, #tpu.memory_space<hbm>> -> memref<128xi32, #tpu.memory_space<hbm>>
      %dma_wait3A_153 = arith.constant 0 : i32
      %dma_wait3A_154 = tpu.memref_slice %arg4[%dma_wait3A_153] : memref<320000xi32, #tpu.memory_space<hbm>> -> memref<128xi32, #tpu.memory_space<hbm>>
      tpu.wait_dma2 semaphore(%arg30 : memref<!tpu.dma_semaphore, #tpu.memory_space<semaphore_mem>>) src(%dma_wait3A_154 : memref<128xi32, #tpu.memory_space<hbm>>) dst(%arg17 : memref<128xi32, #tpu.memory_space<vmem>>)
      %dma_start3A_155 = arith.constant 0 : i32
      %dma_start3A_156 = arith.constant 0 : i32
      %dma_start3A_157 = tpu.memref_slice %arg26[%dma_start3A_155, %dma_start3A_156] : memref<10000x128xf32, #tpu.memory_space<vmem_shared>> -> memref<10000x128xf32, #tpu.memory_space<vmem_shared>>
      tpu.enqueue_indirect_dma source(%arg9 : memref<128x128xf32, #tpu.memory_space<vmem>>) target(%dma_start3A_157 : memref<10000x128xf32, #tpu.memory_space<vmem_shared>>) offsets(%arg18 : memref<128xi32, #tpu.memory_space<vmem>>) semaphore(%arg31 : memref<!tpu.dma_semaphore, #tpu.memory_space<semaphore_mem>>) {add = true}
      %add3A_158 = arith.constant 2 : i32
      %add3A_159 = arith.addi %mul3A_79, %add3A_158 : i32
      %dma_wait3A_160 = arith.constant 0 : i32
      %dma_wait3A_161 = arith.constant 0 : i32
      %dma_wait3A_162 = tpu.memref_slice %arg2[%dma_wait3A_160, %dma_wait3A_161] : memref<10000x128xf32, #tpu.memory_space<hbm>> -> memref<128x128xf32, #tpu.memory_space<hbm>>
      %dma_wait3A_163 = arith.constant 0 : i32
      %dma_wait3A_164 = arith.constant 0 : i32
      %dma_wait3A_165 = tpu.memref_slice %arg2[%dma_wait3A_163, %dma_wait3A_164] : memref<10000x128xf32, #tpu.memory_space<hbm>> -> memref<128x128xf32, #tpu.memory_space<hbm>>
      tpu.wait_dma2 semaphore(%arg28 : memref<!tpu.dma_semaphore, #tpu.memory_space<semaphore_mem>>) src(%dma_wait3A_165 : memref<128x128xf32, #tpu.memory_space<hbm>>) dst(%arg8 : memref<128x128xf32, #tpu.memory_space<vmem>>)
      %dma_wait3A_166 = arith.constant 0 : i32
      %dma_wait3A_167 = arith.constant 0 : i32
      %dma_wait3A_168 = tpu.memref_slice %arg2[%dma_wait3A_166, %dma_wait3A_167] : memref<10000x128xf32, #tpu.memory_space<hbm>> -> memref<128x128xf32, #tpu.memory_space<hbm>>
      %dma_wait3A_169 = arith.constant 0 : i32
      %dma_wait3A_170 = arith.constant 0 : i32
      %dma_wait3A_171 = tpu.memref_slice %arg2[%dma_wait3A_169, %dma_wait3A_170] : memref<10000x128xf32, #tpu.memory_space<hbm>> -> memref<128x128xf32, #tpu.memory_space<hbm>>
      tpu.wait_dma2 semaphore(%arg31 : memref<!tpu.dma_semaphore, #tpu.memory_space<semaphore_mem>>) src(%dma_wait3A_171 : memref<128x128xf32, #tpu.memory_space<hbm>>) dst(%arg8 : memref<128x128xf32, #tpu.memory_space<vmem>>)
      %lt3A_172 = arith.constant 12 : i32
      %lt3A_173 = arith.cmpi slt, %scan3A_77, %lt3A_172 : i32
      %convert_element_type3A_174 = arith.extui %lt3A_173 : i1 to i32
      %cond3A_175 = arith.constant 0 : i32
      %cond3A_176 = arith.cmpi ne, %convert_element_type3A_174, %cond3A_175 : i32
      scf.if %cond3A_176 {
        %add3A_286 = arith.constant 4 : i32
        %add3A_287 = arith.addi %add3A_159, %add3A_286 : i32
        %mul3A_288 = arith.constant 128 : i32
        %mul3A_289 = arith.muli %add3A_287, %mul3A_288 : i32
        %add3A_290 = arith.addi %mul3A_8, %mul3A_289 : i32
        %dma_start3A_291 = tpu.memref_slice %arg3[%add3A_290] : memref<320000xi32, #tpu.memory_space<hbm>> -> memref<128xi32, #tpu.memory_space<hbm>>
        %dma_start3A_292 = tpu.memref_slice %arg3[%add3A_290] : memref<320000xi32, #tpu.memory_space<hbm>> -> memref<128xi32, #tpu.memory_space<hbm>>
        tpu.enqueue_dma source(%dma_start3A_292 : memref<128xi32, #tpu.memory_space<hbm>>) target(%arg11 : memref<128xi32, #tpu.memory_space<vmem>>) target_semaphore(%arg29 : memref<!tpu.dma_semaphore, #tpu.memory_space<semaphore_mem>>)
        %mul3A_293 = arith.constant 128 : i32
        %mul3A_294 = arith.muli %add3A_287, %mul3A_293 : i32
        %add3A_295 = arith.addi %mul3A_8, %mul3A_294 : i32
        %dma_start3A_296 = tpu.memref_slice %arg4[%add3A_295] : memref<320000xi32, #tpu.memory_space<hbm>> -> memref<128xi32, #tpu.memory_space<hbm>>
        %dma_start3A_297 = tpu.memref_slice %arg4[%add3A_295] : memref<320000xi32, #tpu.memory_space<hbm>> -> memref<128xi32, #tpu.memory_space<hbm>>
        tpu.enqueue_dma source(%dma_start3A_297 : memref<128xi32, #tpu.memory_space<hbm>>) target(%arg17 : memref<128xi32, #tpu.memory_space<vmem>>) target_semaphore(%arg30 : memref<!tpu.dma_semaphore, #tpu.memory_space<semaphore_mem>>)
      } else {
      }
      %dma_wait3A_177 = arith.constant 0 : i32
      %dma_wait3A_178 = tpu.memref_slice %arg4[%dma_wait3A_177] : memref<320000xi32, #tpu.memory_space<hbm>> -> memref<128xi32, #tpu.memory_space<hbm>>
      %dma_wait3A_179 = arith.constant 0 : i32
      %dma_wait3A_180 = tpu.memref_slice %arg4[%dma_wait3A_179] : memref<320000xi32, #tpu.memory_space<hbm>> -> memref<128xi32, #tpu.memory_space<hbm>>
      tpu.wait_dma2 semaphore(%arg29 : memref<!tpu.dma_semaphore, #tpu.memory_space<semaphore_mem>>) src(%dma_wait3A_180 : memref<128xi32, #tpu.memory_space<hbm>>) dst(%arg11 : memref<128xi32, #tpu.memory_space<vmem>>)
      %dma_start3A_181 = arith.constant 0 : i32
      %dma_start3A_182 = arith.constant 0 : i32
      %dma_start3A_183 = tpu.memref_slice %arg2[%dma_start3A_181, %dma_start3A_182] : memref<10000x128xf32, #tpu.memory_space<hbm>> -> memref<10000x128xf32, #tpu.memory_space<hbm>>
      tpu.enqueue_indirect_dma source(%dma_start3A_183 : memref<10000x128xf32, #tpu.memory_space<hbm>>) target(%arg9 : memref<128x128xf32, #tpu.memory_space<vmem>>) offsets(%arg15 : memref<128xi32, #tpu.memory_space<vmem>>) semaphore(%arg28 : memref<!tpu.dma_semaphore, #tpu.memory_space<semaphore_mem>>)
      %dma_wait3A_184 = arith.constant 0 : i32
      %dma_wait3A_185 = tpu.memref_slice %arg4[%dma_wait3A_184] : memref<320000xi32, #tpu.memory_space<hbm>> -> memref<128xi32, #tpu.memory_space<hbm>>
      %dma_wait3A_186 = arith.constant 0 : i32
      %dma_wait3A_187 = tpu.memref_slice %arg4[%dma_wait3A_186] : memref<320000xi32, #tpu.memory_space<hbm>> -> memref<128xi32, #tpu.memory_space<hbm>>
      tpu.wait_dma2 semaphore(%arg30 : memref<!tpu.dma_semaphore, #tpu.memory_space<semaphore_mem>>) src(%dma_wait3A_187 : memref<128xi32, #tpu.memory_space<hbm>>) dst(%arg17 : memref<128xi32, #tpu.memory_space<vmem>>)
      %dma_start3A_188 = arith.constant 0 : i32
      %dma_start3A_189 = arith.constant 0 : i32
      %dma_start3A_190 = tpu.memref_slice %arg26[%dma_start3A_188, %dma_start3A_189] : memref<10000x128xf32, #tpu.memory_space<vmem_shared>> -> memref<10000x128xf32, #tpu.memory_space<vmem_shared>>
      tpu.enqueue_indirect_dma source(%arg10 : memref<128x128xf32, #tpu.memory_space<vmem>>) target(%dma_start3A_190 : memref<10000x128xf32, #tpu.memory_space<vmem_shared>>) offsets(%arg19 : memref<128xi32, #tpu.memory_space<vmem>>) semaphore(%arg31 : memref<!tpu.dma_semaphore, #tpu.memory_space<semaphore_mem>>) {add = true}
      %add3A_191 = arith.constant 3 : i32
      %add3A_192 = arith.addi %mul3A_79, %add3A_191 : i32
      %dma_wait3A_193 = arith.constant 0 : i32
      %dma_wait3A_194 = arith.constant 0 : i32
      %dma_wait3A_195 = tpu.memref_slice %arg2[%dma_wait3A_193, %dma_wait3A_194] : memref<10000x128xf32, #tpu.memory_space<hbm>> -> memref<128x128xf32, #tpu.memory_space<hbm>>
      %dma_wait3A_196 = arith.constant 0 : i32
      %dma_wait3A_197 = arith.constant 0 : i32
      %dma_wait3A_198 = tpu.memref_slice %arg2[%dma_wait3A_196, %dma_wait3A_197] : memref<10000x128xf32, #tpu.memory_space<hbm>> -> memref<128x128xf32, #tpu.memory_space<hbm>>
      tpu.wait_dma2 semaphore(%arg28 : memref<!tpu.dma_semaphore, #tpu.memory_space<semaphore_mem>>) src(%dma_wait3A_198 : memref<128x128xf32, #tpu.memory_space<hbm>>) dst(%arg8 : memref<128x128xf32, #tpu.memory_space<vmem>>)
      %dma_wait3A_199 = arith.constant 0 : i32
      %dma_wait3A_200 = arith.constant 0 : i32
      %dma_wait3A_201 = tpu.memref_slice %arg2[%dma_wait3A_199, %dma_wait3A_200] : memref<10000x128xf32, #tpu.memory_space<hbm>> -> memref<128x128xf32, #tpu.memory_space<hbm>>
      %dma_wait3A_202 = arith.constant 0 : i32
      %dma_wait3A_203 = arith.constant 0 : i32
      %dma_wait3A_204 = tpu.memref_slice %arg2[%dma_wait3A_202, %dma_wait3A_203] : memref<10000x128xf32, #tpu.memory_space<hbm>> -> memref<128x128xf32, #tpu.memory_space<hbm>>
      tpu.wait_dma2 semaphore(%arg31 : memref<!tpu.dma_semaphore, #tpu.memory_space<semaphore_mem>>) src(%dma_wait3A_204 : memref<128x128xf32, #tpu.memory_space<hbm>>) dst(%arg8 : memref<128x128xf32, #tpu.memory_space<vmem>>)
      %lt3A_205 = arith.constant 12 : i32
      %lt3A_206 = arith.cmpi slt, %scan3A_77, %lt3A_205 : i32
      %convert_element_type3A_207 = arith.extui %lt3A_206 : i1 to i32
      %cond3A_208 = arith.constant 0 : i32
      %cond3A_209 = arith.cmpi ne, %convert_element_type3A_207, %cond3A_208 : i32
      scf.if %cond3A_209 {
        %add3A_286 = arith.constant 4 : i32
        %add3A_287 = arith.addi %add3A_192, %add3A_286 : i32
        %mul3A_288 = arith.constant 128 : i32
        %mul3A_289 = arith.muli %add3A_287, %mul3A_288 : i32
        %add3A_290 = arith.addi %mul3A_8, %mul3A_289 : i32
        %dma_start3A_291 = tpu.memref_slice %arg3[%add3A_290] : memref<320000xi32, #tpu.memory_space<hbm>> -> memref<128xi32, #tpu.memory_space<hbm>>
        %dma_start3A_292 = tpu.memref_slice %arg3[%add3A_290] : memref<320000xi32, #tpu.memory_space<hbm>> -> memref<128xi32, #tpu.memory_space<hbm>>
        tpu.enqueue_dma source(%dma_start3A_292 : memref<128xi32, #tpu.memory_space<hbm>>) target(%arg12 : memref<128xi32, #tpu.memory_space<vmem>>) target_semaphore(%arg29 : memref<!tpu.dma_semaphore, #tpu.memory_space<semaphore_mem>>)
        %mul3A_293 = arith.constant 128 : i32
        %mul3A_294 = arith.muli %add3A_287, %mul3A_293 : i32
        %add3A_295 = arith.addi %mul3A_8, %mul3A_294 : i32
        %dma_start3A_296 = tpu.memref_slice %arg4[%add3A_295] : memref<320000xi32, #tpu.memory_space<hbm>> -> memref<128xi32, #tpu.memory_space<hbm>>
        %dma_start3A_297 = tpu.memref_slice %arg4[%add3A_295] : memref<320000xi32, #tpu.memory_space<hbm>> -> memref<128xi32, #tpu.memory_space<hbm>>
        tpu.enqueue_dma source(%dma_start3A_297 : memref<128xi32, #tpu.memory_space<hbm>>) target(%arg18 : memref<128xi32, #tpu.memory_space<vmem>>) target_semaphore(%arg30 : memref<!tpu.dma_semaphore, #tpu.memory_space<semaphore_mem>>)
      } else {
      }
      %dma_wait3A_210 = arith.constant 0 : i32
      %dma_wait3A_211 = tpu.memref_slice %arg4[%dma_wait3A_210] : memref<320000xi32, #tpu.memory_space<hbm>> -> memref<128xi32, #tpu.memory_space<hbm>>
      %dma_wait3A_212 = arith.constant 0 : i32
      %dma_wait3A_213 = tpu.memref_slice %arg4[%dma_wait3A_212] : memref<320000xi32, #tpu.memory_space<hbm>> -> memref<128xi32, #tpu.memory_space<hbm>>
      tpu.wait_dma2 semaphore(%arg29 : memref<!tpu.dma_semaphore, #tpu.memory_space<semaphore_mem>>) src(%dma_wait3A_213 : memref<128xi32, #tpu.memory_space<hbm>>) dst(%arg11 : memref<128xi32, #tpu.memory_space<vmem>>)
      %dma_start3A_214 = arith.constant 0 : i32
      %dma_start3A_215 = arith.constant 0 : i32
      %dma_start3A_216 = tpu.memref_slice %arg2[%dma_start3A_214, %dma_start3A_215] : memref<10000x128xf32, #tpu.memory_space<hbm>> -> memref<10000x128xf32, #tpu.memory_space<hbm>>
      tpu.enqueue_indirect_dma source(%dma_start3A_216 : memref<10000x128xf32, #tpu.memory_space<hbm>>) target(%arg10 : memref<128x128xf32, #tpu.memory_space<vmem>>) offsets(%arg16 : memref<128xi32, #tpu.memory_space<vmem>>) semaphore(%arg28 : memref<!tpu.dma_semaphore, #tpu.memory_space<semaphore_mem>>)
      %dma_wait3A_217 = arith.constant 0 : i32
      %dma_wait3A_218 = tpu.memref_slice %arg4[%dma_wait3A_217] : memref<320000xi32, #tpu.memory_space<hbm>> -> memref<128xi32, #tpu.memory_space<hbm>>
      %dma_wait3A_219 = arith.constant 0 : i32
      %dma_wait3A_220 = tpu.memref_slice %arg4[%dma_wait3A_219] : memref<320000xi32, #tpu.memory_space<hbm>> -> memref<128xi32, #tpu.memory_space<hbm>>
      tpu.wait_dma2 semaphore(%arg30 : memref<!tpu.dma_semaphore, #tpu.memory_space<semaphore_mem>>) src(%dma_wait3A_220 : memref<128xi32, #tpu.memory_space<hbm>>) dst(%arg17 : memref<128xi32, #tpu.memory_space<vmem>>)
      %dma_start3A_221 = arith.constant 0 : i32
      %dma_start3A_222 = arith.constant 0 : i32
      %dma_start3A_223 = tpu.memref_slice %arg26[%dma_start3A_221, %dma_start3A_222] : memref<10000x128xf32, #tpu.memory_space<vmem_shared>> -> memref<10000x128xf32, #tpu.memory_space<vmem_shared>>
      tpu.enqueue_indirect_dma source(%arg8 : memref<128x128xf32, #tpu.memory_space<vmem>>) target(%dma_start3A_223 : memref<10000x128xf32, #tpu.memory_space<vmem_shared>>) offsets(%arg20 : memref<128xi32, #tpu.memory_space<vmem>>) semaphore(%arg31 : memref<!tpu.dma_semaphore, #tpu.memory_space<semaphore_mem>>) {add = true}
      %add3A_224 = arith.constant 4 : i32
      %add3A_225 = arith.addi %mul3A_79, %add3A_224 : i32
      %dma_wait3A_226 = arith.constant 0 : i32
      %dma_wait3A_227 = arith.constant 0 : i32
      %dma_wait3A_228 = tpu.memref_slice %arg2[%dma_wait3A_226, %dma_wait3A_227] : memref<10000x128xf32, #tpu.memory_space<hbm>> -> memref<128x128xf32, #tpu.memory_space<hbm>>
      %dma_wait3A_229 = arith.constant 0 : i32
      %dma_wait3A_230 = arith.constant 0 : i32
      %dma_wait3A_231 = tpu.memref_slice %arg2[%dma_wait3A_229, %dma_wait3A_230] : memref<10000x128xf32, #tpu.memory_space<hbm>> -> memref<128x128xf32, #tpu.memory_space<hbm>>
      tpu.wait_dma2 semaphore(%arg28 : memref<!tpu.dma_semaphore, #tpu.memory_space<semaphore_mem>>) src(%dma_wait3A_231 : memref<128x128xf32, #tpu.memory_space<hbm>>) dst(%arg8 : memref<128x128xf32, #tpu.memory_space<vmem>>)
      %dma_wait3A_232 = arith.constant 0 : i32
      %dma_wait3A_233 = arith.constant 0 : i32
      %dma_wait3A_234 = tpu.memref_slice %arg2[%dma_wait3A_232, %dma_wait3A_233] : memref<10000x128xf32, #tpu.memory_space<hbm>> -> memref<128x128xf32, #tpu.memory_space<hbm>>
      %dma_wait3A_235 = arith.constant 0 : i32
      %dma_wait3A_236 = arith.constant 0 : i32
      %dma_wait3A_237 = tpu.memref_slice %arg2[%dma_wait3A_235, %dma_wait3A_236] : memref<10000x128xf32, #tpu.memory_space<hbm>> -> memref<128x128xf32, #tpu.memory_space<hbm>>
      tpu.wait_dma2 semaphore(%arg31 : memref<!tpu.dma_semaphore, #tpu.memory_space<semaphore_mem>>) src(%dma_wait3A_237 : memref<128x128xf32, #tpu.memory_space<hbm>>) dst(%arg8 : memref<128x128xf32, #tpu.memory_space<vmem>>)
      %lt3A_238 = arith.constant 12 : i32
      %lt3A_239 = arith.cmpi slt, %scan3A_77, %lt3A_238 : i32
      %convert_element_type3A_240 = arith.extui %lt3A_239 : i1 to i32
      %cond3A_241 = arith.constant 0 : i32
      %cond3A_242 = arith.cmpi ne, %convert_element_type3A_240, %cond3A_241 : i32
      scf.if %cond3A_242 {
        %add3A_286 = arith.constant 4 : i32
        %add3A_287 = arith.addi %add3A_225, %add3A_286 : i32
        %mul3A_288 = arith.constant 128 : i32
        %mul3A_289 = arith.muli %add3A_287, %mul3A_288 : i32
        %add3A_290 = arith.addi %mul3A_8, %mul3A_289 : i32
        %dma_start3A_291 = tpu.memref_slice %arg3[%add3A_290] : memref<320000xi32, #tpu.memory_space<hbm>> -> memref<128xi32, #tpu.memory_space<hbm>>
        %dma_start3A_292 = tpu.memref_slice %arg3[%add3A_290] : memref<320000xi32, #tpu.memory_space<hbm>> -> memref<128xi32, #tpu.memory_space<hbm>>
        tpu.enqueue_dma source(%dma_start3A_292 : memref<128xi32, #tpu.memory_space<hbm>>) target(%arg13 : memref<128xi32, #tpu.memory_space<vmem>>) target_semaphore(%arg29 : memref<!tpu.dma_semaphore, #tpu.memory_space<semaphore_mem>>)
        %mul3A_293 = arith.constant 128 : i32
        %mul3A_294 = arith.muli %add3A_287, %mul3A_293 : i32
        %add3A_295 = arith.addi %mul3A_8, %mul3A_294 : i32
        %dma_start3A_296 = tpu.memref_slice %arg4[%add3A_295] : memref<320000xi32, #tpu.memory_space<hbm>> -> memref<128xi32, #tpu.memory_space<hbm>>
        %dma_start3A_297 = tpu.memref_slice %arg4[%add3A_295] : memref<320000xi32, #tpu.memory_space<hbm>> -> memref<128xi32, #tpu.memory_space<hbm>>
        tpu.enqueue_dma source(%dma_start3A_297 : memref<128xi32, #tpu.memory_space<hbm>>) target(%arg19 : memref<128xi32, #tpu.memory_space<vmem>>) target_semaphore(%arg30 : memref<!tpu.dma_semaphore, #tpu.memory_space<semaphore_mem>>)
      } else {
      }
      %lt3A_243 = arith.constant 12 : i32
      %lt3A_244 = arith.cmpi slt, %scan3A_77, %lt3A_243 : i32
      %convert_element_type3A_245 = arith.extui %lt3A_244 : i1 to i32
      %cond3A_246 = arith.constant 0 : i32
      %cond3A_247 = arith.cmpi ne, %convert_element_type3A_245, %cond3A_246 : i32
      scf.if %cond3A_247 {
        %dma_wait3A_286 = arith.constant 0 : i32
        %dma_wait3A_287 = tpu.memref_slice %arg4[%dma_wait3A_286] : memref<320000xi32, #tpu.memory_space<hbm>> -> memref<128xi32, #tpu.memory_space<hbm>>
        %dma_wait3A_288 = arith.constant 0 : i32
        %dma_wait3A_289 = tpu.memref_slice %arg4[%dma_wait3A_288] : memref<320000xi32, #tpu.memory_space<hbm>> -> memref<128xi32, #tpu.memory_space<hbm>>
        tpu.wait_dma2 semaphore(%arg29 : memref<!tpu.dma_semaphore, #tpu.memory_space<semaphore_mem>>) src(%dma_wait3A_289 : memref<128xi32, #tpu.memory_space<hbm>>) dst(%arg11 : memref<128xi32, #tpu.memory_space<vmem>>)
        %dma_start3A_290 = arith.constant 0 : i32
        %dma_start3A_291 = arith.constant 0 : i32
        %dma_start3A_292 = tpu.memref_slice %arg2[%dma_start3A_290, %dma_start3A_291] : memref<10000x128xf32, #tpu.memory_space<hbm>> -> memref<10000x128xf32, #tpu.memory_space<hbm>>
        tpu.enqueue_indirect_dma source(%dma_start3A_292 : memref<10000x128xf32, #tpu.memory_space<hbm>>) target(%arg8 : memref<128x128xf32, #tpu.memory_space<vmem>>) offsets(%arg11 : memref<128xi32, #tpu.memory_space<vmem>>) semaphore(%arg28 : memref<!tpu.dma_semaphore, #tpu.memory_space<semaphore_mem>>)
      } else {
      }
      %dma_wait3A_248 = arith.constant 0 : i32
      %dma_wait3A_249 = tpu.memref_slice %arg4[%dma_wait3A_248] : memref<320000xi32, #tpu.memory_space<hbm>> -> memref<128xi32, #tpu.memory_space<hbm>>
      %dma_wait3A_250 = arith.constant 0 : i32
      %dma_wait3A_251 = tpu.memref_slice %arg4[%dma_wait3A_250] : memref<320000xi32, #tpu.memory_space<hbm>> -> memref<128xi32, #tpu.memory_space<hbm>>
      tpu.wait_dma2 semaphore(%arg30 : memref<!tpu.dma_semaphore, #tpu.memory_space<semaphore_mem>>) src(%dma_wait3A_251 : memref<128xi32, #tpu.memory_space<hbm>>) dst(%arg17 : memref<128xi32, #tpu.memory_space<vmem>>)
      %dma_start3A_252 = arith.constant 0 : i32
      %dma_start3A_253 = arith.constant 0 : i32
      %dma_start3A_254 = tpu.memref_slice %arg26[%dma_start3A_252, %dma_start3A_253] : memref<10000x128xf32, #tpu.memory_space<vmem_shared>> -> memref<10000x128xf32, #tpu.memory_space<vmem_shared>>
      tpu.enqueue_indirect_dma source(%arg9 : memref<128x128xf32, #tpu.memory_space<vmem>>) target(%dma_start3A_254 : memref<10000x128xf32, #tpu.memory_space<vmem_shared>>) offsets(%arg21 : memref<128xi32, #tpu.memory_space<vmem>>) semaphore(%arg31 : memref<!tpu.dma_semaphore, #tpu.memory_space<semaphore_mem>>) {add = true}
      %add3A_255 = arith.constant 5 : i32
      %add3A_256 = arith.addi %mul3A_79, %add3A_255 : i32
      %dma_wait3A_257 = arith.constant 0 : i32
      %dma_wait3A_258 = arith.constant 0 : i32
      %dma_wait3A_259 = tpu.memref_slice %arg2[%dma_wait3A_257, %dma_wait3A_258] : memref<10000x128xf32, #tpu.memory_space<hbm>> -> memref<128x128xf32, #tpu.memory_space<hbm>>
      %dma_wait3A_260 = arith.constant 0 : i32
      %dma_wait3A_261 = arith.constant 0 : i32
      %dma_wait3A_262 = tpu.memref_slice %arg2[%dma_wait3A_260, %dma_wait3A_261] : memref<10000x128xf32, #tpu.memory_space<hbm>> -> memref<128x128xf32, #tpu.memory_space<hbm>>
      tpu.wait_dma2 semaphore(%arg28 : memref<!tpu.dma_semaphore, #tpu.memory_space<semaphore_mem>>) src(%dma_wait3A_262 : memref<128x128xf32, #tpu.memory_space<hbm>>) dst(%arg8 : memref<128x128xf32, #tpu.memory_space<vmem>>)
      %dma_wait3A_263 = arith.constant 0 : i32
      %dma_wait3A_264 = arith.constant 0 : i32
      %dma_wait3A_265 = tpu.memref_slice %arg2[%dma_wait3A_263, %dma_wait3A_264] : memref<10000x128xf32, #tpu.memory_space<hbm>> -> memref<128x128xf32, #tpu.memory_space<hbm>>
      %dma_wait3A_266 = arith.constant 0 : i32
      %dma_wait3A_267 = arith.constant 0 : i32
      %dma_wait3A_268 = tpu.memref_slice %arg2[%dma_wait3A_266, %dma_wait3A_267] : memref<10000x128xf32, #tpu.memory_space<hbm>> -> memref<128x128xf32, #tpu.memory_space<hbm>>
      tpu.wait_dma2 semaphore(%arg31 : memref<!tpu.dma_semaphore, #tpu.memory_space<semaphore_mem>>) src(%dma_wait3A_268 : memref<128x128xf32, #tpu.memory_space<hbm>>) dst(%arg8 : memref<128x128xf32, #tpu.memory_space<vmem>>)
      %lt3A_269 = arith.constant 12 : i32
      %lt3A_270 = arith.cmpi slt, %scan3A_77, %lt3A_269 : i32
      %convert_element_type3A_271 = arith.extui %lt3A_270 : i1 to i32
      %cond3A_272 = arith.constant 0 : i32
      %cond3A_273 = arith.cmpi ne, %convert_element_type3A_271, %cond3A_272 : i32
      scf.if %cond3A_273 {
        %add3A_286 = arith.constant 4 : i32
        %add3A_287 = arith.addi %add3A_256, %add3A_286 : i32
        %mul3A_288 = arith.constant 128 : i32
        %mul3A_289 = arith.muli %add3A_287, %mul3A_288 : i32
        %add3A_290 = arith.addi %mul3A_8, %mul3A_289 : i32
        %dma_start3A_291 = tpu.memref_slice %arg3[%add3A_290] : memref<320000xi32, #tpu.memory_space<hbm>> -> memref<128xi32, #tpu.memory_space<hbm>>
        %dma_start3A_292 = tpu.memref_slice %arg3[%add3A_290] : memref<320000xi32, #tpu.memory_space<hbm>> -> memref<128xi32, #tpu.memory_space<hbm>>
        tpu.enqueue_dma source(%dma_start3A_292 : memref<128xi32, #tpu.memory_space<hbm>>) target(%arg14 : memref<128xi32, #tpu.memory_space<vmem>>) target_semaphore(%arg29 : memref<!tpu.dma_semaphore, #tpu.memory_space<semaphore_mem>>)
        %mul3A_293 = arith.constant 128 : i32
        %mul3A_294 = arith.muli %add3A_287, %mul3A_293 : i32
        %add3A_295 = arith.addi %mul3A_8, %mul3A_294 : i32
        %dma_start3A_296 = tpu.memref_slice %arg4[%add3A_295] : memref<320000xi32, #tpu.memory_space<hbm>> -> memref<128xi32, #tpu.memory_space<hbm>>
        %dma_start3A_297 = tpu.memref_slice %arg4[%add3A_295] : memref<320000xi32, #tpu.memory_space<hbm>> -> memref<128xi32, #tpu.memory_space<hbm>>
        tpu.enqueue_dma source(%dma_start3A_297 : memref<128xi32, #tpu.memory_space<hbm>>) target(%arg20 : memref<128xi32, #tpu.memory_space<vmem>>) target_semaphore(%arg30 : memref<!tpu.dma_semaphore, #tpu.memory_space<semaphore_mem>>)
      } else {
      }
      %lt3A_274 = arith.constant 12 : i32
      %lt3A_275 = arith.cmpi slt, %scan3A_77, %lt3A_274 : i32
      %convert_element_type3A_276 = arith.extui %lt3A_275 : i1 to i32
      %cond3A_277 = arith.constant 0 : i32
      %cond3A_278 = arith.cmpi ne, %convert_element_type3A_276, %cond3A_277 : i32
      scf.if %cond3A_278 {
        %dma_wait3A_286 = arith.constant 0 : i32
        %dma_wait3A_287 = tpu.memref_slice %arg4[%dma_wait3A_286] : memref<320000xi32, #tpu.memory_space<hbm>> -> memref<128xi32, #tpu.memory_space<hbm>>
        %dma_wait3A_288 = arith.constant 0 : i32
        %dma_wait3A_289 = tpu.memref_slice %arg4[%dma_wait3A_288] : memref<320000xi32, #tpu.memory_space<hbm>> -> memref<128xi32, #tpu.memory_space<hbm>>
        tpu.wait_dma2 semaphore(%arg29 : memref<!tpu.dma_semaphore, #tpu.memory_space<semaphore_mem>>) src(%dma_wait3A_289 : memref<128xi32, #tpu.memory_space<hbm>>) dst(%arg11 : memref<128xi32, #tpu.memory_space<vmem>>)
        %dma_start3A_290 = arith.constant 0 : i32
        %dma_start3A_291 = arith.constant 0 : i32
        %dma_start3A_292 = tpu.memref_slice %arg2[%dma_start3A_290, %dma_start3A_291] : memref<10000x128xf32, #tpu.memory_space<hbm>> -> memref<10000x128xf32, #tpu.memory_space<hbm>>
        tpu.enqueue_indirect_dma source(%dma_start3A_292 : memref<10000x128xf32, #tpu.memory_space<hbm>>) target(%arg9 : memref<128x128xf32, #tpu.memory_space<vmem>>) offsets(%arg12 : memref<128xi32, #tpu.memory_space<vmem>>) semaphore(%arg28 : memref<!tpu.dma_semaphore, #tpu.memory_space<semaphore_mem>>)
      } else {
      }
      %dma_wait3A_279 = arith.constant 0 : i32
      %dma_wait3A_280 = tpu.memref_slice %arg4[%dma_wait3A_279] : memref<320000xi32, #tpu.memory_space<hbm>> -> memref<128xi32, #tpu.memory_space<hbm>>
      %dma_wait3A_281 = arith.constant 0 : i32
      %dma_wait3A_282 = tpu.memref_slice %arg4[%dma_wait3A_281] : memref<320000xi32, #tpu.memory_space<hbm>> -> memref<128xi32, #tpu.memory_space<hbm>>
      tpu.wait_dma2 semaphore(%arg30 : memref<!tpu.dma_semaphore, #tpu.memory_space<semaphore_mem>>) src(%dma_wait3A_282 : memref<128xi32, #tpu.memory_space<hbm>>) dst(%arg17 : memref<128xi32, #tpu.memory_space<vmem>>)
      %dma_start3A_283 = arith.constant 0 : i32
      %dma_start3A_284 = arith.constant 0 : i32
      %dma_start3A_285 = tpu.memref_slice %arg26[%dma_start3A_283, %dma_start3A_284] : memref<10000x128xf32, #tpu.memory_space<vmem_shared>> -> memref<10000x128xf32, #tpu.memory_space<vmem_shared>>
      tpu.enqueue_indirect_dma source(%arg10 : memref<128x128xf32, #tpu.memory_space<vmem>>) target(%dma_start3A_285 : memref<10000x128xf32, #tpu.memory_space<vmem_shared>>) offsets(%arg22 : memref<128xi32, #tpu.memory_space<vmem>>) semaphore(%arg31 : memref<!tpu.dma_semaphore, #tpu.memory_space<semaphore_mem>>) {add = true}
    }
    %scan3A_57 = arith.constant 13 : i32
    %dma_wait3A_58 = arith.constant 0 : i32
    %dma_wait3A_59 = arith.constant 0 : i32
    %dma_wait3A_60 = tpu.memref_slice %arg2[%dma_wait3A_58, %dma_wait3A_59] : memref<10000x128xf32, #tpu.memory_space<hbm>> -> memref<128x128xf32, #tpu.memory_space<hbm>>
    %dma_wait3A_61 = arith.constant 0 : i32
    %dma_wait3A_62 = arith.constant 0 : i32
    %dma_wait3A_63 = tpu.memref_slice %arg2[%dma_wait3A_61, %dma_wait3A_62] : memref<10000x128xf32, #tpu.memory_space<hbm>> -> memref<128x128xf32, #tpu.memory_space<hbm>>
    tpu.wait_dma2 semaphore(%arg31 : memref<!tpu.dma_semaphore, #tpu.memory_space<semaphore_mem>>) src(%dma_wait3A_63 : memref<128x128xf32, #tpu.memory_space<hbm>>) dst(%arg8 : memref<128x128xf32, #tpu.memory_space<vmem>>)
    %add3A_64 = arith.constant 9984 : i32
    %add3A_65 = arith.addi %mul3A_8, %add3A_64 : i32
    "tpu.region"() ({
      %run_scoped3A = tpu.sem_alloc : memref<!tpu.dma_semaphore, #tpu.memory_space<semaphore_mem>>
      %dma_start3A_77 = tpu.memref_slice %arg3[%add3A_65] : memref<320000xi32, #tpu.memory_space<hbm>> -> memref<16xi32, #tpu.memory_space<hbm>>
      %dma_start3A_78 = tpu.memref_slice %arg3[%add3A_65] : memref<320000xi32, #tpu.memory_space<hbm>> -> memref<16xi32, #tpu.memory_space<hbm>>
      tpu.enqueue_dma source(%dma_start3A_78 : memref<16xi32, #tpu.memory_space<hbm>>) target(%arg23 : memref<16xi32, #tpu.memory_space<vmem>>) target_semaphore(%run_scoped3A : memref<!tpu.dma_semaphore, #tpu.memory_space<semaphore_mem>>)
      %dma_wait3A_79 = tpu.memref_slice %arg3[%add3A_65] : memref<320000xi32, #tpu.memory_space<hbm>> -> memref<16xi32, #tpu.memory_space<hbm>>
      %dma_wait3A_80 = tpu.memref_slice %arg3[%add3A_65] : memref<320000xi32, #tpu.memory_space<hbm>> -> memref<16xi32, #tpu.memory_space<hbm>>
      tpu.wait_dma2 semaphore(%run_scoped3A : memref<!tpu.dma_semaphore, #tpu.memory_space<semaphore_mem>>) src(%dma_wait3A_80 : memref<16xi32, #tpu.memory_space<hbm>>) dst(%arg23 : memref<16xi32, #tpu.memory_space<vmem>>)
      tpu.yield
    }) : () -> ()
    "tpu.region"() ({
      %run_scoped3A = tpu.sem_alloc : memref<!tpu.dma_semaphore, #tpu.memory_space<semaphore_mem>>
      %dma_start3A_77 = tpu.memref_slice %arg4[%add3A_65] : memref<320000xi32, #tpu.memory_space<hbm>> -> memref<16xi32, #tpu.memory_space<hbm>>
      %dma_start3A_78 = tpu.memref_slice %arg4[%add3A_65] : memref<320000xi32, #tpu.memory_space<hbm>> -> memref<16xi32, #tpu.memory_space<hbm>>
      tpu.enqueue_dma source(%dma_start3A_78 : memref<16xi32, #tpu.memory_space<hbm>>) target(%arg24 : memref<16xi32, #tpu.memory_space<vmem>>) target_semaphore(%run_scoped3A : memref<!tpu.dma_semaphore, #tpu.memory_space<semaphore_mem>>)
      %dma_wait3A_79 = tpu.memref_slice %arg4[%add3A_65] : memref<320000xi32, #tpu.memory_space<hbm>> -> memref<16xi32, #tpu.memory_space<hbm>>
      %dma_wait3A_80 = tpu.memref_slice %arg4[%add3A_65] : memref<320000xi32, #tpu.memory_space<hbm>> -> memref<16xi32, #tpu.memory_space<hbm>>
      tpu.wait_dma2 semaphore(%run_scoped3A : memref<!tpu.dma_semaphore, #tpu.memory_space<semaphore_mem>>) src(%dma_wait3A_80 : memref<16xi32, #tpu.memory_space<hbm>>) dst(%arg24 : memref<16xi32, #tpu.memory_space<vmem>>)
      tpu.yield
    }) : () -> ()
    "tpu.region"() ({
      %run_scoped3A = tpu.sem_alloc : memref<!tpu.dma_semaphore, #tpu.memory_space<semaphore_mem>>
      %dma_start3A_77 = arith.constant 0 : i32
      %dma_start3A_78 = arith.constant 0 : i32
      %dma_start3A_79 = tpu.memref_slice %arg8[%dma_start3A_77, %dma_start3A_78] : memref<128x128xf32, #tpu.memory_space<vmem>> -> memref<16x128xf32, #tpu.memory_space<vmem>>
      %dma_start3A_80 = arith.constant 0 : i32
      %dma_start3A_81 = arith.constant 0 : i32
      %dma_start3A_82 = tpu.memref_slice %arg2[%dma_start3A_80, %dma_start3A_81] : memref<10000x128xf32, #tpu.memory_space<hbm>> -> memref<10000x128xf32, #tpu.memory_space<hbm>>
      tpu.enqueue_indirect_dma source(%dma_start3A_82 : memref<10000x128xf32, #tpu.memory_space<hbm>>) target(%dma_start3A_79 : memref<16x128xf32, #tpu.memory_space<vmem>>) offsets(%arg23 : memref<16xi32, #tpu.memory_space<vmem>>) semaphore(%run_scoped3A : memref<!tpu.dma_semaphore, #tpu.memory_space<semaphore_mem>>)
      %dma_wait3A_83 = arith.constant 0 : i32
      %dma_wait3A_84 = arith.constant 0 : i32
      %dma_wait3A_85 = tpu.memref_slice %arg8[%dma_wait3A_83, %dma_wait3A_84] : memref<128x128xf32, #tpu.memory_space<vmem>> -> memref<16x128xf32, #tpu.memory_space<vmem>>
      %dma_wait3A_86 = arith.constant 0 : i32
      %dma_wait3A_87 = arith.constant 0 : i32
      %dma_wait3A_88 = tpu.memref_slice %arg2[%dma_wait3A_86, %dma_wait3A_87] : memref<10000x128xf32, #tpu.memory_space<hbm>> -> memref<10000x128xf32, #tpu.memory_space<hbm>>
      tpu.wait_indirect_dma semaphore(%run_scoped3A : memref<!tpu.dma_semaphore, #tpu.memory_space<semaphore_mem>>) src(%dma_wait3A_88 : memref<10000x128xf32, #tpu.memory_space<hbm>>) dst(%dma_wait3A_85 : memref<16x128xf32, #tpu.memory_space<vmem>>)
      tpu.yield
    }) : () -> ()
    "tpu.region"() ({
      %run_scoped3A = tpu.sem_alloc : memref<!tpu.dma_semaphore, #tpu.memory_space<semaphore_mem>>
      %dma_start3A_77 = arith.constant 0 : i32
      %dma_start3A_78 = arith.constant 0 : i32
      %dma_start3A_79 = tpu.memref_slice %arg8[%dma_start3A_77, %dma_start3A_78] : memref<128x128xf32, #tpu.memory_space<vmem>> -> memref<16x128xf32, #tpu.memory_space<vmem>>
      %dma_start3A_80 = arith.constant 0 : i32
      %dma_start3A_81 = arith.constant 0 : i32
      %dma_start3A_82 = tpu.memref_slice %arg26[%dma_start3A_80, %dma_start3A_81] : memref<10000x128xf32, #tpu.memory_space<vmem_shared>> -> memref<10000x128xf32, #tpu.memory_space<vmem_shared>>
      tpu.enqueue_indirect_dma source(%dma_start3A_79 : memref<16x128xf32, #tpu.memory_space<vmem>>) target(%dma_start3A_82 : memref<10000x128xf32, #tpu.memory_space<vmem_shared>>) offsets(%arg24 : memref<16xi32, #tpu.memory_space<vmem>>) semaphore(%run_scoped3A : memref<!tpu.dma_semaphore, #tpu.memory_space<semaphore_mem>>) {add = true}
      %dma_wait3A_83 = arith.constant 0 : i32
      %dma_wait3A_84 = arith.constant 0 : i32
      %dma_wait3A_85 = tpu.memref_slice %arg8[%dma_wait3A_83, %dma_wait3A_84] : memref<128x128xf32, #tpu.memory_space<vmem>> -> memref<16x128xf32, #tpu.memory_space<vmem>>
      %dma_wait3A_86 = arith.constant 0 : i32
      %dma_wait3A_87 = arith.constant 0 : i32
      %dma_wait3A_88 = tpu.memref_slice %arg26[%dma_wait3A_86, %dma_wait3A_87] : memref<10000x128xf32, #tpu.memory_space<vmem_shared>> -> memref<10000x128xf32, #tpu.memory_space<vmem_shared>>
      tpu.wait_indirect_dma semaphore(%run_scoped3A : memref<!tpu.dma_semaphore, #tpu.memory_space<semaphore_mem>>) src(%dma_wait3A_85 : memref<16x128xf32, #tpu.memory_space<vmem>>) dst(%dma_wait3A_88 : memref<10000x128xf32, #tpu.memory_space<vmem_shared>>)
      tpu.yield
    }) : () -> ()
    %barrier3A_66 = arith.constant 0 : index
    tpu.barrier barrier_id(%barrier3A_66)
    %lt3A_67 = arith.constant 15 : i32
    %lt3A_68 = arith.cmpi slt, %arg1, %lt3A_67 : i32
    %convert_element_type3A_69 = arith.extui %lt3A_68 : i1 to i32
    %cond3A_70 = arith.constant 0 : i32
    %cond3A_71 = arith.cmpi ne, %convert_element_type3A_69, %cond3A_70 : i32
    scf.if %cond3A_71 {
      %mul3A_77 = arith.constant 632 : i32
      %mul3A_78 = arith.muli %arg1, %mul3A_77 : i32
      %mul3A_79 = arith.constant 632 : i32
      %mul3A_80 = arith.muli %arg1, %mul3A_79 : i32
      "tpu.region"() ({
        %run_scoped3A = tpu.sem_alloc : memref<!tpu.dma_semaphore, #tpu.memory_space<semaphore_mem>>
        %dma_start3A_81 = arith.constant 0 : i32
        %dma_start3A_82 = arith.constant 0 : i32
        %dma_start3A_83 = tpu.memref_slice %arg7[%arg0, %dma_start3A_81, %dma_start3A_82] : memref<2x10000x128xf32, #tpu.memory_space<hbm>> -> memref<1x10000x128xf32, #tpu.memory_space<hbm>>
        %dma_start3A_84 = tpu.memref_squeeze %dma_start3A_83 : memref<1x10000x128xf32, #tpu.memory_space<hbm>> -> memref<10000x128xf32, #tpu.memory_space<hbm>>
        %dma_start3A_85 = arith.constant 0 : i32
        %dma_start3A_86 = tpu.memref_slice %dma_start3A_84[%mul3A_80, %dma_start3A_85] : memref<10000x128xf32, #tpu.memory_space<hbm>> -> memref<632x128xf32, #tpu.memory_space<hbm>>
        %dma_start3A_87 = arith.constant 0 : i32
        %dma_start3A_88 = tpu.memref_slice %arg26[%mul3A_78, %dma_start3A_87] : memref<10000x128xf32, #tpu.memory_space<vmem_shared>> -> memref<632x128xf32, #tpu.memory_space<vmem_shared>>
        tpu.enqueue_dma source(%dma_start3A_88 : memref<632x128xf32, #tpu.memory_space<vmem_shared>>) target(%dma_start3A_86 : memref<632x128xf32, #tpu.memory_space<hbm>>) target_semaphore(%run_scoped3A : memref<!tpu.dma_semaphore, #tpu.memory_space<semaphore_mem>>)
        %dma_wait3A_89 = arith.constant 0 : i32
        %dma_wait3A_90 = arith.constant 0 : i32
        %dma_wait3A_91 = tpu.memref_slice %arg7[%arg0, %dma_wait3A_89, %dma_wait3A_90] : memref<2x10000x128xf32, #tpu.memory_space<hbm>> -> memref<1x10000x128xf32, #tpu.memory_space<hbm>>
        %dma_wait3A_92 = tpu.memref_squeeze %dma_wait3A_91 : memref<1x10000x128xf32, #tpu.memory_space<hbm>> -> memref<10000x128xf32, #tpu.memory_space<hbm>>
        %dma_wait3A_93 = arith.constant 0 : i32
        %dma_wait3A_94 = tpu.memref_slice %dma_wait3A_92[%mul3A_80, %dma_wait3A_93] : memref<10000x128xf32, #tpu.memory_space<hbm>> -> memref<632x128xf32, #tpu.memory_space<hbm>>
        %dma_wait3A_95 = arith.constant 0 : i32
        %dma_wait3A_96 = tpu.memref_slice %arg26[%mul3A_78, %dma_wait3A_95] : memref<10000x128xf32, #tpu.memory_space<vmem_shared>> -> memref<632x128xf32, #tpu.memory_space<vmem_shared>>
        tpu.wait_dma2 semaphore(%run_scoped3A : memref<!tpu.dma_semaphore, #tpu.memory_space<semaphore_mem>>) src(%dma_wait3A_96 : memref<632x128xf32, #tpu.memory_space<vmem_shared>>) dst(%dma_wait3A_94 : memref<632x128xf32, #tpu.memory_space<hbm>>)
        tpu.yield
      }) : () -> ()
    } else {
    }
    %eq3A_72 = arith.constant 15 : i32
    %eq3A_73 = arith.cmpi eq, %arg1, %eq3A_72 : i32
    %convert_element_type3A_74 = arith.extui %eq3A_73 : i1 to i32
    %cond3A_75 = arith.constant 0 : i32
    %cond3A_76 = arith.cmpi ne, %convert_element_type3A_74, %cond3A_75 : i32
    scf.if %cond3A_76 {
      "tpu.region"() ({
        %run_scoped3A = tpu.sem_alloc : memref<!tpu.dma_semaphore, #tpu.memory_space<semaphore_mem>>
        %dma_start3A_77 = arith.constant 0 : i32
        %dma_start3A_78 = arith.constant 0 : i32
        %dma_start3A_79 = tpu.memref_slice %arg7[%arg0, %dma_start3A_77, %dma_start3A_78] : memref<2x10000x128xf32, #tpu.memory_space<hbm>> -> memref<1x10000x128xf32, #tpu.memory_space<hbm>>
        %dma_start3A_80 = tpu.memref_squeeze %dma_start3A_79 : memref<1x10000x128xf32, #tpu.memory_space<hbm>> -> memref<10000x128xf32, #tpu.memory_space<hbm>>
        %dma_start3A_81 = arith.constant 9480 : i32
        %dma_start3A_82 = arith.constant 0 : i32
        %dma_start3A_83 = tpu.memref_slice %dma_start3A_80[%dma_start3A_81, %dma_start3A_82] : memref<10000x128xf32, #tpu.memory_space<hbm>> -> memref<520x128xf32, #tpu.memory_space<hbm>>
        %dma_start3A_84 = arith.constant 9480 : i32
        %dma_start3A_85 = arith.constant 0 : i32
        %dma_start3A_86 = tpu.memref_slice %arg26[%dma_start3A_84, %dma_start3A_85] : memref<10000x128xf32, #tpu.memory_space<vmem_shared>> -> memref<520x128xf32, #tpu.memory_space<vmem_shared>>
        tpu.enqueue_dma source(%dma_start3A_86 : memref<520x128xf32, #tpu.memory_space<vmem_shared>>) target(%dma_start3A_83 : memref<520x128xf32, #tpu.memory_space<hbm>>) target_semaphore(%run_scoped3A : memref<!tpu.dma_semaphore, #tpu.memory_space<semaphore_mem>>)
        %dma_wait3A_87 = arith.constant 0 : i32
        %dma_wait3A_88 = arith.constant 0 : i32
        %dma_wait3A_89 = tpu.memref_slice %arg7[%arg0, %dma_wait3A_87, %dma_wait3A_88] : memref<2x10000x128xf32, #tpu.memory_space<hbm>> -> memref<1x10000x128xf32, #tpu.memory_space<hbm>>
        %dma_wait3A_90 = tpu.memref_squeeze %dma_wait3A_89 : memref<1x10000x128xf32, #tpu.memory_space<hbm>> -> memref<10000x128xf32, #tpu.memory_space<hbm>>
        %dma_wait3A_91 = arith.constant 9480 : i32
        %dma_wait3A_92 = arith.constant 0 : i32
        %dma_wait3A_93 = tpu.memref_slice %dma_wait3A_90[%dma_wait3A_91, %dma_wait3A_92] : memref<10000x128xf32, #tpu.memory_space<hbm>> -> memref<520x128xf32, #tpu.memory_space<hbm>>
        %dma_wait3A_94 = arith.constant 9480 : i32
        %dma_wait3A_95 = arith.constant 0 : i32
        %dma_wait3A_96 = tpu.memref_slice %arg26[%dma_wait3A_94, %dma_wait3A_95] : memref<10000x128xf32, #tpu.memory_space<vmem_shared>> -> memref<520x128xf32, #tpu.memory_space<vmem_shared>>
        tpu.wait_dma2 semaphore(%run_scoped3A : memref<!tpu.dma_semaphore, #tpu.memory_space<semaphore_mem>>) src(%dma_wait3A_96 : memref<520x128xf32, #tpu.memory_space<vmem_shared>>) dst(%dma_wait3A_93 : memref<520x128xf32, #tpu.memory_space<hbm>>)
        tpu.yield
      }) : () -> ()
    } else {
    }
    return
  }
}

module attributes {stable_mosaic.version = 14 : i64} {
  func.func @_dense_r_body(%arg0: i32, %arg1: memref<1000x128xf32, #tpu.memory_space<vmem>>, %arg2: memref<128x128xf32, #tpu.memory_space<vmem>>, %arg3: memref<1x128xf32, #tpu.memory_space<vmem>>, %arg4: memref<1000x128xf32, #tpu.memory_space<vmem>>) attributes {dimension_semantics = [#tpu.dimension_semantics<arbitrary>], iteration_bounds = array<i64: 10>, scalar_prefetch = 0 : i64, scratch_operands = 0 : i64, tpu.core_type = #tpu.core_type<tc>, window_params = [{transform_indices = @transform_0, window_bounds = array<i64: 1000, 128>}, {pipeline_mode = #tpu.pipeline_mode<synchronous>, transform_indices = @transform_1, window_bounds = array<i64: 128, 128>}, {pipeline_mode = #tpu.pipeline_mode<synchronous>, transform_indices = @transform_2, window_bounds = array<i64: 1, 128>}, {transform_indices = @transform_3, window_bounds = array<i64: 1000, 128>}]} {
    %get3A = arith.constant 0 : index
    %get3A_0 = arith.constant 0 : index
    %get3A_1 = vector.load %arg1[%get3A, %get3A_0] : memref<1000x128xf32, #tpu.memory_space<vmem>>, vector<1000x128xf32>
    %get3A_2 = arith.constant 0 : index
    %get3A_3 = arith.constant 0 : index
    %get3A_4 = vector.load %arg2[%get3A_2, %get3A_3] : memref<128x128xf32, #tpu.memory_space<vmem>>, vector<128x128xf32>
    %dot_general3A = arith.constant dense<0.000000e+00> : vector<1000x128xf32>
    %dot_general3A_5 = tpu.matmul %get3A_1, %get3A_4, %dot_general3A {dimension_numbers = #tpu.dot_dimension_numbers<[1], [1], [0], [0], [0, 0, 1, 0], [], []>, transpose_lhs_hint = false} : vector<1000x128xf32>, vector<128x128xf32>, vector<1000x128xf32> -> vector<1000x128xf32>
    %get3A_6 = arith.constant 0 : index
    %get3A_7 = arith.constant 0 : index
    %get3A_8 = vector.load %arg3[%get3A_6, %get3A_7] : memref<1x128xf32, #tpu.memory_space<vmem>>, vector<1x128xf32>
    %add3A = vector.broadcast %get3A_8 : vector<1x128xf32> to vector<1000x128xf32>
    %add3A_9 = arith.addf %dot_general3A_5, %add3A : vector<1000x128xf32>
    %swap3A = arith.constant 0 : index
    %swap3A_10 = arith.constant 0 : index
    %swap3A_11 = vector.load %arg4[%swap3A, %swap3A_10] : memref<1000x128xf32, #tpu.memory_space<vmem>>, vector<1000x128xf32>
    tpu.vector_store %arg4[%swap3A, %swap3A_10], %add3A_9 {strides = array<i32>} : memref<1000x128xf32, #tpu.memory_space<vmem>>, vector<1000x128xf32>,
    return
  }
  func.func @transform_0(%arg0: i32) -> (i32, i32) {
    %c0_i32 = arith.constant 0 : i32
    %c0_i32_0 = arith.constant 0 : i32
    return %arg0, %c0_i32 : i32, i32
  }
  func.func @transform_1(%arg0: i32) -> (i32, i32) {
    %c0_i32 = arith.constant 0 : i32
    %c0_i32_0 = arith.constant 0 : i32
    %c0_i32_1 = arith.constant 0 : i32
    return %c0_i32, %c0_i32_0 : i32, i32
  }
  func.func @transform_2(%arg0: i32) -> (i32, i32) {
    %c0_i32 = arith.constant 0 : i32
    %c0_i32_0 = arith.constant 0 : i32
    %c0_i32_1 = arith.constant 0 : i32
    return %c0_i32, %c0_i32_0 : i32, i32
  }
  func.func @transform_3(%arg0: i32) -> (i32, i32) {
    %c0_i32 = arith.constant 0 : i32
    %c0_i32_0 = arith.constant 0 : i32
    return %arg0, %c0_i32 : i32, i32
  }
}

module attributes {stable_mosaic.version = 14 : i64} {
  func.func @_dense_l_body(%arg0: i32, %arg1: memref<2x1000x128xf32, #tpu.memory_space<vmem>>, %arg2: memref<2x1000x1xf32, #tpu.memory_space<vmem>>, %arg3: memref<1000x128xf32, #tpu.memory_space<vmem>>, %arg4: memref<128x128xf32, #tpu.memory_space<vmem>>, %arg5: memref<1x1xf32, #tpu.memory_space<vmem>>, %arg6: memref<1000x128xf32, #tpu.memory_space<vmem>>) attributes {dimension_semantics = [#tpu.dimension_semantics<arbitrary>], iteration_bounds = array<i64: 10>, scalar_prefetch = 0 : i64, scratch_operands = 0 : i64, tpu.core_type = #tpu.core_type<tc>, window_params = [{transform_indices = @transform_0, window_bounds = array<i64: 2, 1000, 128>}, {transform_indices = @transform_1, window_bounds = array<i64: 2, 1000, 1>}, {transform_indices = @transform_2, window_bounds = array<i64: 1000, 128>}, {pipeline_mode = #tpu.pipeline_mode<synchronous>, transform_indices = @transform_3, window_bounds = array<i64: 128, 128>}, {pipeline_mode = #tpu.pipeline_mode<synchronous>, transform_indices = @transform_4, window_bounds = array<i64: 1, 1>}, {transform_indices = @transform_5, window_bounds = array<i64: 1000, 128>}]} {
    %get3A = arith.constant 0 : index
    %get3A_0 = arith.constant 0 : index
    %get3A_1 = arith.constant 0 : index
    %get3A_2 = vector.load %arg2[%get3A, %get3A_0, %get3A_1] : memref<2x1000x1xf32, #tpu.memory_space<vmem>>, vector<1x1000x1xf32>
    %get3A_3 = vector.shape_cast %get3A_2 : vector<1x1000x1xf32> to vector<1000x1xf32>
    %get3A_4 = arith.constant 1 : index
    %get3A_5 = arith.constant 0 : index
    %get3A_6 = arith.constant 0 : index
    %get3A_7 = vector.load %arg2[%get3A_4, %get3A_5, %get3A_6] : memref<2x1000x1xf32, #tpu.memory_space<vmem>>, vector<1x1000x1xf32>
    %get3A_8 = vector.shape_cast %get3A_7 : vector<1x1000x1xf32> to vector<1000x1xf32>
    %add3A = arith.addf %get3A_3, %get3A_8 : vector<1000x1xf32>
    %get3A_9 = arith.constant 0 : index
    %get3A_10 = arith.constant 0 : index
    %get3A_11 = arith.constant 0 : index
    %get3A_12 = vector.load %arg1[%get3A_9, %get3A_10, %get3A_11] : memref<2x1000x128xf32, #tpu.memory_space<vmem>>, vector<1x1000x128xf32>
    %get3A_13 = vector.shape_cast %get3A_12 : vector<1x1000x128xf32> to vector<1000x128xf32>
    %get3A_14 = arith.constant 1 : index
    %get3A_15 = arith.constant 0 : index
    %get3A_16 = arith.constant 0 : index
    %get3A_17 = vector.load %arg1[%get3A_14, %get3A_15, %get3A_16] : memref<2x1000x128xf32, #tpu.memory_space<vmem>>, vector<1x1000x128xf32>
    %get3A_18 = vector.shape_cast %get3A_17 : vector<1x1000x128xf32> to vector<1000x128xf32>
    %add3A_19 = arith.addf %get3A_13, %get3A_18 : vector<1000x128xf32>
    %max3A = arith.constant 1.000000e+00 : f32
    %max3A_20 = vector.broadcast %max3A : f32 to vector<1000x1xf32>
    %max3A_21 = arith.maximumf %add3A, %max3A_20 : vector<1000x1xf32>
    %div3A = vector.broadcast %max3A_21 : vector<1000x1xf32> to vector<1000x128xf32>
    %div3A_22 = arith.divf %add3A_19, %div3A : vector<1000x128xf32>
    %get3A_23 = arith.constant 0 : index
    %get3A_24 = arith.constant 0 : index
    %get3A_25 = vector.load %arg4[%get3A_23, %get3A_24] : memref<128x128xf32, #tpu.memory_space<vmem>>, vector<128x128xf32>
    %dot_general3A = arith.constant dense<0.000000e+00> : vector<1000x128xf32>
    %dot_general3A_26 = tpu.matmul %div3A_22, %get3A_25, %dot_general3A {dimension_numbers = #tpu.dot_dimension_numbers<[1], [1], [0], [0], [0, 0, 1, 0], [], []>, transpose_lhs_hint = false} : vector<1000x128xf32>, vector<128x128xf32>, vector<1000x128xf32> -> vector<1000x128xf32>
    %get3A_27 = arith.constant 0 : index
    %get3A_28 = arith.constant 0 : index
    %get3A_29 = vector.load %arg3[%get3A_27, %get3A_28] : memref<1000x128xf32, #tpu.memory_space<vmem>>, vector<1000x128xf32>
    %add3A_30 = arith.addf %dot_general3A_26, %get3A_29 : vector<1000x128xf32>
    %max3A_31 = arith.constant 0.000000e+00 : f32
    %max3A_32 = vector.broadcast %max3A_31 : f32 to vector<1000x128xf32>
    %max3A_33 = arith.maximumf %add3A_30, %max3A_32 : vector<1000x128xf32>
    %get3A_34 = arith.constant 0 : index
    %get3A_35 = arith.constant 0 : index
    %get3A_36 = vector.load %arg5[%get3A_34, %get3A_35] : memref<1x1xf32, #tpu.memory_space<vmem>>, vector<1x1xf32>
    %get3A_37 = vector.extract %get3A_36[0, 0] : f32 from vector<1x1xf32>
    %mul3A = vector.broadcast %get3A_37 : f32 to vector<1000x128xf32>
    %mul3A_38 = arith.mulf %max3A_33, %mul3A : vector<1000x128xf32>
    %swap3A = arith.constant 0 : index
    %swap3A_39 = arith.constant 0 : index
    %swap3A_40 = vector.load %arg6[%swap3A, %swap3A_39] : memref<1000x128xf32, #tpu.memory_space<vmem>>, vector<1000x128xf32>
    tpu.vector_store %arg6[%swap3A, %swap3A_39], %mul3A_38 {strides = array<i32>} : memref<1000x128xf32, #tpu.memory_space<vmem>>, vector<1000x128xf32>,
    return
  }
  func.func @transform_0(%arg0: i32) -> (i32, i32, i32) {
    %c0_i32 = arith.constant 0 : i32
    %c0_i32_0 = arith.constant 0 : i32
    %c0_i32_1 = arith.constant 0 : i32
    return %c0_i32, %arg0, %c0_i32_0 : i32, i32, i32
  }
  func.func @transform_1(%arg0: i32) -> (i32, i32, i32) {
    %c0_i32 = arith.constant 0 : i32
    %c0_i32_0 = arith.constant 0 : i32
    %c0_i32_1 = arith.constant 0 : i32
    return %c0_i32, %arg0, %c0_i32_0 : i32, i32, i32
  }
  func.func @transform_2(%arg0: i32) -> (i32, i32) {
    %c0_i32 = arith.constant 0 : i32
    %c0_i32_0 = arith.constant 0 : i32
    return %arg0, %c0_i32 : i32, i32
  }
  func.func @transform_3(%arg0: i32) -> (i32, i32) {
    %c0_i32 = arith.constant 0 : i32
    %c0_i32_0 = arith.constant 0 : i32
    %c0_i32_1 = arith.constant 0 : i32
    return %c0_i32, %c0_i32_0 : i32, i32
  }
  func.func @transform_4(%arg0: i32) -> (i32, i32) {
    %c0_i32 = arith.constant 0 : i32
    %c0_i32_0 = arith.constant 0 : i32
    %c0_i32_1 = arith.constant 0 : i32
    return %c0_i32, %c0_i32_0 : i32, i32
  }
  func.func @transform_5(%arg0: i32) -> (i32, i32) {
    %c0_i32 = arith.constant 0 : i32
    %c0_i32_0 = arith.constant 0 : i32
    return %arg0, %c0_i32 : i32, i32
  }
}

module attributes {stable_mosaic.version = 14 : i64} {
  func.func @_dense_l_body(%arg0: i32, %arg1: memref<2x1000x128xf32, #tpu.memory_space<vmem>>, %arg2: memref<2x1000x1xf32, #tpu.memory_space<vmem>>, %arg3: memref<1000x128xf32, #tpu.memory_space<vmem>>, %arg4: memref<128x128xf32, #tpu.memory_space<vmem>>, %arg5: memref<1x1xf32, #tpu.memory_space<vmem>>, %arg6: memref<1000x128xf32, #tpu.memory_space<vmem>>) attributes {dimension_semantics = [#tpu.dimension_semantics<arbitrary>], iteration_bounds = array<i64: 10>, scalar_prefetch = 0 : i64, scratch_operands = 0 : i64, tpu.core_type = #tpu.core_type<tc>, window_params = [{transform_indices = @transform_0, window_bounds = array<i64: 2, 1000, 128>}, {transform_indices = @transform_1, window_bounds = array<i64: 2, 1000, 1>}, {transform_indices = @transform_2, window_bounds = array<i64: 1000, 128>}, {pipeline_mode = #tpu.pipeline_mode<synchronous>, transform_indices = @transform_3, window_bounds = array<i64: 128, 128>}, {pipeline_mode = #tpu.pipeline_mode<synchronous>, transform_indices = @transform_4, window_bounds = array<i64: 1, 1>}, {transform_indices = @transform_5, window_bounds = array<i64: 1000, 128>}]} {
    %get3A = arith.constant 0 : index
    %get3A_0 = arith.constant 0 : index
    %get3A_1 = arith.constant 0 : index
    %get3A_2 = vector.load %arg2[%get3A, %get3A_0, %get3A_1] : memref<2x1000x1xf32, #tpu.memory_space<vmem>>, vector<1x1000x1xf32>
    %get3A_3 = vector.shape_cast %get3A_2 : vector<1x1000x1xf32> to vector<1000x1xf32>
    %get3A_4 = arith.constant 1 : index
    %get3A_5 = arith.constant 0 : index
    %get3A_6 = arith.constant 0 : index
    %get3A_7 = vector.load %arg2[%get3A_4, %get3A_5, %get3A_6] : memref<2x1000x1xf32, #tpu.memory_space<vmem>>, vector<1x1000x1xf32>
    %get3A_8 = vector.shape_cast %get3A_7 : vector<1x1000x1xf32> to vector<1000x1xf32>
    %add3A = arith.addf %get3A_3, %get3A_8 : vector<1000x1xf32>
    %get3A_9 = arith.constant 0 : index
    %get3A_10 = arith.constant 0 : index
    %get3A_11 = arith.constant 0 : index
    %get3A_12 = vector.load %arg1[%get3A_9, %get3A_10, %get3A_11] : memref<2x1000x128xf32, #tpu.memory_space<vmem>>, vector<1x1000x128xf32>
    %get3A_13 = vector.shape_cast %get3A_12 : vector<1x1000x128xf32> to vector<1000x128xf32>
    %get3A_14 = arith.constant 1 : index
    %get3A_15 = arith.constant 0 : index
    %get3A_16 = arith.constant 0 : index
    %get3A_17 = vector.load %arg1[%get3A_14, %get3A_15, %get3A_16] : memref<2x1000x128xf32, #tpu.memory_space<vmem>>, vector<1x1000x128xf32>
    %get3A_18 = vector.shape_cast %get3A_17 : vector<1x1000x128xf32> to vector<1000x128xf32>
    %add3A_19 = arith.addf %get3A_13, %get3A_18 : vector<1000x128xf32>
    %max3A = arith.constant 1.000000e+00 : f32
    %max3A_20 = vector.broadcast %max3A : f32 to vector<1000x1xf32>
    %max3A_21 = arith.maximumf %add3A, %max3A_20 : vector<1000x1xf32>
    %div3A = vector.broadcast %max3A_21 : vector<1000x1xf32> to vector<1000x128xf32>
    %div3A_22 = arith.divf %add3A_19, %div3A : vector<1000x128xf32>
    %get3A_23 = arith.constant 0 : index
    %get3A_24 = arith.constant 0 : index
    %get3A_25 = vector.load %arg4[%get3A_23, %get3A_24] : memref<128x128xf32, #tpu.memory_space<vmem>>, vector<128x128xf32>
    %dot_general3A = arith.constant dense<0.000000e+00> : vector<1000x128xf32>
    %dot_general3A_26 = tpu.matmul %div3A_22, %get3A_25, %dot_general3A {dimension_numbers = #tpu.dot_dimension_numbers<[1], [1], [0], [0], [0, 0, 1, 0], [], []>, transpose_lhs_hint = false} : vector<1000x128xf32>, vector<128x128xf32>, vector<1000x128xf32> -> vector<1000x128xf32>
    %get3A_27 = arith.constant 0 : index
    %get3A_28 = arith.constant 0 : index
    %get3A_29 = vector.load %arg3[%get3A_27, %get3A_28] : memref<1000x128xf32, #tpu.memory_space<vmem>>, vector<1000x128xf32>
    %add3A_30 = arith.addf %dot_general3A_26, %get3A_29 : vector<1000x128xf32>
    %max3A_31 = arith.constant 0.000000e+00 : f32
    %max3A_32 = vector.broadcast %max3A_31 : f32 to vector<1000x128xf32>
    %max3A_33 = arith.maximumf %add3A_30, %max3A_32 : vector<1000x128xf32>
    %get3A_34 = arith.constant 0 : index
    %get3A_35 = arith.constant 0 : index
    %get3A_36 = vector.load %arg5[%get3A_34, %get3A_35] : memref<1x1xf32, #tpu.memory_space<vmem>>, vector<1x1xf32>
    %get3A_37 = vector.extract %get3A_36[0, 0] : f32 from vector<1x1xf32>
    %mul3A = vector.broadcast %get3A_37 : f32 to vector<1000x128xf32>
    %mul3A_38 = arith.mulf %max3A_33, %mul3A : vector<1000x128xf32>
    %swap3A = arith.constant 0 : index
    %swap3A_39 = arith.constant 0 : index
    %swap3A_40 = vector.load %arg6[%swap3A, %swap3A_39] : memref<1000x128xf32, #tpu.memory_space<vmem>>, vector<1000x128xf32>
    tpu.vector_store %arg6[%swap3A, %swap3A_39], %mul3A_38 {strides = array<i32>} : memref<1000x128xf32, #tpu.memory_space<vmem>>, vector<1000x128xf32>,
    return
  }
  func.func @transform_0(%arg0: i32) -> (i32, i32, i32) {
    %c0_i32 = arith.constant 0 : i32
    %c0_i32_0 = arith.constant 0 : i32
    %c0_i32_1 = arith.constant 0 : i32
    return %c0_i32, %arg0, %c0_i32_0 : i32, i32, i32
  }
  func.func @transform_1(%arg0: i32) -> (i32, i32, i32) {
    %c0_i32 = arith.constant 0 : i32
    %c0_i32_0 = arith.constant 0 : i32
    %c0_i32_1 = arith.constant 0 : i32
    return %c0_i32, %arg0, %c0_i32_0 : i32, i32, i32
  }
  func.func @transform_2(%arg0: i32) -> (i32, i32) {
    %c0_i32 = arith.constant 0 : i32
    %c0_i32_0 = arith.constant 0 : i32
    return %arg0, %c0_i32 : i32, i32
  }
  func.func @transform_3(%arg0: i32) -> (i32, i32) {
    %c0_i32 = arith.constant 0 : i32
    %c0_i32_0 = arith.constant 0 : i32
    %c0_i32_1 = arith.constant 0 : i32
    return %c0_i32, %c0_i32_0 : i32, i32
  }
  func.func @transform_4(%arg0: i32) -> (i32, i32) {
    %c0_i32 = arith.constant 0 : i32
    %c0_i32_0 = arith.constant 0 : i32
    %c0_i32_1 = arith.constant 0 : i32
    return %c0_i32, %c0_i32_0 : i32, i32
  }
  func.func @transform_5(%arg0: i32) -> (i32, i32) {
    %c0_i32 = arith.constant 0 : i32
    %c0_i32_0 = arith.constant 0 : i32
    return %arg0, %c0_i32 : i32, i32
  }
}

</mosaic_0001>

<sc_bundles>
// kernel: kernel.11.cloned.1.call-start
scs
__scs_entry_jumppad:
0x0: {  	(pc) =	sbr.rel $0x88, $3  }
0x1: {  	(tag) =	ssettag $0x0;
	lr =	simm.s32 $0x1  }
0x2: {  	[smem:$0x3F97] =	sst lr;
	_ =	strace $0xD0000000  }
0x3: {  	_ = 	snop  }
0x4: {  	_ = 	snop  }
0x5: {  	_ = 	snop  }
0x6: {  	_ = 	snop  }
0x7: {  	_ = 	snop  }
__scs_overlays_trampoline_lowered:
0x8: {  	[smem:$0x3FA6] =	sst s0  }
0x9: {  	[smem:$0x3FA7] =	sst s1  }
0xa: {  	[smem:$0x3FA8] =	sst s2  }
0xb: {  	[smem:$0x3FA9] =	sst s3  }
0xc: {  	[smem:$0x3FAA] =	sst s4  }
0xd: {  	[smem:$0x3FAB] =	sst s5  }
0xe: {  	[smem:$0x3FAC] =	sst s6  }
0xf: {  	[smem:$0x3FAD] =	sst s7  }
0x10: {  	[smem:$0x3FAE] =	sst s8  }
0x11: {  	[smem:$0x3FAF] =	sst s9;
	s0 =	simm.s32 @!p0 $0x0  }
0x12: {  	s1 =	sld [smem:$0x3F95];
	s0 =	simm.s32 @p0 $0x1  }
0x13: {  	[smem:$0x3FB0] =	sst s0;
	s0 =	simm.s32 @!p1 $0x0  }
0x14: {  	s2 =	sld [smem:$0x3F94];
	s0 =	simm.s32 @p1 $0x1  }
0x15: {  	[smem:$0x3FB1] =	sst s0;
	s0 =	simm.s32 @!p2 $0x0  }
0x16: {  	s3 =	sld [smem:$0x3FDB];
	s0 =	simm.s32 @p2 $0x1  }
0x17: {  	s4 =	simm.s32 $0x1BF5;
	[smem:$0x3FB3] =	sst s0  }
0x18: {  	s0 =	sld [smem:$0x3F96];
	_ =	swait.ge [sflag:s4], $0x0  }
0x19: {  	s7 =	sld [smem:$0x3F97]  }
0x1a: {  	s8 =	sadd.s32 $0xFFFFE003, lr  }
0x1b: {  	s9 =	sadd.s32 $0xFFFFFEF7, lr;
	s5 =	simm.s32 $0xFFFFFFFF;
	p2 =	slt.u32 s8, $0xFFFFF086  }
0x1c: {  	p1 =	slt.u32 s9, $0xF7A;
	s5 =	simm.s32 @!p2 $0x0  }
0x1d: {  	s5 =	simm.s32 @p1 $0x1;
	p0 =	seq.s32 s7, s2  }
0x1e: {  	s7 =	smul.u32 @!p0 $0xF7A, s2;
	p2 =	seq.s32 @!p0 s5, $0x0  }
0x1f: {  	s9 =	smul.u32 $0xF7A, s1;
	s8 =	simm.s32 @!p0 $0x1BF5;
	p2 =	por !p2, p0  }
0x20: {  	[sflag:s8] =	ssyncset.s32 @!p0 $0xFFFFF086;
	s6 =	sadd.s32 @!p0 s3, s7;
	s7 =	simm.s32 @!p0 $0x108  }
0x21: {  	s3 =	sadd.s32 s3, s9;
	s6 =	sadd.s32 @!p0 $0x88, s6;
	s7 =	simm.s32 @p2 $0x1082  }
0x22: {  	[simem:s7], [sflag:s8] =	dma.local @!p0 [hbm:s6], $0xF7A  }
0x23: {  	s9 =	sor.u32 $0xD0000000, s2;
	s6 =	simm.s32 $0x108;
	_ =	swait.ge @!p0 [sflag:s8], $0x0  }
0x24: {  	s3 =	sadd.s32 $0x88, s3;
	s6 =	simm.s32 @!p1 $0x1082;
	[sflag:s4] =	ssyncset.s32 $0xFFFFF086  }
0x25: {  	[simem:s6], [sflag:s4] =	dma.local [hbm:s3], $0xF7A  }
0x26: {  	[smem:$0x3F97] =	sst s1;
	(tag) =	ssettag s2;
	_ =	strace s9  }
0x27: {  	s1 =	sld [smem:$0x3FA7]  }
0x28: {  	s2 =	sld [smem:$0x3FA8]  }
0x29: {  	s4 =	sld [smem:$0x3FAA]  }
0x2a: {  	p0 =	seq.s32 s5, $0x0;
	s5 =	sld [smem:$0x3FAB]  }
0x2b: {  	s6 =	sld [smem:$0x3FAC]  }
0x2c: {  	s7 =	sld [smem:$0x3FAD]  }
0x2d: {  	s3 =	simm.s32 $0x108;
	s8 =	sld [smem:$0x3FAE]  }
0x2e: {  	s3 =	simm.s32 @!p0 $0x1082;
	s9 =	sld [smem:$0x3FAF]  }
0x2f: {  	lr =	sadd.s32 s0, s3;
	s0 =	sld [smem:$0x3FA6]  }
0x30: {  	s3 =	sld [smem:$0x3FA9]  }
0x31: {  	[smem:$0x3FB2] =	sst s10  }
0x32: {  	s10 =	sld [smem:$0x3FB0];
	_ =	sdelay $0x3  }
0x33: {  	p0 =	seq.s32 s10, $0x1;
	s10 =	sld [smem:$0x3FB2];
	_ =	sdelay $0x3  }
0x34: {  	[smem:$0x3FB2] =	sst s10  }
0x35: {  	s10 =	sld [smem:$0x3FB1];
	_ =	sdelay $0x3  }
0x36: {  	p1 =	seq.s32 s10, $0x1;
	s10 =	sld [smem:$0x3FB2];
	_ =	sdelay $0x3  }
0x37: {  	[smem:$0x3FB2] =	sst s10  }
0x38: {  	s10 =	sld [smem:$0x3FB3]  }
0x39: {  	_ = 	snop;
	(pc) =	sbr.ind lr, $3  }
0x3a: {  	_ = 	snop  }
0x3b: {  	_ = 	snop  }
0x3c: {  	p2 =	seq.s32 s10, $0x1;
	s10 =	sld [smem:$0x3FB2]  }
0x3d: {  	_ =	shalt  }
0x3e: {  	_ =	shalt  }
0x3f: {  	_ =	shalt  }
0x40: {  	_ =	shalt  }
0x41: {  	_ =	shalt  }
0x42: {  	_ =	shalt  }
0x43: {  	_ =	shalt  }
0x44: {  	_ =	shalt  }
0x45: {  	_ =	shalt  }
0x46: {  	_ =	shalt  }
0x47: {  	_ =	shalt  }
0x48: {  	_ =	shalt  }
0x49: {  	_ =	shalt  }
0x4a: {  	_ =	shalt  }
0x4b: {  	_ =	shalt  }
0x4c: {  	_ =	shalt  }
0x4d: {  	_ =	shalt  }
0x4e: {  	_ =	shalt  }
0x4f: {  	_ =	shalt  }
0x50: {  	_ =	shalt  }
0x51: {  	_ =	shalt  }
0x52: {  	_ =	shalt  }
0x53: {  	_ =	shalt  }
0x54: {  	_ =	shalt  }
0x55: {  	_ =	shalt  }
0x56: {  	_ =	shalt  }
0x57: {  	_ =	shalt  }
0x58: {  	_ =	shalt  }
0x59: {  	_ =	shalt  }
0x5a: {  	_ =	shalt  }
0x5b: {  	_ =	shalt  }
0x5c: {  	_ =	shalt  }
0x5d: {  	_ =	shalt  }
0x5e: {  	_ =	shalt  }
0x5f: {  	_ =	shalt  }
0x60: {  	_ =	shalt  }
0x61: {  	_ =	shalt  }
0x62: {  	_ =	shalt  }
0x63: {  	_ =	shalt  }
0x64: {  	_ =	shalt  }
0x65: {  	_ =	shalt  }
0x66: {  	_ =	shalt  }
0x67: {  	_ =	shalt  }
0x68: {  	_ =	shalt  }
0x69: {  	_ =	shalt  }
0x6a: {  	_ =	shalt  }
0x6b: {  	_ =	shalt  }
0x6c: {  	_ =	shalt  }
0x6d: {  	_ =	shalt  }
0x6e: {  	_ =	shalt  }
0x6f: {  	_ =	shalt  }
0x70: {  	_ =	shalt  }
0x71: {  	_ =	shalt  }
0x72: {  	_ =	shalt  }
0x73: {  	_ =	shalt  }
0x74: {  	_ =	shalt  }
0x75: {  	_ =	shalt  }
0x76: {  	_ =	shalt  }
0x77: {  	_ =	shalt  }
0x78: {  	_ =	shalt  }
0x79: {  	_ =	shalt  }
0x7a: {  	_ =	shalt  }
0x7b: {  	_ =	shalt  }
0x7c: {  	_ =	shalt  }
0x7d: {  	_ =	shalt  }
0x7e: {  	_ =	shalt  }
0x7f: {  	_ =	shalt  }
0x80: {  	_ =	shalt  }
0x81: {  	_ =	shalt  }
0x82: {  	_ =	shalt  }
0x83: {  	_ =	shalt  }
0x84: {  	_ =	shalt  }
0x85: {  	_ =	shalt  }
0x86: {  	_ =	shalt  }
0x87: {  	_ =	shalt  }
.Lfunc_end0:
.L_simem_size_0:
called_computation.1_lowered:
.L_overlay_start_0:
0x88: {  	s2 =	sld [smem:$0x3FD9]  }
0x89: {  	s3 =	sld [smem:$0x3FFE];
	_ =	sdelay $0x1  }
0x8a: {  	s1 =	srdreg.scid  }
0x8b: {  	s0 =	sand.u32 $0x1, s1  }
0x8c: {  	s17 =	sshll.u32 s0, $0xA;
	s2 =	sadd.s32 s3, s2  }
0x8d: {  	s2 =	sadd.s32 s2, s17  }
0x8e: {  	[smem:$0x3FBE] =	sst s2  }
0x8f: {  	_ = 	snop  }
0x90: {  	s2 =	sld [smem:$0x3FD0];
	(tm) =	ssettm $0x1  }
0x91: {  	s18 =	sld [smem:$0x3FFB];
	_ =	sdelay $0x3  }
0x92: {  	_ =	strace s18  }
0x93: {  	s3 =	sld [smem:$0x3FFC];
	_ =	sdelay $0x3  }
0x94: {  	_ =	strace s3  }
0x95: {  	s3 =	sld [smem:$0x3FFD];
	_ =	sdelay $0x3  }
0x96: {  	_ =	strace s3  }
0x97: {  	_ =	strace $0x8FFFFFFF  }
0x98: {  	s19 =	sld [smem:$0x3FDB];
	_ =	sdelay $0x1  }
0x99: {  	s4 =	simm.s32 $_scs_section_size  }
0x9a: {  	s5 =	simm.s32 $_size__tile_overlayer_lowered;
	s6 =	simm.s32 $_tile_overlayer_lowered  }
0x9b: {  	s22 =	simm.s32 $0x1BFF;
	s21 =	sshll.u32 s6, $0x1;
	s3 =	sadd.s32 s4, s19  }
0x9c: {  	s7 =	simm.s32 $0x0;
	s20 =	sshll.u32 s5, $0x1;
	s5 =	sadd.s32 s21, s3  }
0x9d: {  	[timem:s7], [sflag:s22] =	dma.local [hbm:s5], s20  }
0x9e: {  	_ =	swait.ge [sflag:s22], s20  }
0x9f: {  	s4 =	ssub.s32 $0x0, s20;
	[sflag:s22] =	ssyncset.done $0x0  }
0xa0: {  	[sflag:s22] =	ssyncadd.s32 s4;
	_ =	sdelay $0x1  }
0xa1: {  	s23 =	simm.s32 $0x1B8B  }
0xa2: {  	_ =	swait.ge [sflag:s23], $0x1  }
0xa3: {  	[sflag:s23] =	ssyncset.done $0x0  }
0xa4: {  	s25 =	simm.s32 $0x1B8E;
	s24 =	sld [smem:$0x3FFE];
	[sflag:s23] =	ssyncadd.s32 $0xFFFFFFFF  }
0xa5: {  	s26 =	simm.s32 $execute0_lowered;
	[smem:$0x3FD2] =	sst s25  }
0xa6: {  	s5 =	sshll.u32 s26, $0x1;
	_ =	strace $0x80000049;
	[dreg:$0x1] =	wrdreg $0xFFFFFFFF  }
0xa7: {  	s28 =	simm.s32 $_size_execute0_lowered;
	s3 =	sadd.s32 s3, s5;
	[dreg:$0x0] =	wrdreg $0x0  }
0xa8: {  	s5 =	sshll.u32 s28, $0x1;
	[dreg:$0x2] =	wrdreg s3  }
0xa9: {  	[dreg:$0x3] =	wrdreg s5  }
0xaa: {  	[dreg:$0x4] =	wrdreg $0xC0  }
0xab: {  	_ =	task [dreg:s7], $0x5FFFF  }
0xac: {  	[dreg:$0x1] =	wrdreg $0xFFFFFFFF  }
0xad: {  	[dreg:$0x0] =	wrdreg $0x60  }
0xae: {  	[dreg:$0x2] =	wrdreg s24  }
0xaf: {  	[dreg:$0x3] =	wrdreg s2  }
0xb0: {  	[dreg:$0x4] =	wrdreg $0xC7000  }
0xb1: {  	[dreg:$0x5] =	wrdreg $0x9  }
0xb2: {  	_ =	task.clear_ibuf [dreg:s7], $0x6FFFF;
	_ =	strace $0x90000049  }
0xb3: {  	s29 =	simm.s32 $0x9;
	_ =	strace $0x8000004B  }
0xb4: {  	_ =	swait.ge [sflag:s29], $0x1  }
0xb5: {  	[sflag:s29] =	ssyncadd.s32 $0xFFFFFFFF  }
0xb6: {  	_ =	strace $0x9000004B  }
0xb7: {  	_ =	sfence  }
0xb8: {  	s30 =	sld [smem:$0x0];
	_ =	sdelay $0x2  }
0xb9: {  	s31 =	sshll.u32 s1, $0xD;
	s1 =	sshrl.u32 s1, $0x2  }
0xba: {  	s3 =	sand.u32 $0x4000, s31;
	s1 =	sadd.s32 s1, s30  }
0xbb: {  	s0 =	sor.u32 s3, s0;
	s1 =	sshll.u32 s1, $0x11  }
0xbc: {  	s0 =	sor.u32 s1, s0  }
0xbd: {  	s0 =	sadd.s32 $0x8F2B, s0  }
0xbe: {  	[sflag:s0] =	ssyncadd.remote.s32 $0x1  }
0xbf: {  	_ =	sfence.sel $0xFFFF  }
0xc0: {  	[dreg:$0x0] =	wrdreg $0xFFFFFFFF;
	(pc) =	sbr.abs _section_cstart, $3  }
0xc1: {  	[dreg:$0x1] =	wrdreg $0xFFFFFFFF  }
0xc2: {  	_ =	task.clear_ibuf [dreg:s7], $0x2FFFF;
	_ =	strace $0x9FFFFFFF  }
0xc3: {  	(tm) =	ssettm $0x7FFFFFFF  }
tec
execute0_lowered:
.L_overlay_start_1:
0x0: {  	(tag) =	ssettag $0x1  }
0x1: {  	s0 =	rddreg [dreg:$0x0]  }
0x2: {  	s3 =	rddreg [dreg:$0x1]  }
0x3: {  	s1 =	rddreg [dreg:$0x2];
	s2 =	simm.s32 $0x0  }
0x4: {  	s4 =	srdreg.scid;
	s13 =	stileid.u32;
	s29 =	simm.s32 $0xC380  }
0x5: {  	s30 =	simm.s32 $0xC100;
	s31 =	simm.s32 $0xC400;
	[smem:$0x7FF] =	sst s2  }
0x6: {  	s7 =	sand.u32 $0x1, s4;
	s4 =	sadd.s32 $0x16C00, s0;
	s10 =	smul.u32 $0x4F000, s13  }
0x7: {  	s5 =	sadd.s32 $0xC800, s0;
	s6 =	sadd.s32 $0x2A00, s0;
	s12 =	smul.u32 $0x2780, s13  }
0x8: {  	s26 =	sadd.s32 $0x128400, s1;
	s28 =	smul.u32 $0x2710, s13;
	p0 =	seq.s32 s13, $0xF  }
0x9: {  	_ =	strace $0x8000004A;
	s8 =	smul.u32 $0x27100, s7;
	s9 =	sshll.u32 s7, $0x4  }
0xa: {  	s7 =	ssub.s32 $0x2, s7;
	[dreg:$0x12] =	wrdreg s26;
	s9 =	sor.u32 s13, s9  }
0xb: {  	s11 =	sshrl.u32 s7, $0x1;
	s10 =	sshrl.u32 s10, $0x2;
	[dreg:$0xf] =	wrdreg s12  }
0xc: {  	s25 =	sadd.s32 s3, s12;
	s3 =	sadd.s32 $0x25080, s3;
	s13 =	simm.s32 $0x8000  }
0xd: {  	s0 =	sadd.s32 s8, s0;
	s9 =	smul.u32 $0x2710, s9;
	[dreg:$0x11] =	wrdreg s25  }
0xe: {  	s10 =	sadd.s32 s10, s1;
	[dreg:$0x13] =	wrdreg s3;
	s8 =	sadd.s32 s28, s8  }
0xf: {  	s7 =	ssub.s32 s7, s11;
	[dreg:$0x10] =	wrdreg s10;
	s10 =	sadd.s32 $0x480, s8  }
0x10: {  	s20 =	sadd.s32 $0x400, s8;
	s0 =	sadd.s32 $0xB3A00, s0;
	s9 =	sshrl.u32 s9, $0x3  }
0x11: {  	s23 =	sadd.s32 $0x380, s8;
	[dreg:$0x1e] =	wrdreg s0;
	s11 =	sadd.s32 s5, s9  }
0x12: {  	s18 =	sshrl.u32 s10, $0x3;
	s14 =	sadd.s32 s6, s9;
	[dreg:$0x14] =	wrdreg s11  }
0x13: {  	s21 =	sshrl.u32 s20, $0x3;
	s19 =	sadd.s32 s18, s6;
	[dreg:$0x15] =	wrdreg s14  }
0x14: {  	s28 =	sadd.s32 $0x280, s8;
	s22 =	sadd.s32 s21, s6;
	[dreg:$0x4] =	wrdreg s19  }
0x15: {  	s25 =	sshrl.u32 s23, $0x3;
	s24 =	sadd.s32 s21, s5;
	[dreg:$0x6] =	wrdreg s22  }
0x16: {  	s12 =	sadd.s32 $0x10, s9;
	s26 =	sadd.s32 s25, s6;
	[dreg:$0x7] =	wrdreg s24  }
0x17: {  	s0 =	simm.s32 $0xC180;
	s15 =	sadd.s32 s5, s12;
	[dreg:$0x8] =	wrdreg s26  }
0x18: {  	s16 =	sadd.s32 $0x20, s9;
	s3 =	sadd.s32 s6, s12;
	[dreg:$0x16] =	wrdreg s15  }
0x19: {  	s10 =	sadd.s32 $0x30, s9;
	s17 =	sadd.s32 s5, s16;
	[dreg:$0x17] =	wrdreg s3  }
0x1a: {  	s9 =	sadd.s32 $0x4E0, s9;
	s14 =	sadd.s32 s25, s5;
	[dreg:$0x18] =	wrdreg s17  }
0x1b: {  	s20 =	sadd.s32 s5, s10;
	s10 =	sadd.s32 s6, s10;
	[dreg:$0x9] =	wrdreg s14  }
0x1c: {  	s22 =	sadd.s32 s5, s9;
	s23 =	sadd.s32 s6, s9;
	[dreg:$0x1a] =	wrdreg s20  }
0x1d: {  	s24 =	smax.u32 s7, $0x1;
	s25 =	sadd.s32 $0x300, s8;
	[dreg:$0x1b] =	wrdreg s10  }
0x1e: {  	s9 =	simm.s32 $0x80;
	s11 =	simm.s32 $0x1;
	[dreg:$0x1c] =	wrdreg s22  }
0x1f: {  	s12 =	simm.s32 $0xC200;
	s7 =	simm.s32 $0xC280;
	[dreg:$0x1d] =	wrdreg s23  }
0x20: {  	s3 =	sadd.s32 s6, s16;
	s15 =	sshrl.u32 s28, $0x3;
	[dreg:$0x1f] =	wrdreg s24  }
0x21: {  	s17 =	sadd.s32 $0x200, s8;
	[smem:$0x7FD] =	sst s25;
	s28 =	simm.s32 $0xC500  }
0x22: {  	s8 =	simm.s32 $0x2;
	s10 =	simm.s32 $0x4000;
	[dreg:$0x19] =	wrdreg s3  }
0x23: {  	s14 =	simm.s32 $0x3;
	s3 =	sadd.s32 s18, s5;
	[dreg:$0xe] =	wrdreg s28  }
0x24: {  	s16 =	sadd.s32 s15, s6;
	s18 =	sadd.s32 s15, s5;
	[dreg:$0x5] =	wrdreg s3  }
0x25: {  	s19 =	sshrl.u32 s17, $0x3;
	s15 =	simm.s32 $0x4;
	[dreg:$0xa] =	wrdreg s16  }
0x26: {  	[dreg:$0xb] =	wrdreg s18;
	s21 =	sadd.s32 s19, s6;
	s26 =	sadd.s32 s19, s5  }
0x27: {  	s3 =	simm.s32 $0xC480;
	s16 =	simm.s32 $0xC580;
	[dreg:$0xc] =	wrdreg s21  }
0x28: {  	s19 =	simm.s32 $0x0;
	[dreg:$0xd] =	wrdreg s26;
	s21 =	simm.s32 $0xC300  }
.LBB2_1:
0x29: {  	[smem:$0x7F9] =	sst s19  }
0x2a: {  	s17 =	rddreg [dreg:$0x12]  }
0x2b: {  	s18 =	rddreg [dreg:$0x13];
	s19 =	sshrl.u32 @p0 s17, $0x3  }
0x2c: {  	s17 =	simm.s32 @p0 $0x1FC5;
	[smem:$0x7FA] =	sst s19  }
0x2d: {  	[spmem:s19], [sflag:s17] =	dma.local @p0 [hbm:s18], $0x2080  }
0x2e: {  	s17 =	simm.s32 @p0 $0x5  }
0x2f: {  	s18 =	stileid.u32;
	_ =	swait.ge @p0 [sflag:s17], $0x2080  }
0x30: {  	s19 =	sshll.u32 @!p0 s18, $0x6;
	[sflag:s17] =	ssyncset.done @p0 $0x0  }
0x31: {  	s18 =	sor.u32 @!p0 $0x1C05, s19;
	[sflag:s17] =	ssyncadd.s32 @p0 $0xFFFFDF80;
	s17 =	rddreg [dreg:$0x10]  }
0x32: {  	[smem:$0x7FB] =	sst s18  }
0x33: {  	s19 =	sshrl.u32 @!p0 s17, $0x3;
	s17 =	rddreg [dreg:$0x11]  }
0x34: {  	[smem:$0x7FC] =	sst s19  }
0x35: {  	[spmem:s19], [sflag:s18] =	dma.local @!p0 [hbm:s17], $0x2780  }
0x36: {  	s17 =	simm.s32 @!p0 $0x5  }
0x37: {  	_ =	swait.ge @!p0 [sflag:s17], $0x2780  }
0x38: {  	[sflag:s17] =	ssyncset.done @!p0 $0x0  }
0x39: {  	[sflag:s17] =	ssyncadd.s32 @!p0 $0xFFFFD880  }
0x3a: {  	[bflag:$0x0] =	sbarrier.arrive $0xFFFF  }
0x3b: {  	s18 =	simm.s32 $0xC000;
	s28 =	rddreg [dreg:$0x14]  }
0x3c: {  	[tilespmem:s18], [sflag:$0x2] =	stream.linear.gather [hbm4b:s28+s2], $0x80, $0x38;
	[tilespmem:$0x1FF80] =	vst v63  }
0x3d: {  	s19 =	rddreg [dreg:$0x15]  }
0x3e: {  	[tilespmem:s21], [sflag:$0x3] =	stream.linear.gather [hbm4b:s19+s2], $0x80, $0x38;
	[tilespmem:$0x1FF80] =	vst v63  }
0x3f: {  	s22 =	simm.s32 $0xC080;
	s20 =	rddreg [dreg:$0x16]  }
0x40: {  	[tilespmem:s22], [sflag:$0x2] =	stream.linear.gather [hbm4b:s20+s2], $0x80, $0x38;
	[tilespmem:$0x1FF80] =	vst v63  }
0x41: {  	s23 =	rddreg [dreg:$0x17]  }
0x42: {  	[tilespmem:s29], [sflag:$0x3] =	stream.linear.gather [hbm4b:s23+s2], $0x80, $0x38;
	[tilespmem:$0x1FF80] =	vst v63  }
0x43: {  	s24 =	rddreg [dreg:$0x18]  }
0x44: {  	[tilespmem:s30], [sflag:$0x2] =	stream.linear.gather [hbm4b:s24+s2], $0x80, $0x38;
	[tilespmem:$0x1FF80] =	vst v63  }
0x45: {  	s25 =	rddreg [dreg:$0x19]  }
0x46: {  	[tilespmem:s31], [sflag:$0x3] =	stream.linear.gather [hbm4b:s25+s2], $0x80, $0x38;
	[tilespmem:$0x1FF80] =	vst v63  }
0x47: {  	s26 =	rddreg [dreg:$0x1a]  }
0x48: {  	[tilespmem:s0], [sflag:$0x2] =	stream.linear.gather [hbm4b:s26+s2], $0x80, $0x38;
	[tilespmem:$0x1FF80] =	vst v63  }
0x49: {  	s28 =	rddreg [dreg:$0x1b]  }
0x4a: {  	[tilespmem:s3], [sflag:$0x3] =	stream.linear.gather [hbm4b:s28+s2], $0x80, $0x38;
	[tilespmem:$0x1FF80] =	vst v63  }
0x4b: {  	_ =	swait.ge [sflag:s8], $0x80  }
0x4c: {  	[sflag:s8] =	ssyncset.done $0x0  }
0x4d: {  	[sflag:s8] =	ssyncadd.s32 $0xFFFFFF80  }
0x4e: {  	[tilespmem:s2], [sflag:$0x1] =	stream.indirect.gather [hbm4b:s4+s9], $0x80, s18, s9, $0xb8;
	[tilespmem:$0x1FF80] =	vst v63  }
0x4f: {  	_ =	swait.ge [sflag:s8], $0x80  }
0x50: {  	[sflag:s8] =	ssyncset.done $0x0  }
0x51: {  	[sflag:s8] =	ssyncadd.s32 $0xFFFFFF80  }
0x52: {  	[tilespmem:s10], [sflag:$0x1] =	stream.indirect.gather [hbm4b:s4+s9], $0x80, s22, s9, $0xb8;
	[tilespmem:$0x1FF80] =	vst v63  }
0x53: {  	_ =	swait.ge [sflag:s11], $0x4000  }
0x54: {  	p1 =	por $0x1, $0x1;
	[sflag:s11] =	ssyncset.done $0x0  }
0x55: {  	s17 =	simm.s32 @!p1 $0x4;
	[sflag:s11] =	ssyncadd.s32 $0xFFFFC000  }
0x56: {  	_ =	swait.ge @!p1 [sflag:s17], $0x4000  }
0x57: {  	s18 =	rddreg [dreg:$0xd];
	[sflag:s17] =	ssyncset.done @!p1 $0x0  }
0x58: {  	s20 =	rddreg [dreg:$0xc];
	[sflag:s17] =	ssyncadd.s32 @!p1 $0xFFFFC000;
	s22 =	sadd.s32 $0x0, s18  }
0x59: {  	[tilespmem:s12], [sflag:$0x2] =	stream.linear.gather [hbm4b:s22+s2], $0x80, $0x38;
	[tilespmem:$0x1FF80] =	vst v63  }
0x5a: {  	s23 =	rddreg [dreg:$0xe];
	s24 =	sadd.s32 $0x0, s20  }
0x5b: {  	[tilespmem:s23], [sflag:$0x3] =	stream.linear.gather [hbm4b:s24+s2], $0x80, $0x38;
	[tilespmem:$0x1FF80] =	vst v63  }
0x5c: {  	_ =	swait.ge [sflag:s8], $0x80  }
0x5d: {  	[sflag:s8] =	ssyncset.done $0x0  }
0x5e: {  	[sflag:s8] =	ssyncadd.s32 $0xFFFFFF80  }
0x5f: {  	[tilespmem:s13], [sflag:$0x1] =	stream.indirect.gather [hbm4b:s4+s9], $0x80, s30, s9, $0xb8;
	[tilespmem:$0x1FF80] =	vst v63  }
0x60: {  	_ =	swait.ge [sflag:s14], $0x80  }
0x61: {  	[sflag:s14] =	ssyncset.done $0x0  }
0x62: {  	[sflag:s14] =	ssyncadd.s32 $0xFFFFFF80  }
0x63: {  	[spmem:s1] =	stream.indirect.scatter.add.f32 [tilespmem:s2], [sflag:$0x4], $0x80, s21, s9, $0xb8;
	[tilespmem:$0x1FF80] =	vst v63  }
0x64: {  	_ =	swait.ge [sflag:s11], $0x4000  }
0x65: {  	[sflag:s11] =	ssyncset.done $0x0  }
0x66: {  	[sflag:s11] =	ssyncadd.s32 $0xFFFFC000  }
0x67: {  	_ =	swait.ge [sflag:s15], $0x4000  }
0x68: {  	s25 =	rddreg [dreg:$0xb];
	[sflag:s15] =	ssyncset.done $0x0  }
0x69: {  	s26 =	rddreg [dreg:$0xa];
	[sflag:s15] =	ssyncadd.s32 $0xFFFFC000;
	s17 =	sadd.s32 $0x0, s25  }
0x6a: {  	[tilespmem:s7], [sflag:$0x2] =	stream.linear.gather [hbm4b:s17+s2], $0x80, $0x38;
	[tilespmem:$0x1FF80] =	vst v63  }
0x6b: {  	s28 =	sadd.s32 $0x0, s26  }
0x6c: {  	[tilespmem:s16], [sflag:$0x3] =	stream.linear.gather [hbm4b:s28+s2], $0x80, $0x38;
	[tilespmem:$0x1FF80] =	vst v63  }
0x6d: {  	_ =	swait.ge [sflag:s8], $0x80  }
0x6e: {  	[sflag:s8] =	ssyncset.done $0x0  }
0x6f: {  	[sflag:s8] =	ssyncadd.s32 $0xFFFFFF80  }
0x70: {  	[tilespmem:s2], [sflag:$0x1] =	stream.indirect.gather [hbm4b:s4+s9], $0x80, s0, s9, $0xb8;
	[tilespmem:$0x1FF80] =	vst v63  }
0x71: {  	_ =	swait.ge [sflag:s14], $0x80  }
0x72: {  	[sflag:s14] =	ssyncset.done $0x0  }
0x73: {  	[sflag:s14] =	ssyncadd.s32 $0xFFFFFF80  }
0x74: {  	[spmem:s1] =	stream.indirect.scatter.add.f32 [tilespmem:s10], [sflag:$0x4], $0x80, s29, s9, $0xb8;
	[tilespmem:$0x1FF80] =	vst v63  }
0x75: {  	_ =	swait.ge [sflag:s11], $0x4000  }
0x76: {  	[sflag:s11] =	ssyncset.done $0x0  }
0x77: {  	[sflag:s11] =	ssyncadd.s32 $0xFFFFC000  }
0x78: {  	_ =	swait.ge [sflag:s15], $0x4000  }
0x79: {  	s18 =	sld [smem:$0x7FD];
	_ =	sdelay $0x1  }
0x7a: {  	p1 =	por $0x0, $0x0  }
0x7b: {  	s20 =	simm.s32 @!p1 $0xC000;
	[sflag:s15] =	ssyncset.done $0x0;
	s19 =	sshrl.u32 @!p1 s18, $0x3  }
0x7c: {  	s17 =	simm.s32 @!p1 $0x0;
	[sflag:s15] =	ssyncadd.s32 $0xFFFFC000;
	s22 =	sadd.s32 @!p1 s5, s19  }
0x7d: {  	[tilespmem:s20], [sflag:$0x2] =	stream.linear.gather @!p1 [hbm4b:s22+s17], $0x80, $0x38;
	[tilespmem:$0x1FF80] =	vst v63  }
0x7e: {  	s19 =	sadd.s32 @!p1 s6, s19;
	s22 =	simm.s32 @!p1 $0xC300  }
0x7f: {  	[tilespmem:s22], [sflag:$0x3] =	stream.linear.gather @!p1 [hbm4b:s19+s17], $0x80, $0x38;
	[tilespmem:$0x1FF80] =	vst v63  }
0x80: {  	_ =	swait.ge [sflag:s8], $0x80  }
0x81: {  	[sflag:s8] =	ssyncset.done $0x0  }
0x82: {  	[sflag:s8] =	ssyncadd.s32 $0xFFFFFF80  }
0x83: {  	[tilespmem:s10], [sflag:$0x1] =	stream.indirect.gather [hbm4b:s4+s9], $0x80, s12, s9, $0xb8;
	[tilespmem:$0x1FF80] =	vst v63  }
0x84: {  	_ =	swait.ge [sflag:s14], $0x80  }
0x85: {  	[sflag:s14] =	ssyncset.done $0x0  }
0x86: {  	[sflag:s14] =	ssyncadd.s32 $0xFFFFFF80  }
0x87: {  	[spmem:s1] =	stream.indirect.scatter.add.f32 [tilespmem:s13], [sflag:$0x4], $0x80, s31, s9, $0xb8;
	[tilespmem:$0x1FF80] =	vst v63  }
0x88: {  	_ =	swait.ge [sflag:s11], $0x4000  }
0x89: {  	[sflag:s11] =	ssyncset.done $0x0  }
0x8a: {  	[sflag:s11] =	ssyncadd.s32 $0xFFFFC000  }
0x8b: {  	_ =	swait.ge [sflag:s15], $0x4000  }
0x8c: {  	s19 =	rddreg [dreg:$0x9]  }
0x8d: {  	[sflag:s15] =	ssyncset.done $0x0;
	s22 =	rddreg [dreg:$0x8]  }
0x8e: {  	[sflag:s15] =	ssyncadd.s32 $0xFFFFC000;
	s24 =	sadd.s32 @!p1 $0x0, s19;
	s19 =	simm.s32 @!p1 $0xC080  }
0x8f: {  	[tilespmem:s19], [sflag:$0x2] =	stream.linear.gather @!p1 [hbm4b:s24+s17], $0x80, $0x38;
	[tilespmem:$0x1FF80] =	vst v63  }
0x90: {  	s22 =	sadd.s32 @!p1 $0x0, s22;
	s24 =	simm.s32 @!p1 $0xC380  }
0x91: {  	[tilespmem:s24], [sflag:$0x3] =	stream.linear.gather @!p1 [hbm4b:s22+s17], $0x80, $0x38;
	[tilespmem:$0x1FF80] =	vst v63  }
0x92: {  	_ =	swait.ge [sflag:s8], $0x80  }
0x93: {  	[sflag:s8] =	ssyncset.done $0x0  }
0x94: {  	[sflag:s8] =	ssyncadd.s32 $0xFFFFFF80  }
0x95: {  	[tilespmem:s13], [sflag:$0x1] =	stream.indirect.gather [hbm4b:s4+s9], $0x80, s7, s9, $0xb8;
	[tilespmem:$0x1FF80] =	vst v63  }
0x96: {  	_ =	swait.ge [sflag:s14], $0x80  }
0x97: {  	[sflag:s14] =	ssyncset.done $0x0  }
0x98: {  	[sflag:s14] =	ssyncadd.s32 $0xFFFFFF80  }
0x99: {  	[spmem:s1] =	stream.indirect.scatter.add.f32 [tilespmem:s2], [sflag:$0x4], $0x80, s3, s9, $0xb8;
	[tilespmem:$0x1FF80] =	vst v63  }
0x9a: {  	_ =	swait.ge [sflag:s11], $0x4000  }
0x9b: {  	[sflag:s11] =	ssyncset.done $0x0  }
0x9c: {  	[sflag:s11] =	ssyncadd.s32 $0xFFFFC000  }
0x9d: {  	_ =	swait.ge [sflag:s15], $0x4000  }
0x9e: {  	[sflag:s15] =	ssyncset.done $0x0  }
0x9f: {  	s22 =	simm.s32 @p1 $0x3;
	[sflag:s15] =	ssyncadd.s32 $0xFFFFC000  }
0xa0: {  	_ =	swait.ge @p1 [sflag:s22], $0x80  }
0xa1: {  	s23 =	simm.s32 @p1 $0xC500;
	s25 =	simm.s32 @p1 $0x1;
	[sflag:s22] =	ssyncset.done @p1 $0x0  }
0xa2: {  	s24 =	simm.s32 @p1 $0x4000;
	[sflag:s22] =	ssyncadd.s32 @p1 $0xFFFFFF80;
	s22 =	simm.s32 @p1 $0x80  }
0xa3: {  	[spmem:s1] =	stream.indirect.scatter.add.f32 @p1 [tilespmem:s24], [sflag:$0x4], $0x80, s23, s22, $0xb8;
	[tilespmem:$0x1FF80] =	vst v63  }
0xa4: {  	_ =	swait.ge @p1 [sflag:s25], $0x4000  }
0xa5: {  	[sflag:s25] =	ssyncset.done @p1 $0x0  }
0xa6: {  	s22 =	simm.s32 @p1 $0x4;
	[sflag:s25] =	ssyncadd.s32 @p1 $0xFFFFC000  }
0xa7: {  	_ =	swait.ge @p1 [sflag:s22], $0x4000  }
0xa8: {  	s23 =	rddreg [dreg:$0x7]  }
0xa9: {  	[sflag:s22] =	ssyncset.done @p1 $0x0;
	s24 =	rddreg [dreg:$0x6]  }
0xaa: {  	[sflag:s22] =	ssyncadd.s32 @p1 $0xFFFFC000;
	s22 =	sadd.s32 @!p1 $0x0, s23;
	s23 =	simm.s32 @!p1 $0xC100  }
0xab: {  	[tilespmem:s23], [sflag:$0x2] =	stream.linear.gather @!p1 [hbm4b:s22+s17], $0x80, $0x38;
	[tilespmem:$0x1FF80] =	vst v63  }
0xac: {  	s22 =	sadd.s32 @!p1 $0x0, s24;
	s23 =	simm.s32 @!p1 $0xC400;
	s24 =	simm.s32 @!p1 $0x2  }
0xad: {  	[tilespmem:s23], [sflag:$0x3] =	stream.linear.gather @!p1 [hbm4b:s22+s17], $0x80, $0x38;
	[tilespmem:$0x1FF80] =	vst v63  }
0xae: {  	_ =	swait.ge @!p1 [sflag:s24], $0x80  }
0xaf: {  	[sflag:s24] =	ssyncset.done @!p1 $0x0  }
0xb0: {  	s22 =	simm.s32 @!p1 $0x80;
	s23 =	simm.s32 @!p1 $0x3;
	[sflag:s24] =	ssyncadd.s32 @!p1 $0xFFFFFF80  }
0xb1: {  	[tilespmem:s17], [sflag:$0x1] =	stream.indirect.gather @!p1 [hbm4b:s4+s22], $0x80, s20, s22, $0xb8;
	[tilespmem:$0x1FF80] =	vst v63  }
0xb2: {  	_ =	swait.ge @!p1 [sflag:s23], $0x80  }
0xb3: {  	s25 =	simm.s32 @!p1 $0x4000;
	[sflag:s23] =	ssyncset.done @!p1 $0x0  }
0xb4: {  	s20 =	simm.s32 @!p1 $0x1;
	[sflag:s23] =	ssyncadd.s32 @!p1 $0xFFFFFF80;
	s23 =	simm.s32 @!p1 $0xC500  }
0xb5: {  	[spmem:s1] =	stream.indirect.scatter.add.f32 @!p1 [tilespmem:s25], [sflag:$0x4], $0x80, s23, s22, $0xb8;
	[tilespmem:$0x1FF80] =	vst v63  }
0xb6: {  	_ =	swait.ge @!p1 [sflag:s20], $0x4000  }
0xb7: {  	[sflag:s20] =	ssyncset.done @!p1 $0x0  }
0xb8: {  	[sflag:s20] =	ssyncadd.s32 @!p1 $0xFFFFC000;
	s20 =	simm.s32 @!p1 $0x4  }
0xb9: {  	_ =	swait.ge @!p1 [sflag:s20], $0x4000  }
0xba: {  	s23 =	rddreg [dreg:$0x5]  }
0xbb: {  	[sflag:s20] =	ssyncset.done @!p1 $0x0;
	s28 =	rddreg [dreg:$0x4]  }
0xbc: {  	[sflag:s20] =	ssyncadd.s32 @!p1 $0xFFFFC000;
	s20 =	sadd.s32 @!p1 $0x0, s23;
	s23 =	simm.s32 @!p1 $0xC180  }
0xbd: {  	[tilespmem:s23], [sflag:$0x2] =	stream.linear.gather @!p1 [hbm4b:s20+s17], $0x80, $0x38;
	[tilespmem:$0x1FF80] =	vst v63  }
0xbe: {  	s20 =	sadd.s32 @!p1 $0x0, s28;
	s23 =	simm.s32 @!p1 $0xC480  }
0xbf: {  	[tilespmem:s23], [sflag:$0x3] =	stream.linear.gather @!p1 [hbm4b:s20+s17], $0x80, $0x38;
	[tilespmem:$0x1FF80] =	vst v63  }
0xc0: {  	_ =	swait.ge @!p1 [sflag:s24], $0x80  }
0xc1: {  	[sflag:s24] =	ssyncset.done @!p1 $0x0  }
0xc2: {  	[sflag:s24] =	ssyncadd.s32 @!p1 $0xFFFFFF80  }
0xc3: {  	[tilespmem:s25], [sflag:$0x1] =	stream.indirect.gather @!p1 [hbm4b:s4+s22], $0x80, s19, s22, $0xb8;
	[tilespmem:$0x1FF80] =	vst v63  }
0xc4: {  	_ =	swait.ge [sflag:s14], $0x80  }
0xc5: {  	[sflag:s14] =	ssyncset.done $0x0  }
0xc6: {  	s17 =	simm.s32 $0x60;
	s19 =	sadd.s32 $0x300, s18;
	[sflag:s14] =	ssyncadd.s32 $0xFFFFFF80  }
.LBB2_2:
0xc7: {  	[spmem:s1] =	stream.indirect.scatter.add.f32 [tilespmem:s13], [sflag:$0x4], $0x80, s16, s9, $0xb8;
	[tilespmem:$0x1FF80] =	vst v63  }
0xc8: {  	s20 =	smov.u32 s17;
	_ =	swait.ge [sflag:s11], $0x4000  }
0xc9: {  	p2 =	seq.s32 s20, $0x0;
	[sflag:s11] =	ssyncset.done $0x0  }
0xca: {  	s22 =	simm.s32 @!p2 $0x4;
	[sflag:s11] =	ssyncadd.s32 $0xFFFFC000  }
0xcb: {  	_ =	swait.ge @!p2 [sflag:s22], $0x4000  }
0xcc: {  	[sflag:s22] =	ssyncset.done @!p2 $0x0;
	s23 =	rddreg [dreg:$0xd]  }
0xcd: {  	s18 =	rddreg [dreg:$0xc];
	[sflag:s22] =	ssyncadd.s32 @!p2 $0xFFFFC000;
	s23 =	sadd.s32 s20, s23  }
0xce: {  	[tilespmem:s12], [sflag:$0x2] =	stream.linear.gather [hbm4b:s23+s2], $0x80, $0x38;
	[tilespmem:$0x1FF80] =	vst v63  }
0xcf: {  	s24 =	rddreg [dreg:$0xe];
	s22 =	sadd.s32 s20, s18  }
0xd0: {  	[tilespmem:s24], [sflag:$0x3] =	stream.linear.gather [hbm4b:s22+s2], $0x80, $0x38;
	[tilespmem:$0x1FF80] =	vst v63  }
0xd1: {  	_ =	swait.ge [sflag:s8], $0x80  }
0xd2: {  	[sflag:s8] =	ssyncset.done $0x0  }
0xd3: {  	[sflag:s8] =	ssyncadd.s32 $0xFFFFFF80  }
0xd4: {  	[tilespmem:s13], [sflag:$0x1] =	stream.indirect.gather [hbm4b:s4+s9], $0x80, s30, s9, $0xb8;
	[tilespmem:$0x1FF80] =	vst v63  }
0xd5: {  	_ =	swait.ge [sflag:s14], $0x80  }
0xd6: {  	[sflag:s14] =	ssyncset.done $0x0  }
0xd7: {  	[sflag:s14] =	ssyncadd.s32 $0xFFFFFF80  }
0xd8: {  	[spmem:s1] =	stream.indirect.scatter.add.f32 [tilespmem:s2], [sflag:$0x4], $0x80, s21, s9, $0xb8;
	[tilespmem:$0x1FF80] =	vst v63  }
0xd9: {  	_ =	swait.ge [sflag:s11], $0x4000  }
0xda: {  	[sflag:s11] =	ssyncset.done $0x0  }
0xdb: {  	[sflag:s11] =	ssyncadd.s32 $0xFFFFC000  }
0xdc: {  	_ =	swait.ge [sflag:s15], $0x4000  }
0xdd: {  	s25 =	rddreg [dreg:$0xb];
	[sflag:s15] =	ssyncset.done $0x0  }
0xde: {  	s26 =	rddreg [dreg:$0xa];
	[sflag:s15] =	ssyncadd.s32 $0xFFFFC000;
	s22 =	sadd.s32 s20, s25  }
0xdf: {  	[tilespmem:s7], [sflag:$0x2] =	stream.linear.gather [hbm4b:s22+s2], $0x80, $0x38;
	[tilespmem:$0x1FF80] =	vst v63  }
0xe0: {  	s28 =	sadd.s32 s20, s26  }
0xe1: {  	[tilespmem:s16], [sflag:$0x3] =	stream.linear.gather [hbm4b:s28+s2], $0x80, $0x38;
	[tilespmem:$0x1FF80] =	vst v63  }
0xe2: {  	_ =	swait.ge [sflag:s8], $0x80  }
0xe3: {  	[sflag:s8] =	ssyncset.done $0x0  }
0xe4: {  	[sflag:s8] =	ssyncadd.s32 $0xFFFFFF80  }
0xe5: {  	[tilespmem:s2], [sflag:$0x1] =	stream.indirect.gather [hbm4b:s4+s9], $0x80, s0, s9, $0xb8;
	[tilespmem:$0x1FF80] =	vst v63  }
0xe6: {  	_ =	swait.ge [sflag:s14], $0x80  }
0xe7: {  	[sflag:s14] =	ssyncset.done $0x0  }
0xe8: {  	[sflag:s14] =	ssyncadd.s32 $0xFFFFFF80  }
0xe9: {  	[spmem:s1] =	stream.indirect.scatter.add.f32 [tilespmem:s10], [sflag:$0x4], $0x80, s29, s9, $0xb8;
	[tilespmem:$0x1FF80] =	vst v63  }
0xea: {  	_ =	swait.ge [sflag:s11], $0x4000  }
0xeb: {  	[sflag:s11] =	ssyncset.done $0x0  }
0xec: {  	[sflag:s11] =	ssyncadd.s32 $0xFFFFC000  }
0xed: {  	p2 =	seq.s32 s20, $0x480;
	_ =	swait.ge [sflag:s15], $0x4000  }
0xee: {  	s23 =	sshrl.u32 @!p2 s19, $0x3;
	s24 =	simm.s32 @!p2 $0xC000;
	[sflag:s15] =	ssyncset.done $0x0  }
0xef: {  	s25 =	sadd.s32 @!p2 s5, s23;
	s22 =	simm.s32 @!p2 $0x0;
	[sflag:s15] =	ssyncadd.s32 $0xFFFFC000  }
0xf0: {  	[tilespmem:s24], [sflag:$0x2] =	stream.linear.gather @!p2 [hbm4b:s25+s22], $0x80, $0x38;
	[tilespmem:$0x1FF80] =	vst v63  }
0xf1: {  	s23 =	sadd.s32 @!p2 s6, s23;
	s25 =	simm.s32 @!p2 $0xC300  }
0xf2: {  	[tilespmem:s25], [sflag:$0x3] =	stream.linear.gather @!p2 [hbm4b:s23+s22], $0x80, $0x38;
	[tilespmem:$0x1FF80] =	vst v63  }
0xf3: {  	_ =	swait.ge [sflag:s8], $0x80  }
0xf4: {  	[sflag:s8] =	ssyncset.done $0x0  }
0xf5: {  	[sflag:s8] =	ssyncadd.s32 $0xFFFFFF80  }
0xf6: {  	[tilespmem:s10], [sflag:$0x1] =	stream.indirect.gather [hbm4b:s4+s9], $0x80, s12, s9, $0xb8;
	[tilespmem:$0x1FF80] =	vst v63  }
0xf7: {  	_ =	swait.ge [sflag:s14], $0x80  }
0xf8: {  	[sflag:s14] =	ssyncset.done $0x0  }
0xf9: {  	[sflag:s14] =	ssyncadd.s32 $0xFFFFFF80  }
0xfa: {  	[spmem:s1] =	stream.indirect.scatter.add.f32 [tilespmem:s13], [sflag:$0x4], $0x80, s31, s9, $0xb8;
	[tilespmem:$0x1FF80] =	vst v63  }
0xfb: {  	_ =	swait.ge [sflag:s11], $0x4000  }
0xfc: {  	[sflag:s11] =	ssyncset.done $0x0  }
0xfd: {  	[sflag:s11] =	ssyncadd.s32 $0xFFFFC000  }
0xfe: {  	_ =	swait.ge [sflag:s15], $0x4000  }
0xff: {  	s25 =	simm.s32 @!p2 $0xC080;
	s23 =	rddreg [dreg:$0x9];
	[sflag:s15] =	ssyncset.done $0x0  }
0x100: {  	s28 =	rddreg [dreg:$0x8];
	[sflag:s15] =	ssyncadd.s32 $0xFFFFC000;
	s23 =	sadd.s32 @!p2 s20, s23  }
0x101: {  	[tilespmem:s25], [sflag:$0x2] =	stream.linear.gather @!p2 [hbm4b:s23+s22], $0x80, $0x38;
	[tilespmem:$0x1FF80] =	vst v63  }
0x102: {  	s23 =	sadd.s32 @!p2 s20, s28;
	s28 =	simm.s32 @!p2 $0xC380  }
0x103: {  	[tilespmem:s28], [sflag:$0x3] =	stream.linear.gather @!p2 [hbm4b:s23+s22], $0x80, $0x38;
	[tilespmem:$0x1FF80] =	vst v63  }
0x104: {  	_ =	swait.ge [sflag:s8], $0x80  }
0x105: {  	[sflag:s8] =	ssyncset.done $0x0  }
0x106: {  	[sflag:s8] =	ssyncadd.s32 $0xFFFFFF80  }
0x107: {  	[tilespmem:s13], [sflag:$0x1] =	stream.indirect.gather [hbm4b:s4+s9], $0x80, s7, s9, $0xb8;
	[tilespmem:$0x1FF80] =	vst v63  }
0x108: {  	_ =	swait.ge [sflag:s14], $0x80  }
0x109: {  	[sflag:s14] =	ssyncset.done $0x0  }
0x10a: {  	[sflag:s14] =	ssyncadd.s32 $0xFFFFFF80  }
0x10b: {  	[spmem:s1] =	stream.indirect.scatter.add.f32 [tilespmem:s2], [sflag:$0x4], $0x80, s3, s9, $0xb8;
	[tilespmem:$0x1FF80] =	vst v63  }
0x10c: {  	_ =	swait.ge [sflag:s11], $0x4000  }
0x10d: {  	[sflag:s11] =	ssyncset.done $0x0  }
0x10e: {  	[sflag:s11] =	ssyncadd.s32 $0xFFFFC000  }
0x10f: {  	_ =	swait.ge [sflag:s15], $0x4000  }
0x110: {  	[sflag:s15] =	ssyncset.done $0x0  }
0x111: {  	s23 =	simm.s32 @p2 $0x3;
	[sflag:s15] =	ssyncadd.s32 $0xFFFFC000  }
0x112: {  	_ =	swait.ge @p2 [sflag:s23], $0x80  }
0x113: {  	s18 =	simm.s32 @p2 $0x1;
	s21 =	simm.s32 @p2 $0xC500;
	[sflag:s23] =	ssyncset.done @p2 $0x0  }
0x114: {  	s28 =	simm.s32 @p2 $0x4000;
	[sflag:s23] =	ssyncadd.s32 @p2 $0xFFFFFF80;
	s23 =	simm.s32 @p2 $0x80  }
0x115: {  	[spmem:s1] =	stream.indirect.scatter.add.f32 @p2 [tilespmem:s28], [sflag:$0x4], $0x80, s21, s23, $0xb8;
	[tilespmem:$0x1FF80] =	vst v63  }
0x116: {  	_ =	swait.ge @p2 [sflag:s18], $0x4000  }
0x117: {  	[sflag:s18] =	ssyncset.done @p2 $0x0  }
0x118: {  	[sflag:s18] =	ssyncadd.s32 @p2 $0xFFFFC000;
	s18 =	simm.s32 @p2 $0x4  }
0x119: {  	_ =	swait.ge @p2 [sflag:s18], $0x4000  }
0x11a: {  	s21 =	rddreg [dreg:$0x7]  }
0x11b: {  	[sflag:s18] =	ssyncset.done @p2 $0x0;
	s23 =	rddreg [dreg:$0x6]  }
0x11c: {  	[sflag:s18] =	ssyncadd.s32 @p2 $0xFFFFC000;
	s18 =	sadd.s32 @!p2 s20, s21;
	s21 =	simm.s32 @!p2 $0xC100  }
0x11d: {  	[tilespmem:s21], [sflag:$0x2] =	stream.linear.gather @!p2 [hbm4b:s18+s22], $0x80, $0x38;
	[tilespmem:$0x1FF80] =	vst v63  }
0x11e: {  	s18 =	sadd.s32 @!p2 s20, s23;
	s21 =	simm.s32 @!p2 $0xC400;
	s23 =	simm.s32 @!p2 $0x2  }
0x11f: {  	[tilespmem:s21], [sflag:$0x3] =	stream.linear.gather @!p2 [hbm4b:s18+s22], $0x80, $0x38;
	[tilespmem:$0x1FF80] =	vst v63  }
0x120: {  	_ =	swait.ge @!p2 [sflag:s23], $0x80  }
0x121: {  	[sflag:s23] =	ssyncset.done @!p2 $0x0  }
0x122: {  	s18 =	simm.s32 @!p2 $0x80;
	s21 =	simm.s32 @!p2 $0x3;
	[sflag:s23] =	ssyncadd.s32 @!p2 $0xFFFFFF80  }
0x123: {  	[tilespmem:s22], [sflag:$0x1] =	stream.indirect.gather @!p2 [hbm4b:s4+s18], $0x80, s24, s18, $0xb8;
	[tilespmem:$0x1FF80] =	vst v63  }
0x124: {  	_ =	swait.ge @!p2 [sflag:s21], $0x80  }
0x125: {  	s28 =	simm.s32 @!p2 $0x4000;
	[sflag:s21] =	ssyncset.done @!p2 $0x0  }
0x126: {  	s24 =	simm.s32 @!p2 $0x1;
	[sflag:s21] =	ssyncadd.s32 @!p2 $0xFFFFFF80;
	s21 =	simm.s32 @!p2 $0xC500  }
0x127: {  	[spmem:s1] =	stream.indirect.scatter.add.f32 @!p2 [tilespmem:s28], [sflag:$0x4], $0x80, s21, s18, $0xb8;
	[tilespmem:$0x1FF80] =	vst v63  }
0x128: {  	_ =	swait.ge @!p2 [sflag:s24], $0x4000  }
0x129: {  	[sflag:s24] =	ssyncset.done @!p2 $0x0  }
0x12a: {  	s21 =	simm.s32 @!p2 $0x4;
	[sflag:s24] =	ssyncadd.s32 @!p2 $0xFFFFC000  }
0x12b: {  	_ =	swait.ge @!p2 [sflag:s21], $0x4000  }
0x12c: {  	s24 =	rddreg [dreg:$0x5]  }
0x12d: {  	[sflag:s21] =	ssyncset.done @!p2 $0x0;
	s26 =	rddreg [dreg:$0x4]  }
0x12e: {  	[sflag:s21] =	ssyncadd.s32 @!p2 $0xFFFFC000;
	s21 =	sadd.s32 @!p2 s20, s24;
	s24 =	simm.s32 @!p2 $0xC180  }
0x12f: {  	[tilespmem:s24], [sflag:$0x2] =	stream.linear.gather @!p2 [hbm4b:s21+s22], $0x80, $0x38;
	[tilespmem:$0x1FF80] =	vst v63  }
0x130: {  	s20 =	sadd.s32 @!p2 s20, s26;
	s21 =	simm.s32 @!p2 $0xC480  }
0x131: {  	[tilespmem:s21], [sflag:$0x3] =	stream.linear.gather @!p2 [hbm4b:s20+s22], $0x80, $0x38;
	[tilespmem:$0x1FF80] =	vst v63  }
0x132: {  	s17 =	sadd.s32 $0x60, s17;
	_ =	swait.ge @!p2 [sflag:s23], $0x80  }
0x133: {  	p1 =	sne.s32 s17, $0x4E0;
	[sflag:s23] =	ssyncset.done @!p2 $0x0  }
.Ltmp0:
0x134: {  	[sflag:s23] =	ssyncadd.s32 @!p2 $0xFFFFFF80;
	(pc) =	sbr.rel @p1 .LBB2_2-.Ltmp0, $4  }
0x135: {  	[tilespmem:s28], [sflag:$0x1] =	stream.indirect.gather @!p2 [hbm4b:s4+s18], $0x80, s25, s18, $0xb8;
	[tilespmem:$0x1FF80] =	vst v63  }
0x136: {  	_ =	swait.ge [sflag:s14], $0x80  }
0x137: {  	[sflag:s14] =	ssyncset.done $0x0  }
0x138: {  	s19 =	sadd.s32 $0x300, s19;
	s21 =	simm.s32 $0xC300;
	[sflag:s14] =	ssyncadd.s32 $0xFFFFFF80  }
0x139: {  	[spmem:s1] =	stream.indirect.scatter.add.f32 [tilespmem:s13], [sflag:$0x4], $0x80, s16, s9, $0xb8;
	[tilespmem:$0x1FF80] =	vst v63  }
0x13a: {  	_ =	swait.ge [sflag:s15], $0x4000  }
0x13b: {  	s18 =	simm.s32 $0xC600;
	[sflag:s15] =	ssyncset.done $0x0  }
0x13c: {  	s19 =	simm.s32 $0x5;
	s17 =	rddreg [dreg:$0x1c];
	[sflag:s15] =	ssyncadd.s32 $0xFFFFC000  }
0x13d: {  	[tilespmem:s18], [sflag:$0x5] =	stream.linear.gather [hbm4b:s17+s2], $0x10, $0x38;
	[tilespmem:$0x1FF80] =	vst v63  }
0x13e: {  	_ =	swait.ge [sflag:s19], $0x10  }
0x13f: {  	[sflag:s19] =	ssyncset.done $0x0  }
0x140: {  	s20 =	simm.s32 $0xC680;
	s24 =	rddreg [dreg:$0x1d];
	[sflag:s19] =	ssyncadd.s32 $0xFFFFFFF0  }
0x141: {  	[tilespmem:s20], [sflag:$0x5] =	stream.linear.gather [hbm4b:s24+s2], $0x10, $0x38;
	[tilespmem:$0x1FF80] =	vst v63  }
0x142: {  	_ =	swait.ge [sflag:s19], $0x10  }
0x143: {  	[sflag:s19] =	ssyncset.done $0x0  }
0x144: {  	s25 =	simm.s32 $0x10;
	[sflag:s19] =	ssyncadd.s32 $0xFFFFFFF0  }
0x145: {  	[tilespmem:s2], [sflag:$0x5] =	stream.indirect.gather [hbm4b:s4+s25], $0x80, s18, s25, $0xb8;
	[tilespmem:$0x1FF80] =	vst v63  }
0x146: {  	_ =	swait.ge [sflag:s19], $0x800  }
0x147: {  	[sflag:s19] =	ssyncset.done $0x0  }
0x148: {  	[sflag:s19] =	ssyncadd.s32 $0xFFFFF800  }
0x149: {  	[spmem:s1] =	stream.indirect.scatter.add.f32 [tilespmem:s2], [sflag:$0x5], $0x80, s20, s25, $0xb8;
	[tilespmem:$0x1FF80] =	vst v63  }
0x14a: {  	_ =	swait.ge [sflag:s19], $0x800  }
0x14b: {  	[sflag:s19] =	ssyncset.done $0x0  }
0x14c: {  	[sflag:s19] =	ssyncadd.s32 $0xFFFFF800  }
0x14d: {  	[bflag:$0x0] =	sbarrier.arrive $0xFFFF  }
0x14e: {  	s20 =	sld [smem:$0x7FA]  }
0x14f: {  	s19 =	rddreg [dreg:$0x1e]  }
0x150: {  	s18 =	simm.s32 @p0 $0x1FC5;
	s17 =	sadd.s32 @p0 $0x25080, s19  }
0x151: {  	[hbm:s17], [sflag:s18] =	dma.local @p0 [spmem:s20], $0x2080  }
0x152: {  	s17 =	simm.s32 @p0 $0x5  }
0x153: {  	_ =	swait.ge @p0 [sflag:s17], $0x2080  }
0x154: {  	[sflag:s17] =	ssyncset.done @p0 $0x0;
	s18 =	sld [smem:$0x7FB]  }
0x155: {  	[sflag:s17] =	ssyncadd.s32 @p0 $0xFFFFDF80;
	s17 =	rddreg [dreg:$0xf]  }
0x156: {  	s17 =	sadd.s32 @!p0 s17, s19;
	s19 =	sld [smem:$0x7FC];
	_ =	sdelay $0x2  }
0x157: {  	[hbm:s17], [sflag:s18] =	dma.local @!p0 [spmem:s19], $0x2780  }
0x158: {  	s17 =	simm.s32 @!p0 $0x5  }
0x159: {  	_ =	swait.ge @!p0 [sflag:s17], $0x2780  }
0x15a: {  	s26 =	sld [smem:$0x7F9];
	_ =	sdelay $0x2  }
0x15b: {  	s28 =	rddreg [dreg:$0x1f];
	s19 =	sadd.s32 $0x1, s26  }
0x15c: {  	p1 =	sne.s32 s19, s28  }
.Ltmp1:
0x15d: {  	_ = 	snop;
	(pc) =	sbr.rel @p1 .LBB2_1-.Ltmp1, $3  }
0x15e: {  	_ =	sdelay $0x1  }
0x15f: {  	[sflag:s17] =	ssyncset.done @!p0 $0x0  }
0x160: {  	[sflag:s17] =	ssyncadd.s32 @!p0 $0xFFFFD880  }
0x161: {  	_ =	sfence.sel $0x180000  }
0x162: {  	[bflag:$0x0] =	sbarrier.arrive $0xFFFF  }
0x163: {  	_ =	strace $0x9000004A  }
0x164: {  	s0 =	stileid.u32;
	[bflag:$0x2] =	sbarrier.arrive $0xFFFF  }
0x165: {  	p0 =	sne.s32 s0, $0x0;
	s0 =	rddreg [dreg:$0x3]  }
0x166: {  	s0 =	sadd.s32 @!p0 $0x100000, s0  }
0x167: {  	[sflag:s0] =	ssyncadd.tile.s32 @!p0 $0x1;
	_ =	shalt  }
.Lfunc_end2:
_tile_overlayer_lowered:
.L_overlay_start_2:
0x168: {  	(tag) =	ssettag $0x2  }
0x169: {  	s0 =	rddreg [dreg:$0x0];
	s2 =	stileid.u32  }
0x16a: {  	s1 =	rddreg [dreg:$0x1];
	p0 =	sne.s32 s2, $0x0  }
0x16b: {  	s3 =	rddreg [dreg:$0x2];
	[bflag:$0x3] =	sbarrier.arrive $0xFFFF;
	s2 =	simm.s32 @!p0 $0x1C05  }
0x16c: {  	[timem:s3], [sflag:s2] =	dma.local @!p0 [hbm:s0], s1  }
0x16d: {  	s0 =	simm.s32 @!p0 $0x5  }
0x16e: {  	_ =	swait.ge @!p0 [sflag:s0], s1  }
0x16f: {  	s1 =	ssub.s32 @!p0 $0x0, s1;
	[sflag:s0] =	ssyncset.done @!p0 $0x0  }
0x170: {  	[sflag:s0] =	ssyncadd.s32 @!p0 s1  }
0x171: {  	[bflag:$0x3] =	sbarrier.arrive $0xFFFF  }
0x172: {  	_ =	shalt  }

// kernel: kernel.8.cloned.1.call-start
scs
__scs_entry_jumppad:
0x0: {  	(pc) =	sbr.rel $0x88, $3  }
0x1: {  	(tag) =	ssettag $0x0;
	lr =	simm.s32 $0x1  }
0x2: {  	[smem:$0x3F97] =	sst lr;
	_ =	strace $0xD0000000  }
0x3: {  	_ = 	snop  }
0x4: {  	_ = 	snop  }
0x5: {  	_ = 	snop  }
0x6: {  	_ = 	snop  }
0x7: {  	_ = 	snop  }
__scs_overlays_trampoline_lowered:
0x8: {  	[smem:$0x3FA6] =	sst s0  }
0x9: {  	[smem:$0x3FA7] =	sst s1  }
0xa: {  	[smem:$0x3FA8] =	sst s2  }
0xb: {  	[smem:$0x3FA9] =	sst s3  }
0xc: {  	[smem:$0x3FAA] =	sst s4  }
0xd: {  	[smem:$0x3FAB] =	sst s5  }
0xe: {  	[smem:$0x3FAC] =	sst s6  }
0xf: {  	[smem:$0x3FAD] =	sst s7  }
0x10: {  	[smem:$0x3FAE] =	sst s8  }
0x11: {  	[smem:$0x3FAF] =	sst s9;
	s0 =	simm.s32 @!p0 $0x0  }
0x12: {  	s1 =	sld [smem:$0x3F95];
	s0 =	simm.s32 @p0 $0x1  }
0x13: {  	[smem:$0x3FB0] =	sst s0;
	s0 =	simm.s32 @!p1 $0x0  }
0x14: {  	s2 =	sld [smem:$0x3F94];
	s0 =	simm.s32 @p1 $0x1  }
0x15: {  	[smem:$0x3FB1] =	sst s0;
	s0 =	simm.s32 @!p2 $0x0  }
0x16: {  	s3 =	sld [smem:$0x3FDB];
	s0 =	simm.s32 @p2 $0x1  }
0x17: {  	s4 =	simm.s32 $0x1BF5;
	[smem:$0x3FB3] =	sst s0  }
0x18: {  	s0 =	sld [smem:$0x3F96];
	_ =	swait.ge [sflag:s4], $0x0  }
0x19: {  	s7 =	sld [smem:$0x3F97]  }
0x1a: {  	s8 =	sadd.s32 $0xFFFFE003, lr  }
0x1b: {  	s9 =	sadd.s32 $0xFFFFFEF7, lr;
	s5 =	simm.s32 $0xFFFFFFFF;
	p2 =	slt.u32 s8, $0xFFFFF086  }
0x1c: {  	p1 =	slt.u32 s9, $0xF7A;
	s5 =	simm.s32 @!p2 $0x0  }
0x1d: {  	s5 =	simm.s32 @p1 $0x1;
	p0 =	seq.s32 s7, s2  }
0x1e: {  	s7 =	smul.u32 @!p0 $0xF7A, s2;
	p2 =	seq.s32 @!p0 s5, $0x0  }
0x1f: {  	s9 =	smul.u32 $0xF7A, s1;
	s8 =	simm.s32 @!p0 $0x1BF5;
	p2 =	por !p2, p0  }
0x20: {  	[sflag:s8] =	ssyncset.s32 @!p0 $0xFFFFF086;
	s6 =	sadd.s32 @!p0 s3, s7;
	s7 =	simm.s32 @!p0 $0x108  }
0x21: {  	s3 =	sadd.s32 s3, s9;
	s6 =	sadd.s32 @!p0 $0x88, s6;
	s7 =	simm.s32 @p2 $0x1082  }
0x22: {  	[simem:s7], [sflag:s8] =	dma.local @!p0 [hbm:s6], $0xF7A  }
0x23: {  	s9 =	sor.u32 $0xD0000000, s2;
	s6 =	simm.s32 $0x108;
	_ =	swait.ge @!p0 [sflag:s8], $0x0  }
0x24: {  	s3 =	sadd.s32 $0x88, s3;
	s6 =	simm.s32 @!p1 $0x1082;
	[sflag:s4] =	ssyncset.s32 $0xFFFFF086  }
0x25: {  	[simem:s6], [sflag:s4] =	dma.local [hbm:s3], $0xF7A  }
0x26: {  	[smem:$0x3F97] =	sst s1;
	(tag) =	ssettag s2;
	_ =	strace s9  }
0x27: {  	s1 =	sld [smem:$0x3FA7]  }
0x28: {  	s2 =	sld [smem:$0x3FA8]  }
0x29: {  	s4 =	sld [smem:$0x3FAA]  }
0x2a: {  	p0 =	seq.s32 s5, $0x0;
	s5 =	sld [smem:$0x3FAB]  }
0x2b: {  	s6 =	sld [smem:$0x3FAC]  }
0x2c: {  	s7 =	sld [smem:$0x3FAD]  }
0x2d: {  	s3 =	simm.s32 $0x108;
	s8 =	sld [smem:$0x3FAE]  }
0x2e: {  	s3 =	simm.s32 @!p0 $0x1082;
	s9 =	sld [smem:$0x3FAF]  }
0x2f: {  	lr =	sadd.s32 s0, s3;
	s0 =	sld [smem:$0x3FA6]  }
0x30: {  	s3 =	sld [smem:$0x3FA9]  }
0x31: {  	[smem:$0x3FB2] =	sst s10  }
0x32: {  	s10 =	sld [smem:$0x3FB0];
	_ =	sdelay $0x3  }
0x33: {  	p0 =	seq.s32 s10, $0x1;
	s10 =	sld [smem:$0x3FB2];
	_ =	sdelay $0x3  }
0x34: {  	[smem:$0x3FB2] =	sst s10  }
0x35: {  	s10 =	sld [smem:$0x3FB1];
	_ =	sdelay $0x3  }
0x36: {  	p1 =	seq.s32 s10, $0x1;
	s10 =	sld [smem:$0x3FB2];
	_ =	sdelay $0x3  }
0x37: {  	[smem:$0x3FB2] =	sst s10  }
0x38: {  	s10 =	sld [smem:$0x3FB3]  }
0x39: {  	_ = 	snop;
	(pc) =	sbr.ind lr, $3  }
0x3a: {  	_ = 	snop  }
0x3b: {  	_ = 	snop  }
0x3c: {  	p2 =	seq.s32 s10, $0x1;
	s10 =	sld [smem:$0x3FB2]  }
0x3d: {  	_ =	shalt  }
0x3e: {  	_ =	shalt  }
0x3f: {  	_ =	shalt  }
0x40: {  	_ =	shalt  }
0x41: {  	_ =	shalt  }
0x42: {  	_ =	shalt  }
0x43: {  	_ =	shalt  }
0x44: {  	_ =	shalt  }
0x45: {  	_ =	shalt  }
0x46: {  	_ =	shalt  }
0x47: {  	_ =	shalt  }
0x48: {  	_ =	shalt  }
0x49: {  	_ =	shalt  }
0x4a: {  	_ =	shalt  }
0x4b: {  	_ =	shalt  }
0x4c: {  	_ =	shalt  }
0x4d: {  	_ =	shalt  }
0x4e: {  	_ =	shalt  }
0x4f: {  	_ =	shalt  }
0x50: {  	_ =	shalt  }
0x51: {  	_ =	shalt  }
0x52: {  	_ =	shalt  }
0x53: {  	_ =	shalt  }
0x54: {  	_ =	shalt  }
0x55: {  	_ =	shalt  }
0x56: {  	_ =	shalt  }
0x57: {  	_ =	shalt  }
0x58: {  	_ =	shalt  }
0x59: {  	_ =	shalt  }
0x5a: {  	_ =	shalt  }
0x5b: {  	_ =	shalt  }
0x5c: {  	_ =	shalt  }
0x5d: {  	_ =	shalt  }
0x5e: {  	_ =	shalt  }
0x5f: {  	_ =	shalt  }
0x60: {  	_ =	shalt  }
0x61: {  	_ =	shalt  }
0x62: {  	_ =	shalt  }
0x63: {  	_ =	shalt  }
0x64: {  	_ =	shalt  }
0x65: {  	_ =	shalt  }
0x66: {  	_ =	shalt  }
0x67: {  	_ =	shalt  }
0x68: {  	_ =	shalt  }
0x69: {  	_ =	shalt  }
0x6a: {  	_ =	shalt  }
0x6b: {  	_ =	shalt  }
0x6c: {  	_ =	shalt  }
0x6d: {  	_ =	shalt  }
0x6e: {  	_ =	shalt  }
0x6f: {  	_ =	shalt  }
0x70: {  	_ =	shalt  }
0x71: {  	_ =	shalt  }
0x72: {  	_ =	shalt  }
0x73: {  	_ =	shalt  }
0x74: {  	_ =	shalt  }
0x75: {  	_ =	shalt  }
0x76: {  	_ =	shalt  }
0x77: {  	_ =	shalt  }
0x78: {  	_ =	shalt  }
0x79: {  	_ =	shalt  }
0x7a: {  	_ =	shalt  }
0x7b: {  	_ =	shalt  }
0x7c: {  	_ =	shalt  }
0x7d: {  	_ =	shalt  }
0x7e: {  	_ =	shalt  }
0x7f: {  	_ =	shalt  }
0x80: {  	_ =	shalt  }
0x81: {  	_ =	shalt  }
0x82: {  	_ =	shalt  }
0x83: {  	_ =	shalt  }
0x84: {  	_ =	shalt  }
0x85: {  	_ =	shalt  }
0x86: {  	_ =	shalt  }
0x87: {  	_ =	shalt  }
.Lfunc_end0:
.L_simem_size_0:
called_computation_lowered:
.L_overlay_start_0:
0x88: {  	s2 =	sld [smem:$0x3FD9]  }
0x89: {  	s3 =	sld [smem:$0x3FFE];
	_ =	sdelay $0x1  }
0x8a: {  	s1 =	srdreg.scid  }
0x8b: {  	s0 =	sand.u32 $0x1, s1  }
0x8c: {  	s17 =	sshll.u32 s0, $0xA;
	s2 =	sadd.s32 s3, s2  }
0x8d: {  	s2 =	sadd.s32 s2, s17  }
0x8e: {  	[smem:$0x3FBE] =	sst s2  }
0x8f: {  	_ = 	snop  }
0x90: {  	s2 =	sld [smem:$0x3FC9]  }
0x91: {  	s18 =	sld [smem:$0x3FD0];
	(tm) =	ssettm $0x1  }
0x92: {  	s4 =	sld [smem:$0x3FFB];
	_ =	sdelay $0x3  }
0x93: {  	_ =	strace s4  }
0x94: {  	s4 =	sld [smem:$0x3FFC];
	_ =	sdelay $0x3  }
0x95: {  	_ =	strace s4  }
0x96: {  	s4 =	sld [smem:$0x3FFD];
	_ =	sdelay $0x3  }
0x97: {  	_ =	strace s4  }
0x98: {  	_ =	strace $0x8FFFFFFF  }
0x99: {  	s19 =	sld [smem:$0x3FDB];
	_ =	sdelay $0x1  }
0x9a: {  	s5 =	simm.s32 $_scs_section_size  }
0x9b: {  	s6 =	simm.s32 $_size__tile_overlayer_lowered;
	s7 =	simm.s32 $_tile_overlayer_lowered  }
0x9c: {  	s22 =	simm.s32 $0x1BFF;
	s21 =	sshll.u32 s7, $0x1;
	s4 =	sadd.s32 s5, s19  }
0x9d: {  	s8 =	simm.s32 $0x0;
	s20 =	sshll.u32 s6, $0x1;
	s6 =	sadd.s32 s21, s4  }
0x9e: {  	[timem:s8], [sflag:s22] =	dma.local [hbm:s6], s20  }
0x9f: {  	_ =	swait.ge [sflag:s22], s20  }
0xa0: {  	s5 =	ssub.s32 $0x0, s20;
	[sflag:s22] =	ssyncset.done $0x0  }
0xa1: {  	[sflag:s22] =	ssyncadd.s32 s5;
	_ =	sdelay $0x1  }
0xa2: {  	s23 =	simm.s32 $0x1B8B  }
0xa3: {  	_ =	swait.ge [sflag:s23], $0x1  }
0xa4: {  	[sflag:s23] =	ssyncset.done $0x0  }
0xa5: {  	s25 =	simm.s32 $0x1B8E;
	s24 =	sld [smem:$0x3FFE];
	[sflag:s23] =	ssyncadd.s32 $0xFFFFFFFF  }
0xa6: {  	s26 =	simm.s32 $execute0_lowered;
	[smem:$0x3FD2] =	sst s25  }
0xa7: {  	s6 =	sshll.u32 s26, $0x1;
	_ =	strace $0x80000046;
	[dreg:$0x1] =	wrdreg $0xFFFFFFFF  }
0xa8: {  	s28 =	simm.s32 $_size_execute0_lowered;
	s4 =	sadd.s32 s4, s6;
	[dreg:$0x0] =	wrdreg $0x0  }
0xa9: {  	s6 =	sshll.u32 s28, $0x1;
	[dreg:$0x2] =	wrdreg s4  }
0xaa: {  	[dreg:$0x3] =	wrdreg s6  }
0xab: {  	[dreg:$0x4] =	wrdreg $0xC0  }
0xac: {  	_ =	task [dreg:s8], $0x5FFFF  }
0xad: {  	[dreg:$0x1] =	wrdreg $0xFFFFFFFF  }
0xae: {  	[dreg:$0x0] =	wrdreg $0x60  }
0xaf: {  	[dreg:$0x2] =	wrdreg s2  }
0xb0: {  	[dreg:$0x3] =	wrdreg s24  }
0xb1: {  	[dreg:$0x4] =	wrdreg s18  }
0xb2: {  	[dreg:$0x5] =	wrdreg $0xB2000  }
0xb3: {  	[dreg:$0x6] =	wrdreg $0x1EA800  }
0xb4: {  	[dreg:$0x7] =	wrdreg $0x9  }
0xb5: {  	_ =	task.clear_ibuf [dreg:s8], $0x8FFFF;
	_ =	strace $0x90000046  }
0xb6: {  	s29 =	simm.s32 $0x9;
	_ =	strace $0x80000048  }
0xb7: {  	_ =	swait.ge [sflag:s29], $0x1  }
0xb8: {  	[sflag:s29] =	ssyncadd.s32 $0xFFFFFFFF  }
0xb9: {  	_ =	strace $0x90000048  }
0xba: {  	_ =	sfence  }
0xbb: {  	s30 =	sld [smem:$0x0];
	_ =	sdelay $0x2  }
0xbc: {  	s31 =	sshll.u32 s1, $0xD;
	s1 =	sshrl.u32 s1, $0x2  }
0xbd: {  	s3 =	sand.u32 $0x4000, s31;
	s1 =	sadd.s32 s1, s30  }
0xbe: {  	s0 =	sor.u32 s3, s0;
	s1 =	sshll.u32 s1, $0x11  }
0xbf: {  	s0 =	sor.u32 s1, s0  }
0xc0: {  	s0 =	sadd.s32 $0x8F2B, s0  }
0xc1: {  	[sflag:s0] =	ssyncadd.remote.s32 $0x1  }
0xc2: {  	_ =	sfence.sel $0xFFFF  }
0xc3: {  	[dreg:$0x0] =	wrdreg $0xFFFFFFFF;
	(pc) =	sbr.abs _section_cstart, $3  }
0xc4: {  	[dreg:$0x1] =	wrdreg $0xFFFFFFFF  }
0xc5: {  	_ =	task.clear_ibuf [dreg:s8], $0x2FFFF;
	_ =	strace $0x9FFFFFFF  }
0xc6: {  	(tm) =	ssettm $0x7FFFFFFF  }
0xc7: {  	_ =	shalt  }
tec
execute0_lowered:
.L_overlay_start_1:
0x0: {  	(tag) =	ssettag $0x1  }
0x1: {  	s1 =	rddreg [dreg:$0x0]  }
0x2: {  	s0 =	rddreg [dreg:$0x1]  }
0x3: {  	s6 =	rddreg [dreg:$0x2]  }
0x4: {  	s2 =	rddreg [dreg:$0x3]  }
0x5: {  	s3 =	rddreg [dreg:$0x4]  }
0x6: {  	s4 =	simm.s32 $0x0;
	s5 =	srdreg.scid;
	s28 =	simm.s32 $0x2880  }
0x7: {  	s29 =	simm.s32 $0x2800;
	s30 =	simm.s32 $0x6880;
	s7 =	sand.u32 $0x1, s5  }
0x8: {  	s31 =	simm.s32 $0x1;
	[smem:$0x7FF] =	sst s4;
	s9 =	smul.u32 $0x27100, s7  }
0x9: {  	s11 =	sadd.s32 $0xC800, s0;
	s5 =	stileid.u32;
	s8 =	smul.u32 $0x500, s7  }
0xa: {  	s12 =	sadd.s32 $0x2A00, s0;
	s14 =	sadd.s32 $0x16600, s0;
	s10 =	smul.u32 $0x4F000, s5  }
0xb: {  	_ =	strace $0x80000047;
	[dreg:$0x6] =	wrdreg s14;
	s16 =	smul.u32 $0x2780, s5  }
0xc: {  	s15 =	sshll.u32 s7, $0x4;
	s7 =	ssub.s32 $0x2, s7;
	s20 =	smul.u32 $0x2710, s5  }
0xd: {  	p0 =	sne.s32 s5, $0xF;
	p3 =	seq.s32 s5, $0xF;
	s14 =	sshrl.u32 s7, $0x1  }
0xe: {  	p2 =	sne.s32 @p0 s5, $0x0;
	s13 =	sadd.s32 s9, s0;
	s0 =	sadd.s32 s8, s0  }
0xf: {  	s8 =	sor.u32 s5, s15;
	s10 =	sshrl.u32 s10, $0x2;
	s7 =	ssub.s32 s7, s14  }
0x10: {  	[dreg:$0x7] =	wrdreg s16;
	s16 =	sadd.s32 s6, s16;
	s6 =	sadd.s32 $0x25080, s6  }
0x11: {  	s24 =	sadd.s32 s20, s9;
	p1 =	por p2, !p0;
	p2 =	por !p2, !p0  }
0x12: {  	s9 =	simm.s32 $0x2;
	s14 =	simm.s32 $0x5;
	s20 =	simm.s32 $0x0  }
0x13: {  	s15 =	smul.u32 $0x2710, s8;
	s8 =	sadd.s32 s10, s2;
	[dreg:$0x8] =	wrdreg s16  }
0x14: {  	s10 =	sadd.s32 $0x128400, s2;
	[dreg:$0x9] =	wrdreg s6;
	s0 =	sadd.s32 $0x16C00, s0  }
0x15: {  	s21 =	smax.u32 s7, $0x1;
	[dreg:$0xe] =	wrdreg s0;
	s17 =	sshrl.u32 s15, $0x3  }
0x16: {  	s16 =	sadd.s32 $0x17600, s13;
	[dreg:$0xf] =	wrdreg s21;
	s18 =	sadd.s32 s11, s17  }
0x17: {  	s19 =	sadd.s32 s12, s17;
	s6 =	sadd.s32 $0x4E0, s17;
	[dreg:$0xa] =	wrdreg s18  }
0x18: {  	s26 =	sadd.s32 $0x180, s24;
	s11 =	sadd.s32 s11, s6;
	[dreg:$0xb] =	wrdreg s19  }
0x19: {  	s7 =	simm.s32 $0x3;
	s6 =	sadd.s32 s12, s6;
	[dreg:$0xc] =	wrdreg s11  }
0x1a: {  	s0 =	sadd.s32 $0x200, s24;
	s22 =	sadd.s32 $0x10, s19;
	[dreg:$0xd] =	wrdreg s6  }
0x1b: {  	s24 =	simm.s32 $0x8;
	s23 =	sadd.s32 $0x20, s19;
	[dreg:$0x10] =	wrdreg s22  }
0x1c: {  	s0 =	sshrl.u32 s0, $0x3;
	s25 =	sadd.s32 $0x4D0, s19;
	[dreg:$0x11] =	wrdreg s23  }
0x1d: {  	s17 =	simm.s32 $0xA900;
	s18 =	simm.s32 $0x10;
	[dreg:$0x12] =	wrdreg s25  }
0x1e: {  	s6 =	sshrl.u32 s26, $0x3;
	s23 =	sadd.s32 s0, s12;
	s25 =	simm.s32 $0x2780  }
0x1f: {  	s26 =	simm.s32 $0x80;
	s0 =	simm.s32 $0x6;
	s11 =	simm.s32 $0x4  }
0x20: {  	v0 =	vimm.f32 $1.000000000e+00;
	s22 =	sadd.s32 s6, s12;
	s6 =	simm.s32 $0xB180;
	s12 =	simm.s32 $0x7  }
.LBB2_1:
0x21: {  	s13 =	sshll.u32 @p0 s5, $0x6  }
0x22: {  	s21 =	sshrl.u32 @p0 s8, $0x3;
	s15 =	rddreg [dreg:$0x8];
	s13 =	sor.u32 @p0 $0x1C08, s13  }
0x23: {  	[spmem:s21], [sflag:s13] =	dma.local @p0 [hbm:s15], $0x2780  }
0x24: {  	s13 =	simm.s32 @p0 $0x8  }
0x25: {  	_ =	swait.ge @p0 [sflag:s13], $0x2780  }
0x26: {  	s21 =	simm.s32 @!p1 $0x1C08;
	[sflag:s13] =	ssyncset.done @p0 $0x0  }
0x27: {  	s15 =	rddreg [dreg:$0x6];
	[sflag:s13] =	ssyncadd.s32 @p0 $0xFFFFD880;
	s13 =	sshrl.u32 @!p1 s3, $0x3  }
0x28: {  	[spmem:s13], [sflag:s21] =	dma.local @!p1 [hbm:s15], $0x500  }
0x29: {  	s13 =	simm.s32 @!p1 $0x8  }
0x2a: {  	_ =	swait.ge @!p1 [sflag:s13], $0x500  }
0x2b: {  	s21 =	simm.s32 @!p0 $0x1FC8;
	[sflag:s13] =	ssyncset.done @!p1 $0x0  }
0x2c: {  	s15 =	rddreg [dreg:$0x9];
	[sflag:s13] =	ssyncadd.s32 @!p1 $0xFFFFFB00;
	s13 =	sshrl.u32 @!p0 s10, $0x3  }
0x2d: {  	[spmem:s13], [sflag:s21] =	dma.local @!p0 [hbm:s15], $0x2080  }
0x2e: {  	s13 =	simm.s32 @!p0 $0x8  }
0x2f: {  	_ =	swait.ge @!p0 [sflag:s13], $0x2080  }
0x30: {  	[sflag:s13] =	ssyncset.done @!p0 $0x0  }
0x31: {  	[sflag:s13] =	ssyncadd.s32 @!p0 $0xFFFFDF80  }
0x32: {  	[tilespmem:$0xB180] =	vst v0  }
0x33: {  	[tilespmem:$0xB190] =	vst v0  }
0x34: {  	[tilespmem:$0xB1A0] =	vst v0  }
0x35: {  	[tilespmem:$0xB1B0] =	vst v0  }
0x36: {  	[tilespmem:$0xB1C0] =	vst v0  }
0x37: {  	[tilespmem:$0xB1D0] =	vst v0  }
0x38: {  	[tilespmem:$0xB1E0] =	vst v0  }
0x39: {  	[tilespmem:$0xB1F0] =	vst v0  }
0x3a: {  	[bflag:$0x0] =	sbarrier.arrive $0xFFFF  }
0x3b: {  	s15 =	rddreg [dreg:$0xa]  }
0x3c: {  	[tilespmem:s4], [sflag:$0x8] =	stream.linear.gather [hbm4b:s15+s4], $0x2710, $0x38;
	[tilespmem:$0x1ED00] =	vst v63  }
0x3d: {  	_ =	swait.ge [sflag:s24], $0x2710  }
0x3e: {  	[sflag:s24] =	ssyncset.done $0x0  }
0x3f: {  	s19 =	rddreg [dreg:$0xb];
	[sflag:s24] =	ssyncadd.s32 $0xFFFFD8F0  }
0x40: {  	[tilespmem:s25], [sflag:$0x6] =	stream.linear.gather [hbm4b:s19+s4], $0x80, $0x38;
	[tilespmem:$0x1ED00] =	vst v63  }
0x41: {  	_ = 	snop  }
0x42: {  	[tilespmem:s28], [sflag:$0x1] =	stream.indirect.gather [hbm4b:s1+s26], $0x80, s4, s26, $0xb8;
	[tilespmem:$0x1ED00] =	vst v63  }
0x43: {  	s21 =	rddreg [dreg:$0x10]  }
0x44: {  	[tilespmem:s29], [sflag:$0x7] =	stream.linear.gather [hbm4b:s21+s4], $0x80, $0x38;
	[tilespmem:$0x1ED00] =	vst v63  }
0x45: {  	_ = 	snop  }
0x46: {  	[tilespmem:s30], [sflag:$0x1] =	stream.indirect.gather [hbm4b:s1+s26], $0x80, s26, s26, $0xb8;
	[tilespmem:$0x1ED00] =	vst v63  }
0x47: {  	_ =	swait.ge [sflag:s31], $0x4000  }
0x48: {  	[sflag:s31] =	ssyncset.done $0x0  }
0x49: {  	[sflag:s31] =	ssyncadd.s32 $0xFFFFC000  }
0x4a: {  	_ =	swait.ge [sflag:s0], $0x80  }
0x4b: {  	[sflag:s0] =	ssyncset.done $0x0  }
0x4c: {  	[sflag:s0] =	ssyncadd.s32 $0xFFFFFF80  }
0x4d: {  	[spmem:s2] =	stream.indirect.scatter.add.f32 [tilespmem:s28], [sflag:$0x2], $0x80, s25, s26, $0xb8;
	[tilespmem:$0x1ED00] =	vst v63  }
0x4e: {  	_ = 	snop  }
0x4f: {  	[spmem:s3] =	stream.indirect.scatter.add.f32 [tilespmem:s6], [sflag:$0x4], $0x1, s25, s26, $0xb8;
	[tilespmem:$0x1ED00] =	vst v63  }
0x50: {  	_ =	swait.ge [sflag:s31], $0x4000  }
0x51: {  	[sflag:s31] =	ssyncset.done $0x0  }
0x52: {  	[sflag:s31] =	ssyncadd.s32 $0xFFFFC000  }
0x53: {  	_ =	swait.ge [sflag:s9], $0x4000  }
0x54: {  	[sflag:s9] =	ssyncset.done $0x0  }
0x55: {  	[sflag:s9] =	ssyncadd.s32 $0xFFFFC000  }
0x56: {  	_ =	swait.ge [sflag:s11], $0x80  }
0x57: {  	[sflag:s11] =	ssyncset.done $0x0  }
0x58: {  	s15 =	rddreg [dreg:$0x11];
	[sflag:s11] =	ssyncadd.s32 $0xFFFFFF80  }
0x59: {  	[tilespmem:s25], [sflag:$0x6] =	stream.linear.gather [hbm4b:s15+s4], $0x80, $0x38;
	[tilespmem:$0x1ED00] =	vst v63  }
0x5a: {  	s19 =	simm.s32 $0x100  }
0x5b: {  	[tilespmem:s28], [sflag:$0x1] =	stream.indirect.gather [hbm4b:s1+s26], $0x80, s19, s26, $0xb8;
	[tilespmem:$0x1ED00] =	vst v63  }
0x5c: {  	_ =	swait.ge [sflag:s12], $0x80  }
0x5d: {  	[sflag:s12] =	ssyncset.done $0x0  }
0x5e: {  	[sflag:s12] =	ssyncadd.s32 $0xFFFFFF80  }
0x5f: {  	[spmem:s2] =	stream.indirect.scatter.add.f32 [tilespmem:s30], [sflag:$0x3], $0x80, s29, s26, $0xb8;
	[tilespmem:$0x1ED00] =	vst v63  }
0x60: {  	_ = 	snop  }
0x61: {  	[spmem:s3] =	stream.indirect.scatter.add.f32 [tilespmem:s6], [sflag:$0x5], $0x1, s29, s26, $0xb8;
	[tilespmem:$0x1ED00] =	vst v63  }
0x62: {  	_ =	swait.ge [sflag:s7], $0x4000  }
0x63: {  	[sflag:s7] =	ssyncset.done $0x0  }
0x64: {  	[sflag:s7] =	ssyncadd.s32 $0xFFFFC000  }
0x65: {  	_ =	swait.ge [sflag:s14], $0x80  }
0x66: {  	[sflag:s14] =	ssyncset.done $0x0  }
0x67: {  	s21 =	sadd.s32 $0x0, s22;
	[sflag:s14] =	ssyncadd.s32 $0xFFFFFF80  }
0x68: {  	[tilespmem:s29], [sflag:$0x7] =	stream.linear.gather [hbm4b:s21+s4], $0x80, $0x38;
	[tilespmem:$0x1ED00] =	vst v63  }
0x69: {  	s15 =	simm.s32 $0x180  }
0x6a: {  	[tilespmem:s30], [sflag:$0x1] =	stream.indirect.gather [hbm4b:s1+s26], $0x80, s15, s26, $0xb8;
	[tilespmem:$0x1ED00] =	vst v63  }
0x6b: {  	_ =	swait.ge [sflag:s31], $0x4000  }
0x6c: {  	[sflag:s31] =	ssyncset.done $0x0  }
0x6d: {  	[sflag:s31] =	ssyncadd.s32 $0xFFFFC000  }
0x6e: {  	_ =	swait.ge [sflag:s0], $0x80  }
0x6f: {  	[sflag:s0] =	ssyncset.done $0x0  }
0x70: {  	[sflag:s0] =	ssyncadd.s32 $0xFFFFFF80  }
0x71: {  	[spmem:s2] =	stream.indirect.scatter.add.f32 [tilespmem:s28], [sflag:$0x2], $0x80, s25, s26, $0xb8;
	[tilespmem:$0x1ED00] =	vst v63  }
0x72: {  	_ = 	snop  }
0x73: {  	[spmem:s3] =	stream.indirect.scatter.add.f32 [tilespmem:s6], [sflag:$0x4], $0x1, s25, s26, $0xb8;
	[tilespmem:$0x1ED00] =	vst v63  }
0x74: {  	_ =	swait.ge [sflag:s31], $0x4000  }
0x75: {  	[sflag:s31] =	ssyncset.done $0x0  }
0x76: {  	[sflag:s31] =	ssyncadd.s32 $0xFFFFC000  }
0x77: {  	_ =	swait.ge [sflag:s9], $0x4000  }
0x78: {  	[sflag:s9] =	ssyncset.done $0x0  }
0x79: {  	[sflag:s9] =	ssyncadd.s32 $0xFFFFC000  }
0x7a: {  	_ =	swait.ge [sflag:s11], $0x80  }
0x7b: {  	[sflag:s11] =	ssyncset.done $0x0  }
0x7c: {  	s19 =	sadd.s32 $0x0, s23;
	[sflag:s11] =	ssyncadd.s32 $0xFFFFFF80  }
0x7d: {  	[tilespmem:s25], [sflag:$0x6] =	stream.linear.gather [hbm4b:s19+s4], $0x80, $0x38;
	[tilespmem:$0x1ED00] =	vst v63  }
0x7e: {  	p5 =	por @p0 $0x0, $0x0;
	p4 =	por @!p1 $0x1, $0x1;
	s21 =	simm.s32 $0x200  }
0x7f: {  	[tilespmem:s28], [sflag:$0x1] =	stream.indirect.gather [hbm4b:s1+s26], $0x80, s21, s26, $0xb8;
	[tilespmem:$0x1ED00] =	vst v63  }
0x80: {  	p4 =	por @!p2 p5, p5;
	p5 =	por @!p0 $0x0, $0x0;
	_ =	swait.ge [sflag:s12], $0x80  }
0x81: {  	p4 =	por @!p0 p5, p5;
	[sflag:s12] =	ssyncset.done $0x0  }
0x82: {  	s13 =	simm.s32 $0x280;
	s21 =	simm.s32 $0x20;
	[sflag:s12] =	ssyncadd.s32 $0xFFFFFF80  }
0x83: {  	[spmem:s2] =	stream.indirect.scatter.add.f32 [tilespmem:s30], [sflag:$0x3], $0x80, s29, s26, $0xb8;
	[tilespmem:$0x1ED00] =	vst v63  }
.LBB2_2:
0x84: {  	[spmem:s3] =	stream.indirect.scatter.add.f32 [tilespmem:s6], [sflag:$0x5], $0x1, s29, s26, $0xb8;
	[tilespmem:$0x1ED00] =	vst v63  }
0x85: {  	s15 =	smov.u32 s21  }
0x86: {  	p5 =	sne.s32 s21, $0x480;
	s21 =	sadd.s32 $0x20, s21;
	_ =	swait.ge [sflag:s7], $0x4000  }
0x87: {  	[sflag:s7] =	ssyncset.done $0x0  }
0x88: {  	[sflag:s7] =	ssyncadd.s32 $0xFFFFC000  }
0x89: {  	_ =	swait.ge [sflag:s14], $0x80  }
0x8a: {  	[sflag:s14] =	ssyncset.done $0x0  }
0x8b: {  	s19 =	sadd.s32 s15, s22;
	[sflag:s14] =	ssyncadd.s32 $0xFFFFFF80  }
0x8c: {  	[tilespmem:s29], [sflag:$0x7] =	stream.linear.gather [hbm4b:s19+s4], $0x80, $0x38;
	[tilespmem:$0x1ED00] =	vst v63  }
0x8d: {  	_ = 	snop  }
0x8e: {  	[tilespmem:s30], [sflag:$0x1] =	stream.indirect.gather [hbm4b:s1+s26], $0x80, s13, s26, $0xb8;
	[tilespmem:$0x1ED00] =	vst v63  }
0x8f: {  	_ =	swait.ge [sflag:s31], $0x4000  }
0x90: {  	[sflag:s31] =	ssyncset.done $0x0  }
0x91: {  	[sflag:s31] =	ssyncadd.s32 $0xFFFFC000  }
0x92: {  	_ =	swait.ge [sflag:s0], $0x80  }
0x93: {  	[sflag:s0] =	ssyncset.done $0x0  }
0x94: {  	[sflag:s0] =	ssyncadd.s32 $0xFFFFFF80  }
0x95: {  	[spmem:s2] =	stream.indirect.scatter.add.f32 [tilespmem:s28], [sflag:$0x2], $0x80, s25, s26, $0xb8;
	[tilespmem:$0x1ED00] =	vst v63  }
0x96: {  	_ = 	snop  }
0x97: {  	[spmem:s3] =	stream.indirect.scatter.add.f32 [tilespmem:s6], [sflag:$0x4], $0x1, s25, s26, $0xb8;
	[tilespmem:$0x1ED00] =	vst v63  }
0x98: {  	_ =	swait.ge [sflag:s31], $0x4000  }
0x99: {  	[sflag:s31] =	ssyncset.done $0x0  }
0x9a: {  	[sflag:s31] =	ssyncadd.s32 $0xFFFFC000  }
0x9b: {  	_ =	swait.ge [sflag:s9], $0x4000  }
0x9c: {  	[sflag:s9] =	ssyncset.done $0x0  }
0x9d: {  	[sflag:s9] =	ssyncadd.s32 $0xFFFFC000  }
0x9e: {  	_ =	swait.ge [sflag:s11], $0x80  }
0x9f: {  	[sflag:s11] =	ssyncset.done $0x0  }
0xa0: {  	s15 =	sadd.s32 s15, s23;
	[sflag:s11] =	ssyncadd.s32 $0xFFFFFF80  }
0xa1: {  	[tilespmem:s25], [sflag:$0x6] =	stream.linear.gather [hbm4b:s15+s4], $0x80, $0x38;
	[tilespmem:$0x1ED00] =	vst v63  }
0xa2: {  	s15 =	sadd.s32 $0x80, s13  }
0xa3: {  	[tilespmem:s28], [sflag:$0x1] =	stream.indirect.gather [hbm4b:s1+s26], $0x80, s15, s26, $0xb8;
	[tilespmem:$0x1ED00] =	vst v63  }
.Ltmp0:
0xa4: {  	_ =	swait.ge [sflag:s12], $0x80;
	(pc) =	sbr.rel @p5 .LBB2_2-.Ltmp0, $4  }
0xa5: {  	[sflag:s12] =	ssyncset.done $0x0  }
0xa6: {  	[sflag:s12] =	ssyncadd.s32 $0xFFFFFF80  }
0xa7: {  	[spmem:s2] =	stream.indirect.scatter.add.f32 [tilespmem:s30], [sflag:$0x3], $0x80, s29, s26, $0xb8;
	[tilespmem:$0x1ED00] =	vst v63  }
0xa8: {  	s13 =	sadd.s32 $0x100, s13  }
0xa9: {  	[spmem:s3] =	stream.indirect.scatter.add.f32 [tilespmem:s6], [sflag:$0x5], $0x1, s29, s26, $0xb8;
	[tilespmem:$0x1ED00] =	vst v63  }
0xaa: {  	_ =	swait.ge [sflag:s7], $0x4000  }
0xab: {  	[sflag:s7] =	ssyncset.done $0x0  }
0xac: {  	[sflag:s7] =	ssyncadd.s32 $0xFFFFC000  }
0xad: {  	_ =	swait.ge [sflag:s14], $0x80  }
0xae: {  	[sflag:s14] =	ssyncset.done $0x0  }
0xaf: {  	s13 =	rddreg [dreg:$0x12];
	[sflag:s14] =	ssyncadd.s32 $0xFFFFFF80  }
0xb0: {  	[tilespmem:s29], [sflag:$0x7] =	stream.linear.gather [hbm4b:s13+s4], $0x80, $0x38;
	[tilespmem:$0x1ED00] =	vst v63  }
0xb1: {  	s15 =	simm.s32 $0x2680  }
0xb2: {  	[tilespmem:s30], [sflag:$0x1] =	stream.indirect.gather [hbm4b:s1+s26], $0x80, s15, s26, $0xb8;
	[tilespmem:$0x1ED00] =	vst v63  }
0xb3: {  	_ =	swait.ge [sflag:s31], $0x4000  }
0xb4: {  	[sflag:s31] =	ssyncset.done $0x0  }
0xb5: {  	[sflag:s31] =	ssyncadd.s32 $0xFFFFC000  }
0xb6: {  	_ =	swait.ge [sflag:s0], $0x80  }
0xb7: {  	[sflag:s0] =	ssyncset.done $0x0  }
0xb8: {  	[sflag:s0] =	ssyncadd.s32 $0xFFFFFF80  }
0xb9: {  	[spmem:s2] =	stream.indirect.scatter.add.f32 [tilespmem:s28], [sflag:$0x2], $0x80, s25, s26, $0xb8;
	[tilespmem:$0x1ED00] =	vst v63  }
0xba: {  	_ = 	snop  }
0xbb: {  	[spmem:s3] =	stream.indirect.scatter.add.f32 [tilespmem:s6], [sflag:$0x4], $0x1, s25, s26, $0xb8;
	[tilespmem:$0x1ED00] =	vst v63  }
0xbc: {  	_ =	swait.ge [sflag:s31], $0x4000  }
0xbd: {  	[sflag:s31] =	ssyncset.done $0x0  }
0xbe: {  	[sflag:s31] =	ssyncadd.s32 $0xFFFFC000  }
0xbf: {  	_ =	swait.ge [sflag:s9], $0x4000  }
0xc0: {  	[sflag:s9] =	ssyncset.done $0x0  }
0xc1: {  	[sflag:s9] =	ssyncadd.s32 $0xFFFFC000  }
0xc2: {  	_ =	swait.ge [sflag:s11], $0x80  }
0xc3: {  	[sflag:s11] =	ssyncset.done $0x0  }
0xc4: {  	[sflag:s11] =	ssyncadd.s32 $0xFFFFFF80  }
0xc5: {  	_ =	swait.ge [sflag:s12], $0x80  }
0xc6: {  	[sflag:s12] =	ssyncset.done $0x0  }
0xc7: {  	[sflag:s12] =	ssyncadd.s32 $0xFFFFFF80  }
0xc8: {  	[spmem:s2] =	stream.indirect.scatter.add.f32 [tilespmem:s30], [sflag:$0x3], $0x80, s29, s26, $0xb8;
	[tilespmem:$0x1ED00] =	vst v63  }
0xc9: {  	_ = 	snop  }
0xca: {  	[spmem:s3] =	stream.indirect.scatter.add.f32 [tilespmem:s6], [sflag:$0x5], $0x1, s29, s26, $0xb8;
	[tilespmem:$0x1ED00] =	vst v63  }
0xcb: {  	_ =	swait.ge [sflag:s7], $0x4000  }
0xcc: {  	[sflag:s7] =	ssyncset.done $0x0  }
0xcd: {  	[sflag:s7] =	ssyncadd.s32 $0xFFFFC000  }
0xce: {  	_ =	swait.ge [sflag:s14], $0x80  }
0xcf: {  	[sflag:s14] =	ssyncset.done $0x0  }
0xd0: {  	s15 =	simm.s32 $0xA880;
	s19 =	rddreg [dreg:$0xc];
	[sflag:s14] =	ssyncadd.s32 $0xFFFFFF80  }
0xd1: {  	[tilespmem:s15], [sflag:$0x8] =	stream.linear.gather [hbm4b:s19+s4], $0x10, $0x38;
	[tilespmem:$0x1ED00] =	vst v63  }
0xd2: {  	_ =	swait.ge [sflag:s24], $0x10  }
0xd3: {  	[sflag:s24] =	ssyncset.done $0x0  }
0xd4: {  	s21 =	rddreg [dreg:$0xd];
	[sflag:s24] =	ssyncadd.s32 $0xFFFFFFF0  }
0xd5: {  	[tilespmem:s17], [sflag:$0x8] =	stream.linear.gather [hbm4b:s21+s4], $0x10, $0x38;
	[tilespmem:$0x1ED00] =	vst v63  }
0xd6: {  	_ =	swait.ge [sflag:s24], $0x10  }
0xd7: {  	[sflag:s24] =	ssyncset.done $0x0  }
0xd8: {  	s19 =	simm.s32 $0xA980;
	[sflag:s24] =	ssyncadd.s32 $0xFFFFFFF0  }
0xd9: {  	[tilespmem:s19], [sflag:$0x8] =	stream.indirect.gather [hbm4b:s1+s18], $0x80, s15, s18, $0xb8;
	[tilespmem:$0x1ED00] =	vst v63  }
0xda: {  	_ =	swait.ge [sflag:s24], $0x800  }
0xdb: {  	[sflag:s24] =	ssyncset.done $0x0  }
0xdc: {  	[sflag:s24] =	ssyncadd.s32 $0xFFFFF800  }
0xdd: {  	[spmem:s2] =	stream.indirect.scatter.add.f32 [tilespmem:s19], [sflag:$0x8], $0x80, s17, s18, $0xb8;
	[tilespmem:$0x1ED00] =	vst v63  }
0xde: {  	_ =	swait.ge [sflag:s24], $0x800  }
0xdf: {  	[sflag:s24] =	ssyncset.done $0x0  }
0xe0: {  	[sflag:s24] =	ssyncadd.s32 $0xFFFFF800  }
0xe1: {  	[spmem:s3] =	stream.indirect.scatter.add.f32 [tilespmem:s6], [sflag:$0x8], $0x1, s17, s18, $0xb8;
	[tilespmem:$0x1ED00] =	vst v63  }
0xe2: {  	_ =	swait.ge [sflag:s24], $0x10  }
0xe3: {  	[sflag:s24] =	ssyncset.done $0x0  }
0xe4: {  	s13 =	sadd.s32 @p3 $0x25080, s16;
	[sflag:s24] =	ssyncadd.s32 $0xFFFFFFF0  }
0xe5: {  	s15 =	sshrl.u32 @p3 s10, $0x3;
	s19 =	simm.s32 @p3 $0x1FC8;
	[bflag:$0x0] =	sbarrier.arrive $0xFFFF  }
0xe6: {  	[hbm:s13], [sflag:s19] =	dma.local @p3 [spmem:s15], $0x2080  }
0xe7: {  	s13 =	simm.s32 @p3 $0x8  }
0xe8: {  	_ =	swait.ge @p3 [sflag:s13], $0x2080  }
0xe9: {  	[sflag:s13] =	ssyncset.done @p3 $0x0  }
0xea: {  	s15 =	rddreg [dreg:$0x7];
	[sflag:s13] =	ssyncadd.s32 @p3 $0xFFFFDF80;
	s13 =	sshll.u32 @!p3 s5, $0x6  }
0xeb: {  	s19 =	sshrl.u32 @!p3 s8, $0x3;
	s15 =	sadd.s32 @!p3 s15, s16;
	s13 =	sor.u32 @!p3 $0x1C08, s13  }
0xec: {  	[hbm:s15], [sflag:s13] =	dma.local @!p3 [spmem:s19], $0x2780  }
0xed: {  	s13 =	simm.s32 @!p3 $0x8  }
0xee: {  	_ =	swait.ge @!p3 [sflag:s13], $0x2780  }
0xef: {  	s15 =	sshll.u32 @p4 s5, $0x6;
	[sflag:s13] =	ssyncset.done @!p3 $0x0;
	s19 =	rddreg [dreg:$0xe]  }
0xf0: {  	[sflag:s13] =	ssyncadd.s32 @!p3 $0xFFFFD880;
	s13 =	sor.u32 @p4 $0x1C08, s15;
	s15 =	sshrl.u32 @p4 s3, $0x3  }
0xf1: {  	[hbm:s19], [sflag:s13] =	dma.local @p4 [spmem:s15], $0x500  }
0xf2: {  	s13 =	simm.s32 @p4 $0x8  }
0xf3: {  	_ =	swait.ge @p4 [sflag:s13], $0x500  }
0xf4: {  	s20 =	sadd.s32 $0x1, s20;
	s21 =	rddreg [dreg:$0xf]  }
0xf5: {  	p5 =	sne.s32 s20, s21  }
.Ltmp1:
0xf6: {  	_ = 	snop;
	(pc) =	sbr.rel @p5 .LBB2_1-.Ltmp1, $3  }
0xf7: {  	_ =	sdelay $0x1  }
0xf8: {  	[sflag:s13] =	ssyncset.done @p4 $0x0  }
0xf9: {  	[sflag:s13] =	ssyncadd.s32 @p4 $0xFFFFFB00  }
0xfa: {  	_ =	sfence.sel $0x180000  }
0xfb: {  	[bflag:$0x0] =	sbarrier.arrive $0xFFFF  }
0xfc: {  	_ =	strace $0x90000047  }
0xfd: {  	[bflag:$0x2] =	sbarrier.arrive $0xFFFF  }
0xfe: {  	p0 =	sne.s32 s5, $0x0;
	s0 =	rddreg [dreg:$0x5]  }
0xff: {  	s0 =	sadd.s32 @!p0 $0x100000, s0  }
0x100: {  	[sflag:s0] =	ssyncadd.tile.s32 @!p0 $0x1;
	_ =	shalt  }
.Lfunc_end2:
_tile_overlayer_lowered:
.L_overlay_start_2:
0x101: {  	(tag) =	ssettag $0x2  }
0x102: {  	s0 =	rddreg [dreg:$0x0];
	s2 =	stileid.u32  }
0x103: {  	s1 =	rddreg [dreg:$0x1];
	p0 =	sne.s32 s2, $0x0  }
0x104: {  	s3 =	rddreg [dreg:$0x2];
	[bflag:$0x3] =	sbarrier.arrive $0xFFFF;
	s2 =	simm.s32 @!p0 $0x1C08  }
0x105: {  	[timem:s3], [sflag:s2] =	dma.local @!p0 [hbm:s0], s1  }
0x106: {  	s0 =	simm.s32 @!p0 $0x8  }
0x107: {  	_ =	swait.ge @!p0 [sflag:s0], s1  }
0x108: {  	s1 =	ssub.s32 @!p0 $0x0, s1;
	[sflag:s0] =	ssyncset.done @!p0 $0x0  }
0x109: {  	[sflag:s0] =	ssyncadd.s32 @!p0 s1  }
0x10a: {  	[bflag:$0x3] =	sbarrier.arrive $0xFFFF  }
0x10b: {  	_ =	shalt  }

</sc_bundles>
